<compile_context>
chip_gen: v7x
topology: tpu7x:2x2x1
jax: 0.10.2.dev20260603
libtpu: 0.0.44.dev20260713+nightly
codegen_flags: <defaults>
</compile_context>

<pallas_src>
import functools

import jax
import jax.numpy as jnp
from jax import lax
from jax.experimental import pallas as pl
from jax.experimental.pallas import tpu as pltpu
from jax.experimental.pallas import tpu_sc as plsc

B, S, H = 1, 2048, 1024
NH, NKV, HD = 16, 4, 128
E, K, I = 16, 2, 512
EPS = 1e-6
T = B * S
A = T * K
BM = 256
PT = A + E * BM
NBLK = PT // BM
TM = 256
NT = T // TM
CH = 256
F32 = jnp.float32
BF16 = jnp.bfloat16


def _rms(x, w):
    v = jnp.mean(jnp.square(x), axis=-1, keepdims=True)
    return x * lax.rsqrt(v + EPS) * w


def _qkv_body(hs_ref, cos_ref, sin_ref, ln1_ref, qn_ref, kn_ref,
              qw_ref, kw_ref, vw_ref, q_ref, k_ref, v_ref):
    x = hs_ref[...]
    xn = _rms(x, ln1_ref[...]).astype(BF16)
    cos = cos_ref[...]
    sin = sin_ref[...]
    qnw = qn_ref[...]
    knw = kn_ref[...]

    def head_norm_rope(mat, w, scale):
        outs = []
        nh = mat.shape[1] // HD
        for h in range(nh):
            m = mat[:, h * HD:(h + 1) * HD]
            mn = _rms(m, w) * scale
            rot = jnp.concatenate([-mn[:, HD // 2:], mn[:, :HD // 2]], axis=1)
            outs.append((mn * cos + rot * sin).astype(BF16))
        return jnp.concatenate(outs, axis=1)

    dn = (((1,), (1,)), ((), ()))
    q = lax.dot_general(xn, qw_ref[...].astype(BF16), dn, preferred_element_type=F32)
    k = lax.dot_general(xn, kw_ref[...].astype(BF16), dn, preferred_element_type=F32)
    v = lax.dot_general(xn, vw_ref[...].astype(BF16), dn, preferred_element_type=F32)
    q_ref[...] = head_norm_rope(q, qnw, HD ** -0.5)
    k_ref[...] = head_norm_rope(k, knw, 1.0)
    v_ref[...] = v.astype(BF16)


def _qkv(hs, cos, sin, ln1, qn, kn, qw, kw, vw):
    return pl.pallas_call(
        _qkv_body,
        grid=(NT,),
        in_specs=[
            pl.BlockSpec((TM, H), lambda i: (i, 0)),
            pl.BlockSpec((TM, HD), lambda i: (i, 0)),
            pl.BlockSpec((TM, HD), lambda i: (i, 0)),
            pl.BlockSpec((1, H), lambda i: (0, 0)),
            pl.BlockSpec((1, HD), lambda i: (0, 0)),
            pl.BlockSpec((1, HD), lambda i: (0, 0)),
            pl.BlockSpec((NH * HD, H), lambda i: (0, 0)),
            pl.BlockSpec((NKV * HD, H), lambda i: (0, 0)),
            pl.BlockSpec((NKV * HD, H), lambda i: (0, 0)),
        ],
        out_specs=[
            pl.BlockSpec((TM, NH * HD), lambda i: (i, 0)),
            pl.BlockSpec((TM, NKV * HD), lambda i: (i, 0)),
            pl.BlockSpec((TM, NKV * HD), lambda i: (i, 0)),
        ],
        out_shape=[
            jax.ShapeDtypeStruct((T, NH * HD), BF16),
            jax.ShapeDtypeStruct((T, NKV * HD), BF16),
            jax.ShapeDtypeStruct((T, NKV * HD), BF16),
        ],
    )(hs, cos, sin, ln1, qn, kn, qw, kw, vw)


TMA = 1024
NTA = S // TMA
TK = 1024
_CPB = TK // TMA


def _attn_body(q_ref, k_ref, v_ref, o_ref):
    i = pl.program_id(1)
    qb = q_ref[...]
    nfull = i // _CPB

    def chunk(c, carry):
        acc, l = carry
        kb = k_ref[pl.ds(c * TK, TK), :]
        s = lax.dot_general(qb, kb, (((1,), (1,)), ((), ())),
                            preferred_element_type=F32)
        p = jnp.exp(s)
        l = l + jnp.sum(p, axis=1, keepdims=True)
        vb = v_ref[pl.ds(c * TK, TK), :]
        acc = acc + jnp.dot(p.astype(BF16), vb, preferred_element_type=F32)
        return acc, l

    acc, l = lax.fori_loop(
        0, nfull, chunk,
        (jnp.zeros((TMA, HD), F32), jnp.zeros((TMA, 1), F32)))

    kb = k_ref[pl.ds(nfull * TK, TK), :]
    s = lax.dot_general(qb, kb, (((1,), (1,)), ((), ())),
                        preferred_element_type=F32)
    row = lax.broadcasted_iota(jnp.int32, (TMA, TK), 0) + i * TMA
    col = lax.broadcasted_iota(jnp.int32, (TMA, TK), 1) + nfull * TK
    p = jnp.where(col <= row, jnp.exp(s), 0.0)
    l = l + jnp.sum(p, axis=1, keepdims=True)
    vb = v_ref[pl.ds(nfull * TK, TK), :]
    acc = acc + jnp.dot(p.astype(BF16), vb, preferred_element_type=F32)
    o_ref[...] = (acc / l).astype(BF16)


def _attn(q, k, v):
    return pl.pallas_call(
        _attn_body,
        grid=(NH, NTA),
        in_specs=[
            pl.BlockSpec((TMA, HD), lambda h, i: (i, h)),
            pl.BlockSpec((S, HD), lambda h, i: (0, h // (NH // NKV))),
            pl.BlockSpec((S, HD), lambda h, i: (0, h // (NH // NKV))),
        ],
        out_specs=pl.BlockSpec((TMA, HD), lambda h, i: (i, h)),
        out_shape=jax.ShapeDtypeStruct((T, NH * HD), BF16),
    )(q, k, v)


def _oproj_body(ctx_ref, ow_ref, res_ref, out_ref):
    a = lax.dot_general(ctx_ref[...], ow_ref[...].astype(BF16),
                        (((1,), (1,)), ((), ())), preferred_element_type=F32)
    out_ref[...] = a + res_ref[...]


def _oproj(ctx, ow, res):
    return pl.pallas_call(
        _oproj_body,
        grid=(NT,),
        in_specs=[
            pl.BlockSpec((TM, NH * HD), lambda i: (i, 0)),
            pl.BlockSpec((H, NH * HD), lambda i: (0, 0)),
            pl.BlockSpec((TM, H), lambda i: (i, 0)),
        ],
        out_specs=pl.BlockSpec((TM, H), lambda i: (i, 0)),
        out_shape=jax.ShapeDtypeStruct((T, H), F32),
    )(ctx, ow, res)


def _router_body(h_ref, ln2_ref, rw_ref, xn_ref, ew_ref, dst_ref, be_ref,
                 carry_ref, ei_scr, rank_scr):
    i = pl.program_id(0)

    @pl.when(i == 0)
    def _():
        carry_ref[...] = jnp.zeros((8, E), F32)

    xn = _rms(h_ref[...], ln2_ref[...])
    xn_ref[...] = xn
    logits = lax.dot_general(xn, rw_ref[...], (((1,), (1,)), ((), ())),
                             preferred_element_type=F32)
    lm = jnp.max(logits, axis=1, keepdims=True)
    ex = jnp.exp(logits - lm)
    p = ex / jnp.sum(ex, axis=1, keepdims=True)
    idx = lax.broadcasted_iota(jnp.int32, (TM, E), 1)
    m1 = jnp.max(p, axis=1, keepdims=True)
    i1 = jnp.min(jnp.where(p == m1, idx, E), axis=1, keepdims=True)
    p2 = jnp.where(idx == i1, -1.0, p)
    m2 = jnp.max(p2, axis=1, keepdims=True)
    i2 = jnp.min(jnp.where(p2 == m2, idx, E), axis=1, keepdims=True)
    ssum = m1 + m2
    ew_ref[...] = jnp.concatenate([m1 / ssum, m2 / ssum], axis=1)

    oh1 = (idx == i1).astype(BF16)
    oh2 = (idx == i2).astype(BF16)
    sl = (lax.broadcasted_iota(jnp.int32, (TM, TM), 0)
          > lax.broadcasted_iota(jnp.int32, (TM, TM), 1)).astype(BF16)
    cum = lax.dot_general(sl, oh1 + oh2, (((1,), (0,)), ((), ())),
                          preferred_element_type=F32)
    carry_row = carry_ref[0:1, :]
    tot = cum + carry_row
    rank1 = jnp.sum(tot * oh1.astype(F32), axis=1, keepdims=True)
    rank2 = jnp.sum(tot * oh2.astype(F32), axis=1, keepdims=True)
    ei_scr[pl.ds(i * TM, TM), :] = jnp.concatenate([i1, i2], axis=1)
    rank_scr[pl.ds(i * TM, TM), :] = jnp.concatenate([rank1, rank2], axis=1)
    newc = carry_row + jnp.sum(oh1.astype(F32) + oh2.astype(F32), axis=0,
                               keepdims=True)
    carry_ref[0:1, :] = newc

    @pl.when(i == NT - 1)
    def _():
        offs = []
        run = 0.0
        for e in range(E):
            offs.append(run)
            c = newc[0, e]
            run = run + jnp.floor((c + (BM - 1)) / BM) * BM
        ei_all = ei_scr[...]
        acc = jnp.zeros((T, K), F32)
        for e in range(E):
            acc += jnp.where(ei_all == e, offs[e], 0.0)
        dst_ref[...] = (acc + rank_scr[...]).astype(jnp.int32)
        bs = (lax.broadcasted_iota(jnp.int32, (8, 128), 1) * BM).astype(F32)
        cnt_ge = jnp.zeros((8, 128), F32)
        for e in range(E):
            cnt_ge += jnp.where(bs >= offs[e], 1.0, 0.0)
        be_ref[...] = jnp.clip(cnt_ge - 1.0, 0.0, E - 1.0).astype(jnp.int32)


def _router(hid, ln2, rw):
    return pl.pallas_call(
        _router_body,
        grid=(NT,),
        in_specs=[
            pl.BlockSpec((TM, H), lambda i: (i, 0)),
            pl.BlockSpec((1, H), lambda i: (0, 0)),
            pl.BlockSpec((E, H), lambda i: (0, 0)),
        ],
        out_specs=[
            pl.BlockSpec((TM, H), lambda i: (i, 0)),
            pl.BlockSpec((TM, K), lambda i: (i, 0)),
            pl.BlockSpec((T, K), lambda i: (0, 0)),
            pl.BlockSpec((8, 128), lambda i: (0, 0)),
        ],
        out_shape=[
            jax.ShapeDtypeStruct((T, H), F32),
            jax.ShapeDtypeStruct((T, K), F32),
            jax.ShapeDtypeStruct((T, K), jnp.int32),
            jax.ShapeDtypeStruct((8, 128), jnp.int32),
        ],
        scratch_shapes=[
            pltpu.VMEM((8, E), F32),
            pltpu.VMEM((T, K), jnp.int32),
            pltpu.VMEM((T, K), F32),
        ],
    )(hid, ln2, rw)


@functools.cache
def _sc_mesh():
    return plsc.VectorSubcoreMesh(core_axis_name="c", subcore_axis_name="s",
                                  num_cores=2, num_subcores=16)


def _scatter_body(dst_hbm, src_hbm, dst_v, src_v):
    cid = lax.axis_index("c")
    sid = lax.axis_index("s")

    @pl.when(jnp.logical_and(cid == 0, sid == 0))
    def _():
        pltpu.sync_copy(dst_hbm, dst_v)

        def init(i, _):
            s = i * 16 + lax.iota(jnp.int32, 16)
            src_v[pl.ds(i * 16, 16)] = lax.bitwise_and(s, T - 1)
            return 0
        lax.fori_loop(0, PT // 16, init, 0)

        def scat(i, _):
            d = dst_v[pl.ds(i * 16, 16)]
            a = i * 16 + lax.iota(jnp.int32, 16)
            plsc.store_scatter(src_v, [d], a // K)
            return 0
        lax.fori_loop(0, A // 16, scat, 0)
        pltpu.sync_copy(src_v, src_hbm)


def _scatter(dst_flat):
    f = pl.kernel(
        _scatter_body,
        out_type=jax.ShapeDtypeStruct((PT,), jnp.int32),
        mesh=_sc_mesh(),
        compiler_params=pltpu.CompilerParams(needs_layout_passes=False),
        scratch_types=[
            pltpu.VMEM((A,), jnp.int32),
            pltpu.VMEM((PT,), jnp.int32),
        ],
    )
    return f(dst_flat)


def _make_gather(nidx, chunk):
    rows_per = nidx // 32
    nch = rows_per // chunk
    assert nidx % (8 * 32) == 0 and rows_per % chunk == 0 and chunk % 8 == 0

    def body(tab_hbm, idx_hbm, out_hbm, idx_v, rows_v, sem):
        wid = lax.axis_index("s") * 2 + lax.axis_index("c")
        base = wid * rows_per
        pltpu.sync_copy(idx_hbm.at[pl.ds(base, rows_per)], idx_v)
        for c in range(nch):
            pltpu.async_copy(tab_hbm.at[idx_v.at[pl.ds(c * chunk, chunk)]],
                             rows_v, sem).wait()
            pltpu.sync_copy(rows_v, out_hbm.at[pl.ds(base + c * chunk, chunk)])

    def run(table, idx):
        f = pl.kernel(
            body,
            out_type=jax.ShapeDtypeStruct((nidx, H), F32),
            mesh=_sc_mesh(),
            scratch_types=[
                pltpu.VMEM((rows_per,), jnp.int32),
                pltpu.VMEM((chunk, H), F32),
                pltpu.SemaphoreType.DMA,
            ],
        )
        return f(table, idx)

    return run


_gather_x = _make_gather(PT, 64)
_gather_y = _make_gather(A, 64)


def _moe_body(be_ref, xs_ref, g_ref, u_ref, d_ref, ys_ref):
    xb = xs_ref[...].astype(BF16)
    dn = (((1,), (1,)), ((), ()))
    g = lax.dot_general(xb, g_ref[0].astype(BF16), dn, preferred_element_type=F32)
    u = lax.dot_general(xb, u_ref[0].astype(BF16), dn, preferred_element_type=F32)
    act = g * (1.0 / (1.0 + jnp.exp(-g))) * u
    ys_ref[...] = lax.dot_general(act.astype(BF16), d_ref[0].astype(BF16), dn,
                                  preferred_element_type=F32)


def _moe_gemm(be, xs, gate, up, down):
    grid_spec = pltpu.PrefetchScalarGridSpec(
        num_scalar_prefetch=1,
        grid=(NBLK,),
        in_specs=[
            pl.BlockSpec((BM, H), lambda b, be: (b, 0)),
            pl.BlockSpec((1, I, H), lambda b, be: (be[b], 0, 0)),
            pl.BlockSpec((1, I, H), lambda b, be: (be[b], 0, 0)),
            pl.BlockSpec((1, H, I), lambda b, be: (be[b], 0, 0)),
        ],
        out_specs=pl.BlockSpec((BM, H), lambda b, be: (b, 0)),
    )
    return pl.pallas_call(
        _moe_body,
        grid_spec=grid_spec,
        out_shape=jax.ShapeDtypeStruct((PT, H), F32),
    )(be, xs, gate, up, down)


def _combine_body(h_ref, yg_ref, ew_ref, out_ref):
    yg = yg_ref[...]
    y1 = yg[:, :H]
    y2 = yg[:, H:]
    ew = ew_ref[...]
    out_ref[...] = h_ref[...] + ew[:, 0:1] * y1 + ew[:, 1:2] * y2


def _combine(hid, yg2, ew):
    return pl.pallas_call(
        _combine_body,
        grid=(NT,),
        in_specs=[
            pl.BlockSpec((TM, H), lambda i: (i, 0)),
            pl.BlockSpec((TM, K * H), lambda i: (i, 0)),
            pl.BlockSpec((TM, K), lambda i: (i, 0)),
        ],
        out_specs=pl.BlockSpec((TM, H), lambda i: (i, 0)),
        out_shape=jax.ShapeDtypeStruct((T, H), F32),
    )(hid, yg2, ew)


def kernel(hidden_states, cos, sin, ln1_w, ln2_w, q_norm_w, k_norm_w,
           q_w, k_w, v_w, o_w, router_w, gate_proj, up_proj, down_proj):
    hs = hidden_states.reshape(T, H)
    cos2 = cos.reshape(T, HD)
    sin2 = sin.reshape(T, HD)
    ln1 = ln1_w.reshape(1, H)
    ln2 = ln2_w.reshape(1, H)
    qn = q_norm_w.reshape(1, HD)
    kn = k_norm_w.reshape(1, HD)

    q, k, v = _qkv(hs, cos2, sin2, ln1, qn, kn, q_w, k_w, v_w)
    ctx = _attn(q, k, v)
    hid = _oproj(ctx, o_w, hs)

    xn, ew, dst, be_full = _router(hid, ln2, router_w)
    dst_flat = dst.reshape(A)
    be = be_full.reshape(-1)[:NBLK]

    src = _scatter(dst_flat)
    xs = _gather_x(xn, src)
    ys = _moe_gemm(be, xs, gate_proj, up_proj, down_proj)
    yg = _gather_y(ys, dst_flat)
    out = _combine(hid, yg.reshape(T, K * H), ew)
    return out.reshape(B, S, H)

# --- scband reference (transcript-rebuilt; emitter-appended) ---
"""Pipeline reference for scband-qwen3-moe-decoder-layer-4260607558197 (READ-ONLY COPY).

The authoritative reference and input builder live on the scoring server;
editing this copy changes nothing except your own understanding.
"""

import jax, jax.numpy as jnp
import numpy as np

B, S, H = 1, 2048, 1024
NH, NKV, HD = 16, 4, 128
E, K, I = 16, 2, 512
EPS = 1e-6
NREP = NH // NKV


def _rms_norm(x, w):
    v = jnp.mean(jnp.square(x.astype(jnp.float32)), axis=-1, keepdims=True)
    return (x.astype(jnp.float32) * jax.lax.rsqrt(v + EPS)).astype(x.dtype) * w


def _rotate_half(x):
    x1 = x[..., : HD // 2]
    x2 = x[..., HD // 2 :]
    return jnp.concatenate([-x2, x1], axis=-1)


def setup_inputs(seed: int = 0) -> dict:
    key = jax.random.key(seed)
    ks = jax.random.split(key, 12)
    hidden_states = jax.random.normal(ks[0], (B, S, H), dtype=jnp.float32)
    # rotary position embeddings (rope_theta = 1e6, Qwen3-MoE style)
    inv_freq = 1.0 / (1000000.0 ** (np.arange(0, HD, 2, dtype=np.float64) / HD))
    freqs = np.outer(np.arange(S, dtype=np.float64), inv_freq)
    emb = np.concatenate([freqs, freqs], axis=-1)
    cos = jnp.asarray(np.broadcast_to(np.cos(emb)[None], (B, S, HD)), dtype=jnp.float32)
    sin = jnp.asarray(np.broadcast_to(np.sin(emb)[None], (B, S, HD)), dtype=jnp.float32)
    std = 0.02
    return {
        'hidden_states': hidden_states,
        'cos': cos,
        'sin': sin,
        'ln1_w': jnp.ones((H,), jnp.float32),
        'ln2_w': jnp.ones((H,), jnp.float32),
        'q_norm_w': jnp.ones((HD,), jnp.float32),
        'k_norm_w': jnp.ones((HD,), jnp.float32),
        'q_w': std * jax.random.normal(ks[1], (NH * HD, H), jnp.float32),
        'k_w': std * jax.random.normal(ks[2], (NKV * HD, H), jnp.float32),
        'v_w': std * jax.random.normal(ks[3], (NKV * HD, H), jnp.float32),
        'o_w': std * jax.random.normal(ks[4], (H, NH * HD), jnp.float32),
        'router_w': std * jax.random.normal(ks[5], (E, H), jnp.float32),
        'gate_proj': std * jax.random.normal(ks[6], (E, I, H), jnp.float32),
        'up_proj': std * jax.random.normal(ks[7], (E, I, H), jnp.float32),
        'down_proj': std * jax.random.normal(ks[8], (E, H, I), jnp.float32),
    }


def reference(hidden_states, cos, sin, ln1_w, ln2_w, q_norm_w, k_norm_w,
              q_w, k_w, v_w, o_w, router_w, gate_proj, up_proj, down_proj):
    # ---- self attention block ----
    residual = hidden_states
    x = _rms_norm(hidden_states, ln1_w)
    q = (x @ q_w.T).reshape(B, S, NH, HD)
    k = (x @ k_w.T).reshape(B, S, NKV, HD)
    v = (x @ v_w.T).reshape(B, S, NKV, HD)
    # Qwen3 per-head q/k RMSNorm before rotary
    q = _rms_norm(q, q_norm_w).transpose(0, 2, 1, 3)
    k = _rms_norm(k, k_norm_w).transpose(0, 2, 1, 3)
    v = v.transpose(0, 2, 1, 3)
    cos_b = cos[:, None, :, :]
    sin_b = sin[:, None, :, :]
    q = q * cos_b + _rotate_half(q) * sin_b
    k = k * cos_b + _rotate_half(k) * sin_b
    # GQA: repeat kv heads
    k = jnp.repeat(k, NREP, axis=1)
    v = jnp.repeat(v, NREP, axis=1)
    scale = HD ** -0.5
    scores = jnp.einsum('bhqd,bhkd->bhqk', q, k) * scale
    causal = jnp.tril(jnp.ones((S, S), dtype=bool))
    scores = jnp.where(causal[None, None], scores, jnp.finfo(jnp.float32).min)
    probs = jax.nn.softmax(scores.astype(jnp.float32), axis=-1).astype(q.dtype)
    ctx = jnp.einsum('bhqk,bhkd->bhqd', probs, v)
    ctx = ctx.transpose(0, 2, 1, 3).reshape(B, S, NH * HD)
    attn_out = ctx @ o_w.T
    hidden = residual + attn_out

    # ---- sparse MoE block ----
    residual = hidden
    x = _rms_norm(hidden, ln2_w)
    xf = x.reshape(-1, H)  # [T, H]
    router_logits = xf @ router_w.T
    routing_probs = jax.nn.softmax(router_logits.astype(jnp.float32), axis=-1)
    top_w, top_i = jax.lax.top_k(routing_probs, K)
    top_w = top_w / jnp.sum(top_w, axis=-1, keepdims=True)  # norm_topk_prob
    out = jnp.zeros_like(xf)
    for e in range(E):
        cw = jnp.sum(jnp.where(top_i == e, top_w, 0.0), axis=-1)  # [T]
        g = xf @ gate_proj[e].T
        u = xf @ up_proj[e].T
        f = (jax.nn.silu(g) * u) @ down_proj[e].T
        out = out + cw[:, None].astype(xf.dtype) * f
    hidden = residual + out.reshape(B, S, H)
    return hidden

if __name__ == "__main__":
    import jax
    _d = setup_inputs()
    print(jax.jit(kernel)(*tuple(_d.values())))

</pallas_src>

<mosaic_0001>
#map = affine_map<(d0, d1) -> (0, 0)>
#map1 = affine_map<(d0, d1) -> (0)>
module attributes {stable_mosaic.version = 14 : i64} {
  func.func @body(%arg0: i32, %arg1: i32, %arg2: memref<2048x1024xf32, #tpu.memory_space<hbm>>, %arg3: memref<8192xi32, #tpu.memory_space<hbm>>, %arg4: memref<8192x1024xf32, #tpu.memory_space<hbm>>, %arg5: memref<256xi32, #tpu.memory_space<vmem>>, %arg6: memref<64x1024xf32, #tpu.memory_space<vmem>>, %arg7: memref<!tpu.dma_semaphore, #tpu.memory_space<semaphore_mem>>) attributes {dimension_semantics = [#tpu.dimension_semantics<core_parallel>, #tpu.dimension_semantics<subcore_parallel>], iteration_bounds = array<i64: 2, 16>, scalar_prefetch = 0 : i64, scratch_operands = 3 : i64, tpu.core_type = #tpu.core_type<sc_vector_subcore>, window_params = [{transform_indices = #map}, {transform_indices = #map1}, {transform_indices = #map}]} {
    %mul3A = arith.constant 2 : i32
    %mul3A_0 = arith.muli %arg1, %mul3A : i32
    %add3A = arith.addi %mul3A_0, %arg0 : i32
    %mul3A_1 = arith.constant 256 : i32
    %mul3A_2 = arith.muli %add3A, %mul3A_1 : i32
    "tpu.region"() ({
      %run_scoped3A = tpu.sem_alloc : memref<!tpu.dma_semaphore, #tpu.memory_space<semaphore_mem>>
      %dma_start3A_49 = tpu.memref_slice %arg3[%mul3A_2] : memref<8192xi32, #tpu.memory_space<hbm>> -> memref<256xi32, #tpu.memory_space<hbm>>
      %dma_start3A_50 = tpu.memref_slice %arg3[%mul3A_2] : memref<8192xi32, #tpu.memory_space<hbm>> -> memref<256xi32, #tpu.memory_space<hbm>>
      tpu.enqueue_dma source(%dma_start3A_50 : memref<256xi32, #tpu.memory_space<hbm>>) target(%arg5 : memref<256xi32, #tpu.memory_space<vmem>>) target_semaphore(%run_scoped3A : memref<!tpu.dma_semaphore, #tpu.memory_space<semaphore_mem>>)
      %dma_wait3A_51 = tpu.memref_slice %arg3[%mul3A_2] : memref<8192xi32, #tpu.memory_space<hbm>> -> memref<256xi32, #tpu.memory_space<hbm>>
      %dma_wait3A_52 = tpu.memref_slice %arg3[%mul3A_2] : memref<8192xi32, #tpu.memory_space<hbm>> -> memref<256xi32, #tpu.memory_space<hbm>>
      tpu.wait_dma2 semaphore(%run_scoped3A : memref<!tpu.dma_semaphore, #tpu.memory_space<semaphore_mem>>) src(%dma_wait3A_52 : memref<256xi32, #tpu.memory_space<hbm>>) dst(%arg5 : memref<256xi32, #tpu.memory_space<vmem>>)
      tpu.yield
    }) : () -> ()
    %dma_start3A = arith.constant 0 : i32
    %dma_start3A_3 = tpu.memref_slice %arg5[%dma_start3A] : memref<256xi32, #tpu.memory_space<vmem>> -> memref<64xi32, #tpu.memory_space<vmem>>
    %dma_start3A_4 = arith.constant 0 : i32
    %dma_start3A_5 = arith.constant 0 : i32
    %dma_start3A_6 = tpu.memref_slice %arg2[%dma_start3A_4, %dma_start3A_5] : memref<2048x1024xf32, #tpu.memory_space<hbm>> -> memref<2048x1024xf32, #tpu.memory_space<hbm>>
    tpu.enqueue_indirect_dma source(%dma_start3A_6 : memref<2048x1024xf32, #tpu.memory_space<hbm>>) target(%arg6 : memref<64x1024xf32, #tpu.memory_space<vmem>>) offsets(%dma_start3A_3 : memref<64xi32, #tpu.memory_space<vmem>>) semaphore(%arg7 : memref<!tpu.dma_semaphore, #tpu.memory_space<semaphore_mem>>)
    %dma_wait3A = arith.constant 0 : i32
    %dma_wait3A_7 = tpu.memref_slice %arg5[%dma_wait3A] : memref<256xi32, #tpu.memory_space<vmem>> -> memref<64xi32, #tpu.memory_space<vmem>>
    %dma_wait3A_8 = arith.constant 0 : i32
    %dma_wait3A_9 = arith.constant 0 : i32
    %dma_wait3A_10 = tpu.memref_slice %arg2[%dma_wait3A_8, %dma_wait3A_9] : memref<2048x1024xf32, #tpu.memory_space<hbm>> -> memref<2048x1024xf32, #tpu.memory_space<hbm>>
    tpu.wait_indirect_dma semaphore(%arg7 : memref<!tpu.dma_semaphore, #tpu.memory_space<semaphore_mem>>) src(%dma_wait3A_10 : memref<2048x1024xf32, #tpu.memory_space<hbm>>) dst(%arg6 : memref<64x1024xf32, #tpu.memory_space<vmem>>)
    %add3A_11 = arith.constant 0 : i32
    %add3A_12 = arith.addi %mul3A_2, %add3A_11 : i32
    "tpu.region"() ({
      %run_scoped3A = tpu.sem_alloc : memref<!tpu.dma_semaphore, #tpu.memory_space<semaphore_mem>>
      %dma_start3A_49 = arith.constant 0 : i32
      %dma_start3A_50 = tpu.memref_slice %arg4[%add3A_12, %dma_start3A_49] : memref<8192x1024xf32, #tpu.memory_space<hbm>> -> memref<64x1024xf32, #tpu.memory_space<hbm>>
      %dma_start3A_51 = arith.constant 0 : i32
      %dma_start3A_52 = tpu.memref_slice %arg4[%add3A_12, %dma_start3A_51] : memref<8192x1024xf32, #tpu.memory_space<hbm>> -> memref<64x1024xf32, #tpu.memory_space<hbm>>
      tpu.enqueue_dma source(%arg6 : memref<64x1024xf32, #tpu.memory_space<vmem>>) target(%dma_start3A_52 : memref<64x1024xf32, #tpu.memory_space<hbm>>) target_semaphore(%run_scoped3A : memref<!tpu.dma_semaphore, #tpu.memory_space<semaphore_mem>>)
      %dma_wait3A_53 = arith.constant 0 : i32
      %dma_wait3A_54 = tpu.memref_slice %arg4[%add3A_12, %dma_wait3A_53] : memref<8192x1024xf32, #tpu.memory_space<hbm>> -> memref<64x1024xf32, #tpu.memory_space<hbm>>
      %dma_wait3A_55 = arith.constant 0 : i32
      %dma_wait3A_56 = tpu.memref_slice %arg4[%add3A_12, %dma_wait3A_55] : memref<8192x1024xf32, #tpu.memory_space<hbm>> -> memref<64x1024xf32, #tpu.memory_space<hbm>>
      tpu.wait_dma2 semaphore(%run_scoped3A : memref<!tpu.dma_semaphore, #tpu.memory_space<semaphore_mem>>) src(%arg6 : memref<64x1024xf32, #tpu.memory_space<vmem>>) dst(%dma_wait3A_56 : memref<64x1024xf32, #tpu.memory_space<hbm>>)
      tpu.yield
    }) : () -> ()
    %dma_start3A_13 = arith.constant 64 : i32
    %dma_start3A_14 = tpu.memref_slice %arg5[%dma_start3A_13] : memref<256xi32, #tpu.memory_space<vmem>> -> memref<64xi32, #tpu.memory_space<vmem>>
    %dma_start3A_15 = arith.constant 0 : i32
    %dma_start3A_16 = arith.constant 0 : i32
    %dma_start3A_17 = tpu.memref_slice %arg2[%dma_start3A_15, %dma_start3A_16] : memref<2048x1024xf32, #tpu.memory_space<hbm>> -> memref<2048x1024xf32, #tpu.memory_space<hbm>>
    tpu.enqueue_indirect_dma source(%dma_start3A_17 : memref<2048x1024xf32, #tpu.memory_space<hbm>>) target(%arg6 : memref<64x1024xf32, #tpu.memory_space<vmem>>) offsets(%dma_start3A_14 : memref<64xi32, #tpu.memory_space<vmem>>) semaphore(%arg7 : memref<!tpu.dma_semaphore, #tpu.memory_space<semaphore_mem>>)
    %dma_wait3A_18 = arith.constant 64 : i32
    %dma_wait3A_19 = tpu.memref_slice %arg5[%dma_wait3A_18] : memref<256xi32, #tpu.memory_space<vmem>> -> memref<64xi32, #tpu.memory_space<vmem>>
    %dma_wait3A_20 = arith.constant 0 : i32
    %dma_wait3A_21 = arith.constant 0 : i32
    %dma_wait3A_22 = tpu.memref_slice %arg2[%dma_wait3A_20, %dma_wait3A_21] : memref<2048x1024xf32, #tpu.memory_space<hbm>> -> memref<2048x1024xf32, #tpu.memory_space<hbm>>
    tpu.wait_indirect_dma semaphore(%arg7 : memref<!tpu.dma_semaphore, #tpu.memory_space<semaphore_mem>>) src(%dma_wait3A_22 : memref<2048x1024xf32, #tpu.memory_space<hbm>>) dst(%arg6 : memref<64x1024xf32, #tpu.memory_space<vmem>>)
    %add3A_23 = arith.constant 64 : i32
    %add3A_24 = arith.addi %mul3A_2, %add3A_23 : i32
    "tpu.region"() ({
      %run_scoped3A = tpu.sem_alloc : memref<!tpu.dma_semaphore, #tpu.memory_space<semaphore_mem>>
      %dma_start3A_49 = arith.constant 0 : i32
      %dma_start3A_50 = tpu.memref_slice %arg4[%add3A_24, %dma_start3A_49] : memref<8192x1024xf32, #tpu.memory_space<hbm>> -> memref<64x1024xf32, #tpu.memory_space<hbm>>
      %dma_start3A_51 = arith.constant 0 : i32
      %dma_start3A_52 = tpu.memref_slice %arg4[%add3A_24, %dma_start3A_51] : memref<8192x1024xf32, #tpu.memory_space<hbm>> -> memref<64x1024xf32, #tpu.memory_space<hbm>>
      tpu.enqueue_dma source(%arg6 : memref<64x1024xf32, #tpu.memory_space<vmem>>) target(%dma_start3A_52 : memref<64x1024xf32, #tpu.memory_space<hbm>>) target_semaphore(%run_scoped3A : memref<!tpu.dma_semaphore, #tpu.memory_space<semaphore_mem>>)
      %dma_wait3A_53 = arith.constant 0 : i32
      %dma_wait3A_54 = tpu.memref_slice %arg4[%add3A_24, %dma_wait3A_53] : memref<8192x1024xf32, #tpu.memory_space<hbm>> -> memref<64x1024xf32, #tpu.memory_space<hbm>>
      %dma_wait3A_55 = arith.constant 0 : i32
      %dma_wait3A_56 = tpu.memref_slice %arg4[%add3A_24, %dma_wait3A_55] : memref<8192x1024xf32, #tpu.memory_space<hbm>> -> memref<64x1024xf32, #tpu.memory_space<hbm>>
      tpu.wait_dma2 semaphore(%run_scoped3A : memref<!tpu.dma_semaphore, #tpu.memory_space<semaphore_mem>>) src(%arg6 : memref<64x1024xf32, #tpu.memory_space<vmem>>) dst(%dma_wait3A_56 : memref<64x1024xf32, #tpu.memory_space<hbm>>)
      tpu.yield
    }) : () -> ()
    %dma_start3A_25 = arith.constant 128 : i32
    %dma_start3A_26 = tpu.memref_slice %arg5[%dma_start3A_25] : memref<256xi32, #tpu.memory_space<vmem>> -> memref<64xi32, #tpu.memory_space<vmem>>
    %dma_start3A_27 = arith.constant 0 : i32
    %dma_start3A_28 = arith.constant 0 : i32
    %dma_start3A_29 = tpu.memref_slice %arg2[%dma_start3A_27, %dma_start3A_28] : memref<2048x1024xf32, #tpu.memory_space<hbm>> -> memref<2048x1024xf32, #tpu.memory_space<hbm>>
    tpu.enqueue_indirect_dma source(%dma_start3A_29 : memref<2048x1024xf32, #tpu.memory_space<hbm>>) target(%arg6 : memref<64x1024xf32, #tpu.memory_space<vmem>>) offsets(%dma_start3A_26 : memref<64xi32, #tpu.memory_space<vmem>>) semaphore(%arg7 : memref<!tpu.dma_semaphore, #tpu.memory_space<semaphore_mem>>)
    %dma_wait3A_30 = arith.constant 128 : i32
    %dma_wait3A_31 = tpu.memref_slice %arg5[%dma_wait3A_30] : memref<256xi32, #tpu.memory_space<vmem>> -> memref<64xi32, #tpu.memory_space<vmem>>
    %dma_wait3A_32 = arith.constant 0 : i32
    %dma_wait3A_33 = arith.constant 0 : i32
    %dma_wait3A_34 = tpu.memref_slice %arg2[%dma_wait3A_32, %dma_wait3A_33] : memref<2048x1024xf32, #tpu.memory_space<hbm>> -> memref<2048x1024xf32, #tpu.memory_space<hbm>>
    tpu.wait_indirect_dma semaphore(%arg7 : memref<!tpu.dma_semaphore, #tpu.memory_space<semaphore_mem>>) src(%dma_wait3A_34 : memref<2048x1024xf32, #tpu.memory_space<hbm>>) dst(%arg6 : memref<64x1024xf32, #tpu.memory_space<vmem>>)
    %add3A_35 = arith.constant 128 : i32
    %add3A_36 = arith.addi %mul3A_2, %add3A_35 : i32
    "tpu.region"() ({
      %run_scoped3A = tpu.sem_alloc : memref<!tpu.dma_semaphore, #tpu.memory_space<semaphore_mem>>
      %dma_start3A_49 = arith.constant 0 : i32
      %dma_start3A_50 = tpu.memref_slice %arg4[%add3A_36, %dma_start3A_49] : memref<8192x1024xf32, #tpu.memory_space<hbm>> -> memref<64x1024xf32, #tpu.memory_space<hbm>>
      %dma_start3A_51 = arith.constant 0 : i32
      %dma_start3A_52 = tpu.memref_slice %arg4[%add3A_36, %dma_start3A_51] : memref<8192x1024xf32, #tpu.memory_space<hbm>> -> memref<64x1024xf32, #tpu.memory_space<hbm>>
      tpu.enqueue_dma source(%arg6 : memref<64x1024xf32, #tpu.memory_space<vmem>>) target(%dma_start3A_52 : memref<64x1024xf32, #tpu.memory_space<hbm>>) target_semaphore(%run_scoped3A : memref<!tpu.dma_semaphore, #tpu.memory_space<semaphore_mem>>)
      %dma_wait3A_53 = arith.constant 0 : i32
      %dma_wait3A_54 = tpu.memref_slice %arg4[%add3A_36, %dma_wait3A_53] : memref<8192x1024xf32, #tpu.memory_space<hbm>> -> memref<64x1024xf32, #tpu.memory_space<hbm>>
      %dma_wait3A_55 = arith.constant 0 : i32
      %dma_wait3A_56 = tpu.memref_slice %arg4[%add3A_36, %dma_wait3A_55] : memref<8192x1024xf32, #tpu.memory_space<hbm>> -> memref<64x1024xf32, #tpu.memory_space<hbm>>
      tpu.wait_dma2 semaphore(%run_scoped3A : memref<!tpu.dma_semaphore, #tpu.memory_space<semaphore_mem>>) src(%arg6 : memref<64x1024xf32, #tpu.memory_space<vmem>>) dst(%dma_wait3A_56 : memref<64x1024xf32, #tpu.memory_space<hbm>>)
      tpu.yield
    }) : () -> ()
    %dma_start3A_37 = arith.constant 192 : i32
    %dma_start3A_38 = tpu.memref_slice %arg5[%dma_start3A_37] : memref<256xi32, #tpu.memory_space<vmem>> -> memref<64xi32, #tpu.memory_space<vmem>>
    %dma_start3A_39 = arith.constant 0 : i32
    %dma_start3A_40 = arith.constant 0 : i32
    %dma_start3A_41 = tpu.memref_slice %arg2[%dma_start3A_39, %dma_start3A_40] : memref<2048x1024xf32, #tpu.memory_space<hbm>> -> memref<2048x1024xf32, #tpu.memory_space<hbm>>
    tpu.enqueue_indirect_dma source(%dma_start3A_41 : memref<2048x1024xf32, #tpu.memory_space<hbm>>) target(%arg6 : memref<64x1024xf32, #tpu.memory_space<vmem>>) offsets(%dma_start3A_38 : memref<64xi32, #tpu.memory_space<vmem>>) semaphore(%arg7 : memref<!tpu.dma_semaphore, #tpu.memory_space<semaphore_mem>>)
    %dma_wait3A_42 = arith.constant 192 : i32
    %dma_wait3A_43 = tpu.memref_slice %arg5[%dma_wait3A_42] : memref<256xi32, #tpu.memory_space<vmem>> -> memref<64xi32, #tpu.memory_space<vmem>>
    %dma_wait3A_44 = arith.constant 0 : i32
    %dma_wait3A_45 = arith.constant 0 : i32
    %dma_wait3A_46 = tpu.memref_slice %arg2[%dma_wait3A_44, %dma_wait3A_45] : memref<2048x1024xf32, #tpu.memory_space<hbm>> -> memref<2048x1024xf32, #tpu.memory_space<hbm>>
    tpu.wait_indirect_dma semaphore(%arg7 : memref<!tpu.dma_semaphore, #tpu.memory_space<semaphore_mem>>) src(%dma_wait3A_46 : memref<2048x1024xf32, #tpu.memory_space<hbm>>) dst(%arg6 : memref<64x1024xf32, #tpu.memory_space<vmem>>)
    %add3A_47 = arith.constant 192 : i32
    %add3A_48 = arith.addi %mul3A_2, %add3A_47 : i32
    "tpu.region"() ({
      %run_scoped3A = tpu.sem_alloc : memref<!tpu.dma_semaphore, #tpu.memory_space<semaphore_mem>>
      %dma_start3A_49 = arith.constant 0 : i32
      %dma_start3A_50 = tpu.memref_slice %arg4[%add3A_48, %dma_start3A_49] : memref<8192x1024xf32, #tpu.memory_space<hbm>> -> memref<64x1024xf32, #tpu.memory_space<hbm>>
      %dma_start3A_51 = arith.constant 0 : i32
      %dma_start3A_52 = tpu.memref_slice %arg4[%add3A_48, %dma_start3A_51] : memref<8192x1024xf32, #tpu.memory_space<hbm>> -> memref<64x1024xf32, #tpu.memory_space<hbm>>
      tpu.enqueue_dma source(%arg6 : memref<64x1024xf32, #tpu.memory_space<vmem>>) target(%dma_start3A_52 : memref<64x1024xf32, #tpu.memory_space<hbm>>) target_semaphore(%run_scoped3A : memref<!tpu.dma_semaphore, #tpu.memory_space<semaphore_mem>>)
      %dma_wait3A_53 = arith.constant 0 : i32
      %dma_wait3A_54 = tpu.memref_slice %arg4[%add3A_48, %dma_wait3A_53] : memref<8192x1024xf32, #tpu.memory_space<hbm>> -> memref<64x1024xf32, #tpu.memory_space<hbm>>
      %dma_wait3A_55 = arith.constant 0 : i32
      %dma_wait3A_56 = tpu.memref_slice %arg4[%add3A_48, %dma_wait3A_55] : memref<8192x1024xf32, #tpu.memory_space<hbm>> -> memref<64x1024xf32, #tpu.memory_space<hbm>>
      tpu.wait_dma2 semaphore(%run_scoped3A : memref<!tpu.dma_semaphore, #tpu.memory_space<semaphore_mem>>) src(%arg6 : memref<64x1024xf32, #tpu.memory_space<vmem>>) dst(%dma_wait3A_56 : memref<64x1024xf32, #tpu.memory_space<hbm>>)
      tpu.yield
    }) : () -> ()
    return
  }
}

#map = affine_map<(d0, d1) -> (0, 0)>
#map1 = affine_map<(d0, d1) -> (0)>
module attributes {stable_mosaic.version = 14 : i64} {
  func.func @body(%arg0: i32, %arg1: i32, %arg2: memref<8192x1024xf32, #tpu.memory_space<hbm>>, %arg3: memref<4096xi32, #tpu.memory_space<hbm>>, %arg4: memref<4096x1024xf32, #tpu.memory_space<hbm>>, %arg5: memref<128xi32, #tpu.memory_space<vmem>>, %arg6: memref<64x1024xf32, #tpu.memory_space<vmem>>, %arg7: memref<!tpu.dma_semaphore, #tpu.memory_space<semaphore_mem>>) attributes {dimension_semantics = [#tpu.dimension_semantics<core_parallel>, #tpu.dimension_semantics<subcore_parallel>], iteration_bounds = array<i64: 2, 16>, scalar_prefetch = 0 : i64, scratch_operands = 3 : i64, tpu.core_type = #tpu.core_type<sc_vector_subcore>, window_params = [{transform_indices = #map}, {transform_indices = #map1}, {transform_indices = #map}]} {
    %mul3A = arith.constant 2 : i32
    %mul3A_0 = arith.muli %arg1, %mul3A : i32
    %add3A = arith.addi %mul3A_0, %arg0 : i32
    %mul3A_1 = arith.constant 128 : i32
    %mul3A_2 = arith.muli %add3A, %mul3A_1 : i32
    "tpu.region"() ({
      %run_scoped3A = tpu.sem_alloc : memref<!tpu.dma_semaphore, #tpu.memory_space<semaphore_mem>>
      %dma_start3A_25 = tpu.memref_slice %arg3[%mul3A_2] : memref<4096xi32, #tpu.memory_space<hbm>> -> memref<128xi32, #tpu.memory_space<hbm>>
      %dma_start3A_26 = tpu.memref_slice %arg3[%mul3A_2] : memref<4096xi32, #tpu.memory_space<hbm>> -> memref<128xi32, #tpu.memory_space<hbm>>
      tpu.enqueue_dma source(%dma_start3A_26 : memref<128xi32, #tpu.memory_space<hbm>>) target(%arg5 : memref<128xi32, #tpu.memory_space<vmem>>) target_semaphore(%run_scoped3A : memref<!tpu.dma_semaphore, #tpu.memory_space<semaphore_mem>>)
      %dma_wait3A_27 = tpu.memref_slice %arg3[%mul3A_2] : memref<4096xi32, #tpu.memory_space<hbm>> -> memref<128xi32, #tpu.memory_space<hbm>>
      %dma_wait3A_28 = tpu.memref_slice %arg3[%mul3A_2] : memref<4096xi32, #tpu.memory_space<hbm>> -> memref<128xi32, #tpu.memory_space<hbm>>
      tpu.wait_dma2 semaphore(%run_scoped3A : memref<!tpu.dma_semaphore, #tpu.memory_space<semaphore_mem>>) src(%dma_wait3A_28 : memref<128xi32, #tpu.memory_space<hbm>>) dst(%arg5 : memref<128xi32, #tpu.memory_space<vmem>>)
      tpu.yield
    }) : () -> ()
    %dma_start3A = arith.constant 0 : i32
    %dma_start3A_3 = tpu.memref_slice %arg5[%dma_start3A] : memref<128xi32, #tpu.memory_space<vmem>> -> memref<64xi32, #tpu.memory_space<vmem>>
    %dma_start3A_4 = arith.constant 0 : i32
    %dma_start3A_5 = arith.constant 0 : i32
    %dma_start3A_6 = tpu.memref_slice %arg2[%dma_start3A_4, %dma_start3A_5] : memref<8192x1024xf32, #tpu.memory_space<hbm>> -> memref<8192x1024xf32, #tpu.memory_space<hbm>>
    tpu.enqueue_indirect_dma source(%dma_start3A_6 : memref<8192x1024xf32, #tpu.memory_space<hbm>>) target(%arg6 : memref<64x1024xf32, #tpu.memory_space<vmem>>) offsets(%dma_start3A_3 : memref<64xi32, #tpu.memory_space<vmem>>) semaphore(%arg7 : memref<!tpu.dma_semaphore, #tpu.memory_space<semaphore_mem>>)
    %dma_wait3A = arith.constant 0 : i32
    %dma_wait3A_7 = tpu.memref_slice %arg5[%dma_wait3A] : memref<128xi32, #tpu.memory_space<vmem>> -> memref<64xi32, #tpu.memory_space<vmem>>
    %dma_wait3A_8 = arith.constant 0 : i32
    %dma_wait3A_9 = arith.constant 0 : i32
    %dma_wait3A_10 = tpu.memref_slice %arg2[%dma_wait3A_8, %dma_wait3A_9] : memref<8192x1024xf32, #tpu.memory_space<hbm>> -> memref<8192x1024xf32, #tpu.memory_space<hbm>>
    tpu.wait_indirect_dma semaphore(%arg7 : memref<!tpu.dma_semaphore, #tpu.memory_space<semaphore_mem>>) src(%dma_wait3A_10 : memref<8192x1024xf32, #tpu.memory_space<hbm>>) dst(%arg6 : memref<64x1024xf32, #tpu.memory_space<vmem>>)
    %add3A_11 = arith.constant 0 : i32
    %add3A_12 = arith.addi %mul3A_2, %add3A_11 : i32
    "tpu.region"() ({
      %run_scoped3A = tpu.sem_alloc : memref<!tpu.dma_semaphore, #tpu.memory_space<semaphore_mem>>
      %dma_start3A_25 = arith.constant 0 : i32
      %dma_start3A_26 = tpu.memref_slice %arg4[%add3A_12, %dma_start3A_25] : memref<4096x1024xf32, #tpu.memory_space<hbm>> -> memref<64x1024xf32, #tpu.memory_space<hbm>>
      %dma_start3A_27 = arith.constant 0 : i32
      %dma_start3A_28 = tpu.memref_slice %arg4[%add3A_12, %dma_start3A_27] : memref<4096x1024xf32, #tpu.memory_space<hbm>> -> memref<64x1024xf32, #tpu.memory_space<hbm>>
      tpu.enqueue_dma source(%arg6 : memref<64x1024xf32, #tpu.memory_space<vmem>>) target(%dma_start3A_28 : memref<64x1024xf32, #tpu.memory_space<hbm>>) target_semaphore(%run_scoped3A : memref<!tpu.dma_semaphore, #tpu.memory_space<semaphore_mem>>)
      %dma_wait3A_29 = arith.constant 0 : i32
      %dma_wait3A_30 = tpu.memref_slice %arg4[%add3A_12, %dma_wait3A_29] : memref<4096x1024xf32, #tpu.memory_space<hbm>> -> memref<64x1024xf32, #tpu.memory_space<hbm>>
      %dma_wait3A_31 = arith.constant 0 : i32
      %dma_wait3A_32 = tpu.memref_slice %arg4[%add3A_12, %dma_wait3A_31] : memref<4096x1024xf32, #tpu.memory_space<hbm>> -> memref<64x1024xf32, #tpu.memory_space<hbm>>
      tpu.wait_dma2 semaphore(%run_scoped3A : memref<!tpu.dma_semaphore, #tpu.memory_space<semaphore_mem>>) src(%arg6 : memref<64x1024xf32, #tpu.memory_space<vmem>>) dst(%dma_wait3A_32 : memref<64x1024xf32, #tpu.memory_space<hbm>>)
      tpu.yield
    }) : () -> ()
    %dma_start3A_13 = arith.constant 64 : i32
    %dma_start3A_14 = tpu.memref_slice %arg5[%dma_start3A_13] : memref<128xi32, #tpu.memory_space<vmem>> -> memref<64xi32, #tpu.memory_space<vmem>>
    %dma_start3A_15 = arith.constant 0 : i32
    %dma_start3A_16 = arith.constant 0 : i32
    %dma_start3A_17 = tpu.memref_slice %arg2[%dma_start3A_15, %dma_start3A_16] : memref<8192x1024xf32, #tpu.memory_space<hbm>> -> memref<8192x1024xf32, #tpu.memory_space<hbm>>
    tpu.enqueue_indirect_dma source(%dma_start3A_17 : memref<8192x1024xf32, #tpu.memory_space<hbm>>) target(%arg6 : memref<64x1024xf32, #tpu.memory_space<vmem>>) offsets(%dma_start3A_14 : memref<64xi32, #tpu.memory_space<vmem>>) semaphore(%arg7 : memref<!tpu.dma_semaphore, #tpu.memory_space<semaphore_mem>>)
    %dma_wait3A_18 = arith.constant 64 : i32
    %dma_wait3A_19 = tpu.memref_slice %arg5[%dma_wait3A_18] : memref<128xi32, #tpu.memory_space<vmem>> -> memref<64xi32, #tpu.memory_space<vmem>>
    %dma_wait3A_20 = arith.constant 0 : i32
    %dma_wait3A_21 = arith.constant 0 : i32
    %dma_wait3A_22 = tpu.memref_slice %arg2[%dma_wait3A_20, %dma_wait3A_21] : memref<8192x1024xf32, #tpu.memory_space<hbm>> -> memref<8192x1024xf32, #tpu.memory_space<hbm>>
    tpu.wait_indirect_dma semaphore(%arg7 : memref<!tpu.dma_semaphore, #tpu.memory_space<semaphore_mem>>) src(%dma_wait3A_22 : memref<8192x1024xf32, #tpu.memory_space<hbm>>) dst(%arg6 : memref<64x1024xf32, #tpu.memory_space<vmem>>)
    %add3A_23 = arith.constant 64 : i32
    %add3A_24 = arith.addi %mul3A_2, %add3A_23 : i32
    "tpu.region"() ({
      %run_scoped3A = tpu.sem_alloc : memref<!tpu.dma_semaphore, #tpu.memory_space<semaphore_mem>>
      %dma_start3A_25 = arith.constant 0 : i32
      %dma_start3A_26 = tpu.memref_slice %arg4[%add3A_24, %dma_start3A_25] : memref<4096x1024xf32, #tpu.memory_space<hbm>> -> memref<64x1024xf32, #tpu.memory_space<hbm>>
      %dma_start3A_27 = arith.constant 0 : i32
      %dma_start3A_28 = tpu.memref_slice %arg4[%add3A_24, %dma_start3A_27] : memref<4096x1024xf32, #tpu.memory_space<hbm>> -> memref<64x1024xf32, #tpu.memory_space<hbm>>
      tpu.enqueue_dma source(%arg6 : memref<64x1024xf32, #tpu.memory_space<vmem>>) target(%dma_start3A_28 : memref<64x1024xf32, #tpu.memory_space<hbm>>) target_semaphore(%run_scoped3A : memref<!tpu.dma_semaphore, #tpu.memory_space<semaphore_mem>>)
      %dma_wait3A_29 = arith.constant 0 : i32
      %dma_wait3A_30 = tpu.memref_slice %arg4[%add3A_24, %dma_wait3A_29] : memref<4096x1024xf32, #tpu.memory_space<hbm>> -> memref<64x1024xf32, #tpu.memory_space<hbm>>
      %dma_wait3A_31 = arith.constant 0 : i32
      %dma_wait3A_32 = tpu.memref_slice %arg4[%add3A_24, %dma_wait3A_31] : memref<4096x1024xf32, #tpu.memory_space<hbm>> -> memref<64x1024xf32, #tpu.memory_space<hbm>>
      tpu.wait_dma2 semaphore(%run_scoped3A : memref<!tpu.dma_semaphore, #tpu.memory_space<semaphore_mem>>) src(%arg6 : memref<64x1024xf32, #tpu.memory_space<vmem>>) dst(%dma_wait3A_32 : memref<64x1024xf32, #tpu.memory_space<hbm>>)
      tpu.yield
    }) : () -> ()
    return
  }
}

#map = affine_map<(d0, d1) -> (0)>
module attributes {stable_mosaic.version = 14 : i64} {
  func.func @_scatter_body(%arg0: i32, %arg1: i32, %arg2: memref<4096xi32, #tpu.memory_space<hbm>>, %arg3: memref<8192xi32, #tpu.memory_space<hbm>>, %arg4: memref<4096xi32, #tpu.memory_space<vmem>>, %arg5: memref<8192xi32, #tpu.memory_space<vmem>>) attributes {dimension_semantics = [#tpu.dimension_semantics<core_parallel>, #tpu.dimension_semantics<subcore_parallel>], iteration_bounds = array<i64: 2, 16>, scalar_prefetch = 0 : i64, scratch_operands = 2 : i64, tpu.core_type = #tpu.core_type<sc_vector_subcore>, window_params = [{transform_indices = #map}, {transform_indices = #map}]} {
    %eq3A = arith.constant 0 : i32
    %eq3A_0 = arith.cmpi eq, %arg0, %eq3A : i32
    %eq3A_1 = arith.constant 0 : i32
    %eq3A_2 = arith.cmpi eq, %arg1, %eq3A_1 : i32
    %and3A = arith.andi %eq3A_0, %eq3A_2 : i1
    %convert_element_type3A = arith.extui %and3A : i1 to i32
    %cond3A = arith.constant 0 : i32
    %cond3A_3 = arith.cmpi ne, %convert_element_type3A, %cond3A : i32
    scf.if %cond3A_3 {
      "tpu.region"() ({
        %run_scoped3A = tpu.sem_alloc : memref<!tpu.dma_semaphore, #tpu.memory_space<semaphore_mem>>
        tpu.enqueue_dma source(%arg2 : memref<4096xi32, #tpu.memory_space<hbm>>) target(%arg4 : memref<4096xi32, #tpu.memory_space<vmem>>) target_semaphore(%run_scoped3A : memref<!tpu.dma_semaphore, #tpu.memory_space<semaphore_mem>>)
        tpu.wait_dma2 semaphore(%run_scoped3A : memref<!tpu.dma_semaphore, #tpu.memory_space<semaphore_mem>>) src(%arg2 : memref<4096xi32, #tpu.memory_space<hbm>>) dst(%arg4 : memref<4096xi32, #tpu.memory_space<vmem>>)
        tpu.yield
      }) : () -> ()
      %scan3A = arith.constant 0 : i32
      %scan3A_4 = arith.constant 0 : i32
      %scan3A_5 = arith.constant 512 : i32
      %scan3A_6 = arith.addi %scan3A_4, %scan3A_5 : i32
      %scan3A_7 = arith.constant 1 : i32
      %scan3A_8 = scf.for %scan3A_17 = %scan3A_4 to %scan3A_6 step %scan3A_7 iter_args(%scan3A_18 = %scan3A) -> (i32)  : i32 {
        %mul3A = arith.constant 16 : i32
        %mul3A_19 = arith.muli %scan3A_17, %mul3A : i32
        %iota3A = tpu.iota {dimensions = array<i32: 0>} : vector<16xi32>
        %add3A = vector.broadcast %mul3A_19 : i32 to vector<16xi32>
        %add3A_20 = arith.addi %add3A, %iota3A : vector<16xi32>
        %and3A_21 = arith.constant 2047 : i32
        %and3A_22 = vector.broadcast %and3A_21 : i32 to vector<16xi32>
        %and3A_23 = arith.andi %add3A_20, %and3A_22 : vector<16xi32>
        %mul3A_24 = arith.constant 16 : i32
        %mul3A_25 = arith.muli %scan3A_17, %mul3A_24 : i32
        %swap3A = arith.index_cast %mul3A_25 : i32 to index
        %swap3A_26 = tpu.vector_load %arg5[%swap3A] {strides = array<i32>} : memref<8192xi32, #tpu.memory_space<vmem>>, vector<16xi32>,
        tpu.vector_store %arg5[%swap3A], %and3A_23 {strides = array<i32>} : memref<8192xi32, #tpu.memory_space<vmem>>, vector<16xi32>,
        %scan3A_27 = arith.constant 0 : i32
        scf.yield %scan3A_27 : i32
      }
      %scan3A_9 = arith.constant 512 : i32
      %scan3A_10 = arith.constant 0 : i32
      %scan3A_11 = arith.constant 0 : i32
      %scan3A_12 = arith.constant 256 : i32
      %scan3A_13 = arith.addi %scan3A_11, %scan3A_12 : i32
      %scan3A_14 = arith.constant 1 : i32
      %scan3A_15 = scf.for %scan3A_17 = %scan3A_11 to %scan3A_13 step %scan3A_14 iter_args(%scan3A_18 = %scan3A_10) -> (i32)  : i32 {
        %mul3A = arith.constant 16 : i32
        %mul3A_19 = arith.muli %scan3A_17, %mul3A : i32
        %get3A = arith.index_cast %mul3A_19 : i32 to index
        %get3A_20 = tpu.vector_load %arg4[%get3A] {strides = array<i32>} : memref<4096xi32, #tpu.memory_space<vmem>>, vector<16xi32>,
        %mul3A_21 = arith.constant 16 : i32
        %mul3A_22 = arith.muli %scan3A_17, %mul3A_21 : i32
        %iota3A = tpu.iota {dimensions = array<i32: 0>} : vector<16xi32>
        %add3A = vector.broadcast %mul3A_22 : i32 to vector<16xi32>
        %add3A_23 = arith.addi %add3A, %iota3A : vector<16xi32>
        %jit3A = arith.constant 2 : i32
        %div3A = vector.broadcast %jit3A : i32 to vector<16xi32>
        %div3A_24 = arith.divsi %add3A_23, %div3A : vector<16xi32>
        %sign3A = arith.constant 0 : i32
        %sign3A_25 = vector.broadcast %sign3A : i32 to vector<16xi32>
        %sign3A_26 = arith.cmpi sgt, %add3A_23, %sign3A_25 : vector<16xi32>
        %sign3A_27 = arith.extui %sign3A_26 : vector<16xi1> to vector<16xi32>
        %sign3A_28 = arith.constant 0 : i32
        %sign3A_29 = vector.broadcast %sign3A_28 : i32 to vector<16xi32>
        %sign3A_30 = arith.cmpi slt, %add3A_23, %sign3A_29 : vector<16xi32>
        %sign3A_31 = arith.extui %sign3A_30 : vector<16xi1> to vector<16xi32>
        %sign3A_32 = arith.subi %sign3A_27, %sign3A_31 : vector<16xi32>
        %sign3A_33 = arith.constant 0 : i32
        %sign3A_34 = arith.cmpi sgt, %jit3A, %sign3A_33 : i32
        %sign3A_35 = arith.extui %sign3A_34 : i1 to i32
        %sign3A_36 = arith.constant 0 : i32
        %sign3A_37 = arith.cmpi slt, %jit3A, %sign3A_36 : i32
        %sign3A_38 = arith.extui %sign3A_37 : i1 to i32
        %sign3A_39 = arith.subi %sign3A_35, %sign3A_38 : i32
        %ne3A = vector.broadcast %sign3A_39 : i32 to vector<16xi32>
        %ne3A_40 = arith.cmpi ne, %sign3A_32, %ne3A : vector<16xi32>
        %rem3A = vector.broadcast %jit3A : i32 to vector<16xi32>
        %rem3A_41 = arith.remsi %add3A_23, %rem3A : vector<16xi32>
        %ne3A_42 = arith.constant 0 : i32
        %ne3A_43 = vector.broadcast %ne3A_42 : i32 to vector<16xi32>
        %ne3A_44 = arith.cmpi ne, %rem3A_41, %ne3A_43 : vector<16xi32>
        %and3A_45 = arith.andi %ne3A_40, %ne3A_44 : vector<16xi1>
        %sub3A = arith.constant 1 : i32
        %sub3A_46 = vector.broadcast %sub3A : i32 to vector<16xi32>
        %sub3A_47 = arith.subi %div3A_24, %sub3A_46 : vector<16xi32>
        %select_n3A = arith.select %and3A_45, %sub3A_47, %div3A_24 : vector<16xi1>, vector<16xi32>
        tpu.vector_store_idx %arg5[%get3A_20], %select_n3A : memref<8192xi32, #tpu.memory_space<vmem>>[vector<16xi32>], vector<16xi32>,
        %scan3A_48 = arith.constant 0 : i32
        scf.yield %scan3A_48 : i32
      }
      %scan3A_16 = arith.constant 256 : i32
      "tpu.region"() ({
        %run_scoped3A = tpu.sem_alloc : memref<!tpu.dma_semaphore, #tpu.memory_space<semaphore_mem>>
        tpu.enqueue_dma source(%arg5 : memref<8192xi32, #tpu.memory_space<vmem>>) target(%arg3 : memref<8192xi32, #tpu.memory_space<hbm>>) target_semaphore(%run_scoped3A : memref<!tpu.dma_semaphore, #tpu.memory_space<semaphore_mem>>)
        tpu.wait_dma2 semaphore(%run_scoped3A : memref<!tpu.dma_semaphore, #tpu.memory_space<semaphore_mem>>) src(%arg5 : memref<8192xi32, #tpu.memory_space<vmem>>) dst(%arg3 : memref<8192xi32, #tpu.memory_space<hbm>>)
        tpu.yield
      }) : () -> ()
    } else {
    }
    return
  }
}

module attributes {stable_mosaic.version = 14 : i64} {
  func.func @_oproj_body(%arg0: i32, %arg1: memref<256x2048xbf16, #tpu.memory_space<vmem>>, %arg2: memref<1024x2048xf32, #tpu.memory_space<vmem>>, %arg3: memref<256x1024xf32, #tpu.memory_space<vmem>>, %arg4: memref<256x1024xf32, #tpu.memory_space<vmem>>) attributes {dimension_semantics = [#tpu.dimension_semantics<arbitrary>], iteration_bounds = array<i64: 8>, scalar_prefetch = 0 : i64, scratch_operands = 0 : i64, tpu.core_type = #tpu.core_type<tc>, window_params = [{transform_indices = @transform_0, window_bounds = array<i64: 256, 2048>}, {pipeline_mode = #tpu.pipeline_mode<synchronous>, transform_indices = @transform_1, window_bounds = array<i64: 1024, 2048>}, {transform_indices = @transform_2, window_bounds = array<i64: 256, 1024>}, {transform_indices = @transform_3, window_bounds = array<i64: 256, 1024>}]} {
    %get3A = arith.constant 0 : index
    %get3A_0 = arith.constant 0 : index
    %get3A_1 = vector.load %arg1[%get3A, %get3A_0] : memref<256x2048xbf16, #tpu.memory_space<vmem>>, vector<256x2048xbf16>
    %get3A_2 = arith.constant 0 : index
    %get3A_3 = arith.constant 0 : index
    %get3A_4 = vector.load %arg2[%get3A_2, %get3A_3] : memref<1024x2048xf32, #tpu.memory_space<vmem>>, vector<1024x2048xf32>
    %convert_element_type3A = arith.truncf %get3A_4 : vector<1024x2048xf32> to vector<1024x2048xbf16>
    %dot_general3A = arith.constant dense<0.000000e+00> : vector<256x1024xf32>
    %dot_general3A_5 = tpu.matmul %get3A_1, %convert_element_type3A, %dot_general3A {dimension_numbers = #tpu.dot_dimension_numbers<[1], [1], [0], [0], [0, 0, 1, 0], [], []>, transpose_lhs_hint = false} : vector<256x2048xbf16>, vector<1024x2048xbf16>, vector<256x1024xf32> -> vector<256x1024xf32>
    %get3A_6 = arith.constant 0 : index
    %get3A_7 = arith.constant 0 : index
    %get3A_8 = vector.load %arg3[%get3A_6, %get3A_7] : memref<256x1024xf32, #tpu.memory_space<vmem>>, vector<256x1024xf32>
    %add3A = arith.addf %dot_general3A_5, %get3A_8 : vector<256x1024xf32>
    %swap3A = arith.constant 0 : index
    %swap3A_9 = arith.constant 0 : index
    %swap3A_10 = vector.load %arg4[%swap3A, %swap3A_9] : memref<256x1024xf32, #tpu.memory_space<vmem>>, vector<256x1024xf32>
    tpu.vector_store %arg4[%swap3A, %swap3A_9], %add3A {strides = array<i32>} : memref<256x1024xf32, #tpu.memory_space<vmem>>, vector<256x1024xf32>,
    return
  }
  func.func @transform_0(%arg0: i32) -> (i32, i32) {
    %c0_i32 = arith.constant 0 : i32
    %c0_i32_0 = arith.constant 0 : i32
    return %arg0, %c0_i32 : i32, i32
  }
  func.func @transform_1(%arg0: i32) -> (i32, i32) {
    %c0_i32 = arith.constant 0 : i32
    %c0_i32_0 = arith.constant 0 : i32
    %c0_i32_1 = arith.constant 0 : i32
    return %c0_i32, %c0_i32_0 : i32, i32
  }
  func.func @transform_2(%arg0: i32) -> (i32, i32) {
    %c0_i32 = arith.constant 0 : i32
    %c0_i32_0 = arith.constant 0 : i32
    return %arg0, %c0_i32 : i32, i32
  }
  func.func @transform_3(%arg0: i32) -> (i32, i32) {
    %c0_i32 = arith.constant 0 : i32
    %c0_i32_0 = arith.constant 0 : i32
    return %arg0, %c0_i32 : i32, i32
  }
}

module attributes {stable_mosaic.version = 14 : i64} {
  func.func @_attn_body(%arg0: i32, %arg1: i32, %arg2: memref<1024x128xbf16, #tpu.memory_space<vmem>>, %arg3: memref<2048x128xbf16, #tpu.memory_space<vmem>>, %arg4: memref<2048x128xbf16, #tpu.memory_space<vmem>>, %arg5: memref<1024x128xbf16, #tpu.memory_space<vmem>>) attributes {dimension_semantics = [#tpu.dimension_semantics<arbitrary>, #tpu.dimension_semantics<arbitrary>], iteration_bounds = array<i64: 16, 2>, scalar_prefetch = 0 : i64, scratch_operands = 0 : i64, tpu.core_type = #tpu.core_type<tc>, window_params = [{transform_indices = @transform_0, window_bounds = array<i64: 1024, 128>}, {transform_indices = @transform_1, window_bounds = array<i64: 2048, 128>}, {transform_indices = @transform_2, window_bounds = array<i64: 2048, 128>}, {transform_indices = @transform_3, window_bounds = array<i64: 1024, 128>}]} {
    %get3A = arith.constant 0 : index
    %get3A_0 = arith.constant 0 : index
    %get3A_1 = vector.load %arg2[%get3A, %get3A_0] : memref<1024x128xbf16, #tpu.memory_space<vmem>>, vector<1024x128xbf16>
    %jit3A = arith.constant 1 : i32
    %div3A = arith.divsi %arg1, %jit3A : i32
    %sign3A = arith.constant 0 : i32
    %sign3A_2 = arith.cmpi sgt, %arg1, %sign3A : i32
    %sign3A_3 = arith.extui %sign3A_2 : i1 to i32
    %sign3A_4 = arith.constant 0 : i32
    %sign3A_5 = arith.cmpi slt, %arg1, %sign3A_4 : i32
    %sign3A_6 = arith.extui %sign3A_5 : i1 to i32
    %sign3A_7 = arith.subi %sign3A_3, %sign3A_6 : i32
    %sign3A_8 = arith.constant 0 : i32
    %sign3A_9 = arith.cmpi sgt, %jit3A, %sign3A_8 : i32
    %sign3A_10 = arith.extui %sign3A_9 : i1 to i32
    %sign3A_11 = arith.constant 0 : i32
    %sign3A_12 = arith.cmpi slt, %jit3A, %sign3A_11 : i32
    %sign3A_13 = arith.extui %sign3A_12 : i1 to i32
    %sign3A_14 = arith.subi %sign3A_10, %sign3A_13 : i32
    %ne3A = arith.cmpi ne, %sign3A_7, %sign3A_14 : i32
    %rem3A = arith.remsi %arg1, %jit3A : i32
    %ne3A_15 = arith.constant 0 : i32
    %ne3A_16 = arith.cmpi ne, %rem3A, %ne3A_15 : i32
    %and3A = arith.andi %ne3A, %ne3A_16 : i1
    %sub3A = arith.constant 1 : i32
    %sub3A_17 = arith.subi %div3A, %sub3A : i32
    %select_n3A = arith.select %and3A, %sub3A_17, %div3A : i32
    %broadcast_in_dim3A = arith.constant 0.000000e+00 : f32
    %broadcast_in_dim3A_18 = vector.broadcast %broadcast_in_dim3A : f32 to vector<1024x128xf32>
    %broadcast_in_dim3A_19 = arith.constant 0.000000e+00 : f32
    %broadcast_in_dim3A_20 = vector.broadcast %broadcast_in_dim3A_19 : f32 to vector<1024x1xf32>
    %while3A = arith.constant 0 : i32
    %while3A_21 = arith.subi %select_n3A, %while3A : i32
    %while3A_22 = arith.addi %while3A, %while3A_21 : i32
    %while3A_23 = arith.constant 1 : i32
    %while3A_24 = arith.divsi %while3A_21, %while3A_23 : i32
    %while3A_25 = arith.muli %while3A_24, %while3A_23 : i32
    %while3A_26 = arith.addi %while3A, %while3A_25 : i32
    %while3A_27 = arith.constant 1 : i32
    %while3A_28:2 = scf.for %while3A_63 = %while3A to %while3A_26 step %while3A_27 iter_args(%while3A_64 = %broadcast_in_dim3A_18, %while3A_65 = %broadcast_in_dim3A_20) -> (vector<1024x128xf32>, vector<1024x1xf32>)  : i32 {
      %mul3A_66 = arith.constant 1024 : i32
      %mul3A_67 = arith.muli %while3A_63, %mul3A_66 : i32
      %get3A_68 = arith.index_cast %mul3A_67 : i32 to index
      %get3A_69 = arith.constant 0 : index
      %get3A_70 = vector.load %arg3[%get3A_68, %get3A_69] : memref<2048x128xbf16, #tpu.memory_space<vmem>>, vector<1024x128xbf16>
      %dot_general3A_71 = arith.constant dense<0.000000e+00> : vector<1024x1024xf32>
      %dot_general3A_72 = tpu.matmul %get3A_1, %get3A_70, %dot_general3A_71 {dimension_numbers = #tpu.dot_dimension_numbers<[1], [1], [0], [0], [0, 0, 1, 0], [], []>, transpose_lhs_hint = false} : vector<1024x128xbf16>, vector<1024x128xbf16>, vector<1024x1024xf32> -> vector<1024x1024xf32>
      %exp3A_73 = math.exp %dot_general3A_72 : vector<1024x1024xf32>
      %reduce_sum3A_74 = arith.constant dense<0.000000e+00> : vector<1024xf32>
      %reduce_sum3A_75 = vector.multi_reduction <add>, %exp3A_73, %reduce_sum3A_74 [1] : vector<1024x1024xf32> to vector<1024xf32>
      %broadcast_in_dim3A_76 = vector.shape_cast %reduce_sum3A_75 : vector<1024xf32> to vector<1024x1xf32>
      %add3A_77 = arith.addf %while3A_65, %broadcast_in_dim3A_76 : vector<1024x1xf32>
      %mul3A_78 = arith.constant 1024 : i32
      %mul3A_79 = arith.muli %while3A_63, %mul3A_78 : i32
      %get3A_80 = arith.index_cast %mul3A_79 : i32 to index
      %get3A_81 = arith.constant 0 : index
      %get3A_82 = vector.load %arg4[%get3A_80, %get3A_81] : memref<2048x128xbf16, #tpu.memory_space<vmem>>, vector<1024x128xbf16>
      %convert_element_type3A_83 = arith.truncf %exp3A_73 : vector<1024x1024xf32> to vector<1024x1024xbf16>
      %dot_general3A_84 = arith.constant dense<0.000000e+00> : vector<1024x128xf32>
      %dot_general3A_85 = tpu.matmul %convert_element_type3A_83, %get3A_82, %dot_general3A_84 {dimension_numbers = #tpu.dot_dimension_numbers<[1], [0], [0], [1], [0, 0, 1, 1], [], []>, transpose_lhs_hint = false} : vector<1024x1024xbf16>, vector<1024x128xbf16>, vector<1024x128xf32> -> vector<1024x128xf32>
      %add3A_86 = arith.addf %while3A_64, %dot_general3A_85 : vector<1024x128xf32>
      scf.yield %add3A_86, %add3A_77 : vector<1024x128xf32>, vector<1024x1xf32>
    }
    %while3A_29 = arith.constant 1 : i32
    %while3A_30:2 = scf.for %while3A_63 = %while3A_26 to %while3A_22 step %while3A_29 iter_args(%while3A_64 = %while3A_28#0, %while3A_65 = %while3A_28#1) -> (vector<1024x128xf32>, vector<1024x1xf32>)  : i32 {
      %mul3A_66 = arith.constant 1024 : i32
      %mul3A_67 = arith.muli %while3A_63, %mul3A_66 : i32
      %get3A_68 = arith.index_cast %mul3A_67 : i32 to index
      %get3A_69 = arith.constant 0 : index
      %get3A_70 = vector.load %arg3[%get3A_68, %get3A_69] : memref<2048x128xbf16, #tpu.memory_space<vmem>>, vector<1024x128xbf16>
      %dot_general3A_71 = arith.constant dense<0.000000e+00> : vector<1024x1024xf32>
      %dot_general3A_72 = tpu.matmul %get3A_1, %get3A_70, %dot_general3A_71 {dimension_numbers = #tpu.dot_dimension_numbers<[1], [1], [0], [0], [0, 0, 1, 0], [], []>, transpose_lhs_hint = false} : vector<1024x128xbf16>, vector<1024x128xbf16>, vector<1024x1024xf32> -> vector<1024x1024xf32>
      %exp3A_73 = math.exp %dot_general3A_72 : vector<1024x1024xf32>
      %reduce_sum3A_74 = arith.constant dense<0.000000e+00> : vector<1024xf32>
      %reduce_sum3A_75 = vector.multi_reduction <add>, %exp3A_73, %reduce_sum3A_74 [1] : vector<1024x1024xf32> to vector<1024xf32>
      %broadcast_in_dim3A_76 = vector.shape_cast %reduce_sum3A_75 : vector<1024xf32> to vector<1024x1xf32>
      %add3A_77 = arith.addf %while3A_65, %broadcast_in_dim3A_76 : vector<1024x1xf32>
      %mul3A_78 = arith.constant 1024 : i32
      %mul3A_79 = arith.muli %while3A_63, %mul3A_78 : i32
      %get3A_80 = arith.index_cast %mul3A_79 : i32 to index
      %get3A_81 = arith.constant 0 : index
      %get3A_82 = vector.load %arg4[%get3A_80, %get3A_81] : memref<2048x128xbf16, #tpu.memory_space<vmem>>, vector<1024x128xbf16>
      %convert_element_type3A_83 = arith.truncf %exp3A_73 : vector<1024x1024xf32> to vector<1024x1024xbf16>
      %dot_general3A_84 = arith.constant dense<0.000000e+00> : vector<1024x128xf32>
      %dot_general3A_85 = tpu.matmul %convert_element_type3A_83, %get3A_82, %dot_general3A_84 {dimension_numbers = #tpu.dot_dimension_numbers<[1], [0], [0], [1], [0, 0, 1, 1], [], []>, transpose_lhs_hint = false} : vector<1024x1024xbf16>, vector<1024x128xbf16>, vector<1024x128xf32> -> vector<1024x128xf32>
      %add3A_86 = arith.addf %while3A_64, %dot_general3A_85 : vector<1024x128xf32>
      scf.yield %add3A_86, %add3A_77 : vector<1024x128xf32>, vector<1024x1xf32>
    }
    %mul3A = arith.constant 1024 : i32
    %mul3A_31 = arith.muli %select_n3A, %mul3A : i32
    %get3A_32 = arith.index_cast %mul3A_31 : i32 to index
    %get3A_33 = arith.constant 0 : index
    %get3A_34 = vector.load %arg3[%get3A_32, %get3A_33] : memref<2048x128xbf16, #tpu.memory_space<vmem>>, vector<1024x128xbf16>
    %dot_general3A = arith.constant dense<0.000000e+00> : vector<1024x1024xf32>
    %dot_general3A_35 = tpu.matmul %get3A_1, %get3A_34, %dot_general3A {dimension_numbers = #tpu.dot_dimension_numbers<[1], [1], [0], [0], [0, 0, 1, 0], [], []>, transpose_lhs_hint = false} : vector<1024x128xbf16>, vector<1024x128xbf16>, vector<1024x1024xf32> -> vector<1024x1024xf32>
    %iota3A = tpu.iota {dimensions = array<i32: 0>} : vector<1024x1024xi32>
    %mul3A_36 = arith.constant 1024 : i32
    %mul3A_37 = arith.muli %arg1, %mul3A_36 : i32
    %add3A = vector.broadcast %mul3A_37 : i32 to vector<1024x1024xi32>
    %add3A_38 = arith.addi %iota3A, %add3A : vector<1024x1024xi32>
    %iota3A_39 = tpu.iota {dimensions = array<i32: 1>} : vector<1024x1024xi32>
    %mul3A_40 = arith.constant 1024 : i32
    %mul3A_41 = arith.muli %select_n3A, %mul3A_40 : i32
    %add3A_42 = vector.broadcast %mul3A_41 : i32 to vector<1024x1024xi32>
    %add3A_43 = arith.addi %iota3A_39, %add3A_42 : vector<1024x1024xi32>
    %le3A = arith.cmpi sle, %add3A_43, %add3A_38 : vector<1024x1024xi32>
    %exp3A = math.exp %dot_general3A_35 : vector<1024x1024xf32>
    %jit3A_44 = arith.constant 0.000000e+00 : f32
    %broadcast_in_dim3A_45 = vector.broadcast %jit3A_44 : f32 to vector<1024x1024xf32>
    %select_n3A_46 = arith.select %le3A, %exp3A, %broadcast_in_dim3A_45 : vector<1024x1024xi1>, vector<1024x1024xf32>
    %reduce_sum3A = arith.constant dense<0.000000e+00> : vector<1024xf32>
    %reduce_sum3A_47 = vector.multi_reduction <add>, %select_n3A_46, %reduce_sum3A [1] : vector<1024x1024xf32> to vector<1024xf32>
    %broadcast_in_dim3A_48 = vector.shape_cast %reduce_sum3A_47 : vector<1024xf32> to vector<1024x1xf32>
    %add3A_49 = arith.addf %while3A_30#1, %broadcast_in_dim3A_48 : vector<1024x1xf32>
    %mul3A_50 = arith.constant 1024 : i32
    %mul3A_51 = arith.muli %select_n3A, %mul3A_50 : i32
    %get3A_52 = arith.index_cast %mul3A_51 : i32 to index
    %get3A_53 = arith.constant 0 : index
    %get3A_54 = vector.load %arg4[%get3A_52, %get3A_53] : memref<2048x128xbf16, #tpu.memory_space<vmem>>, vector<1024x128xbf16>
    %convert_element_type3A = arith.truncf %select_n3A_46 : vector<1024x1024xf32> to vector<1024x1024xbf16>
    %dot_general3A_55 = arith.constant dense<0.000000e+00> : vector<1024x128xf32>
    %dot_general3A_56 = tpu.matmul %convert_element_type3A, %get3A_54, %dot_general3A_55 {dimension_numbers = #tpu.dot_dimension_numbers<[1], [0], [0], [1], [0, 0, 1, 1], [], []>, transpose_lhs_hint = false} : vector<1024x1024xbf16>, vector<1024x128xbf16>, vector<1024x128xf32> -> vector<1024x128xf32>
    %add3A_57 = arith.addf %while3A_30#0, %dot_general3A_56 : vector<1024x128xf32>
    %div3A_58 = vector.broadcast %add3A_49 : vector<1024x1xf32> to vector<1024x128xf32>
    %div3A_59 = arith.divf %add3A_57, %div3A_58 : vector<1024x128xf32>
    %convert_element_type3A_60 = arith.truncf %div3A_59 : vector<1024x128xf32> to vector<1024x128xbf16>
    %swap3A = arith.constant 0 : index
    %swap3A_61 = arith.constant 0 : index
    %swap3A_62 = vector.load %arg5[%swap3A, %swap3A_61] : memref<1024x128xbf16, #tpu.memory_space<vmem>>, vector<1024x128xbf16>
    tpu.vector_store %arg5[%swap3A, %swap3A_61], %convert_element_type3A_60 {strides = array<i32>} : memref<1024x128xbf16, #tpu.memory_space<vmem>>, vector<1024x128xbf16>,
    return
  }
  func.func @transform_0(%arg0: i32, %arg1: i32) -> (i32, i32) {
    %c0_i32 = arith.constant 0 : i32
    return %arg1, %arg0 : i32, i32
  }
  func.func @transform_1(%arg0: i32, %arg1: i32) -> (i32, i32) {
    %jit3A = arith.constant 4 : i32
    %div3A = arith.divsi %arg0, %jit3A : i32
    %sign3A = arith.constant 0 : i32
    %sign3A_0 = arith.cmpi sgt, %arg0, %sign3A : i32
    %sign3A_1 = arith.extui %sign3A_0 : i1 to i32
    %sign3A_2 = arith.constant 0 : i32
    %sign3A_3 = arith.cmpi slt, %arg0, %sign3A_2 : i32
    %sign3A_4 = arith.extui %sign3A_3 : i1 to i32
    %sign3A_5 = arith.subi %sign3A_1, %sign3A_4 : i32
    %sign3A_6 = arith.constant 0 : i32
    %sign3A_7 = arith.cmpi sgt, %jit3A, %sign3A_6 : i32
    %sign3A_8 = arith.extui %sign3A_7 : i1 to i32
    %sign3A_9 = arith.constant 0 : i32
    %sign3A_10 = arith.cmpi slt, %jit3A, %sign3A_9 : i32
    %sign3A_11 = arith.extui %sign3A_10 : i1 to i32
    %sign3A_12 = arith.subi %sign3A_8, %sign3A_11 : i32
    %ne3A = arith.cmpi ne, %sign3A_5, %sign3A_12 : i32
    %rem3A = arith.remsi %arg0, %jit3A : i32
    %ne3A_13 = arith.constant 0 : i32
    %ne3A_14 = arith.cmpi ne, %rem3A, %ne3A_13 : i32
    %and3A = arith.andi %ne3A, %ne3A_14 : i1
    %sub3A = arith.constant 1 : i32
    %sub3A_15 = arith.subi %div3A, %sub3A : i32
    %select_n3A = arith.select %and3A, %sub3A_15, %div3A : i32
    %c0_i32 = arith.constant 0 : i32
    %c0_i32_16 = arith.constant 0 : i32
    return %c0_i32, %select_n3A : i32, i32
  }
  func.func @transform_2(%arg0: i32, %arg1: i32) -> (i32, i32) {
    %jit3A = arith.constant 4 : i32
    %div3A = arith.divsi %arg0, %jit3A : i32
    %sign3A = arith.constant 0 : i32
    %sign3A_0 = arith.cmpi sgt, %arg0, %sign3A : i32
    %sign3A_1 = arith.extui %sign3A_0 : i1 to i32
    %sign3A_2 = arith.constant 0 : i32
    %sign3A_3 = arith.cmpi slt, %arg0, %sign3A_2 : i32
    %sign3A_4 = arith.extui %sign3A_3 : i1 to i32
    %sign3A_5 = arith.subi %sign3A_1, %sign3A_4 : i32
    %sign3A_6 = arith.constant 0 : i32
    %sign3A_7 = arith.cmpi sgt, %jit3A, %sign3A_6 : i32
    %sign3A_8 = arith.extui %sign3A_7 : i1 to i32
    %sign3A_9 = arith.constant 0 : i32
    %sign3A_10 = arith.cmpi slt, %jit3A, %sign3A_9 : i32
    %sign3A_11 = arith.extui %sign3A_10 : i1 to i32
    %sign3A_12 = arith.subi %sign3A_8, %sign3A_11 : i32
    %ne3A = arith.cmpi ne, %sign3A_5, %sign3A_12 : i32
    %rem3A = arith.remsi %arg0, %jit3A : i32
    %ne3A_13 = arith.constant 0 : i32
    %ne3A_14 = arith.cmpi ne, %rem3A, %ne3A_13 : i32
    %and3A = arith.andi %ne3A, %ne3A_14 : i1
    %sub3A = arith.constant 1 : i32
    %sub3A_15 = arith.subi %div3A, %sub3A : i32
    %select_n3A = arith.select %and3A, %sub3A_15, %div3A : i32
    %c0_i32 = arith.constant 0 : i32
    %c0_i32_16 = arith.constant 0 : i32
    return %c0_i32, %select_n3A : i32, i32
  }
  func.func @transform_3(%arg0: i32, %arg1: i32) -> (i32, i32) {
    %c0_i32 = arith.constant 0 : i32
    return %arg1, %arg0 : i32, i32
  }
}

module attributes {stable_mosaic.version = 14 : i64} {
  func.func @_qkv_body(%arg0: i32, %arg1: memref<256x1024xf32, #tpu.memory_space<vmem>>, %arg2: memref<256x128xf32, #tpu.memory_space<vmem>>, %arg3: memref<256x128xf32, #tpu.memory_space<vmem>>, %arg4: memref<1x1024xf32, #tpu.memory_space<vmem>>, %arg5: memref<1x128xf32, #tpu.memory_space<vmem>>, %arg6: memref<1x128xf32, #tpu.memory_space<vmem>>, %arg7: memref<2048x1024xf32, #tpu.memory_space<vmem>>, %arg8: memref<512x1024xf32, #tpu.memory_space<vmem>>, %arg9: memref<512x1024xf32, #tpu.memory_space<vmem>>, %arg10: memref<256x2048xbf16, #tpu.memory_space<vmem>>, %arg11: memref<256x512xbf16, #tpu.memory_space<vmem>>, %arg12: memref<256x512xbf16, #tpu.memory_space<vmem>>) attributes {dimension_semantics = [#tpu.dimension_semantics<arbitrary>], iteration_bounds = array<i64: 8>, scalar_prefetch = 0 : i64, scratch_operands = 0 : i64, tpu.core_type = #tpu.core_type<tc>, window_params = [{transform_indices = @transform_0, window_bounds = array<i64: 256, 1024>}, {transform_indices = @transform_1, window_bounds = array<i64: 256, 128>}, {transform_indices = @transform_2, window_bounds = array<i64: 256, 128>}, {pipeline_mode = #tpu.pipeline_mode<synchronous>, transform_indices = @transform_3, window_bounds = array<i64: 1, 1024>}, {pipeline_mode = #tpu.pipeline_mode<synchronous>, transform_indices = @transform_4, window_bounds = array<i64: 1, 128>}, {pipeline_mode = #tpu.pipeline_mode<synchronous>, transform_indices = @transform_5, window_bounds = array<i64: 1, 128>}, {pipeline_mode = #tpu.pipeline_mode<synchronous>, transform_indices = @transform_6, window_bounds = array<i64: 2048, 1024>}, {pipeline_mode = #tpu.pipeline_mode<synchronous>, transform_indices = @transform_7, window_bounds = array<i64: 512, 1024>}, {pipeline_mode = #tpu.pipeline_mode<synchronous>, transform_indices = @transform_8, window_bounds = array<i64: 512, 1024>}, {transform_indices = @transform_9, window_bounds = array<i64: 256, 2048>}, {transform_indices = @transform_10, window_bounds = array<i64: 256, 512>}, {transform_indices = @transform_11, window_bounds = array<i64: 256, 512>}]} {
    %get3A = arith.constant 0 : index
    %get3A_0 = arith.constant 0 : index
    %get3A_1 = vector.load %arg1[%get3A, %get3A_0] : memref<256x1024xf32, #tpu.memory_space<vmem>>, vector<256x1024xf32>
    %get3A_2 = arith.constant 0 : index
    %get3A_3 = arith.constant 0 : index
    %get3A_4 = vector.load %arg4[%get3A_2, %get3A_3] : memref<1x1024xf32, #tpu.memory_space<vmem>>, vector<1x1024xf32>
    %square3A = arith.mulf %get3A_1, %get3A_1 : vector<256x1024xf32>
    %reduce_sum3A = arith.constant dense<0.000000e+00> : vector<256xf32>
    %reduce_sum3A_5 = vector.multi_reduction <add>, %square3A, %reduce_sum3A [1] : vector<256x1024xf32> to vector<256xf32>
    %broadcast_in_dim3A = vector.shape_cast %reduce_sum3A_5 : vector<256xf32> to vector<256x1xf32>
    %div3A = arith.constant 1.024000e+03 : f32
    %div3A_6 = vector.broadcast %div3A : f32 to vector<256x1xf32>
    %div3A_7 = arith.divf %broadcast_in_dim3A, %div3A_6 : vector<256x1xf32>
    %add3A = arith.constant 9.99999997E-7 : f32
    %add3A_8 = vector.broadcast %add3A : f32 to vector<256x1xf32>
    %add3A_9 = arith.addf %div3A_7, %add3A_8 : vector<256x1xf32>
    %rsqrt3A = math.rsqrt %add3A_9 : vector<256x1xf32>
    %mul3A = vector.broadcast %rsqrt3A : vector<256x1xf32> to vector<256x1024xf32>
    %mul3A_10 = arith.mulf %get3A_1, %mul3A : vector<256x1024xf32>
    %mul3A_11 = vector.broadcast %get3A_4 : vector<1x1024xf32> to vector<256x1024xf32>
    %mul3A_12 = arith.mulf %mul3A_10, %mul3A_11 : vector<256x1024xf32>
    %convert_element_type3A = arith.truncf %mul3A_12 : vector<256x1024xf32> to vector<256x1024xbf16>
    %get3A_13 = arith.constant 0 : index
    %get3A_14 = arith.constant 0 : index
    %get3A_15 = vector.load %arg2[%get3A_13, %get3A_14] : memref<256x128xf32, #tpu.memory_space<vmem>>, vector<256x128xf32>
    %get3A_16 = arith.constant 0 : index
    %get3A_17 = arith.constant 0 : index
    %get3A_18 = vector.load %arg3[%get3A_16, %get3A_17] : memref<256x128xf32, #tpu.memory_space<vmem>>, vector<256x128xf32>
    %get3A_19 = arith.constant 0 : index
    %get3A_20 = arith.constant 0 : index
    %get3A_21 = vector.load %arg5[%get3A_19, %get3A_20] : memref<1x128xf32, #tpu.memory_space<vmem>>, vector<1x128xf32>
    %get3A_22 = arith.constant 0 : index
    %get3A_23 = arith.constant 0 : index
    %get3A_24 = vector.load %arg6[%get3A_22, %get3A_23] : memref<1x128xf32, #tpu.memory_space<vmem>>, vector<1x128xf32>
    %get3A_25 = arith.constant 0 : index
    %get3A_26 = arith.constant 0 : index
    %get3A_27 = vector.load %arg7[%get3A_25, %get3A_26] : memref<2048x1024xf32, #tpu.memory_space<vmem>>, vector<2048x1024xf32>
    %convert_element_type3A_28 = arith.truncf %get3A_27 : vector<2048x1024xf32> to vector<2048x1024xbf16>
    %dot_general3A = arith.constant dense<0.000000e+00> : vector<256x2048xf32>
    %dot_general3A_29 = tpu.matmul %convert_element_type3A, %convert_element_type3A_28, %dot_general3A {dimension_numbers = #tpu.dot_dimension_numbers<[1], [1], [0], [0], [0, 0, 1, 0], [], []>, transpose_lhs_hint = false} : vector<256x1024xbf16>, vector<2048x1024xbf16>, vector<256x2048xf32> -> vector<256x2048xf32>
    %get3A_30 = arith.constant 0 : index
    %get3A_31 = arith.constant 0 : index
    %get3A_32 = vector.load %arg8[%get3A_30, %get3A_31] : memref<512x1024xf32, #tpu.memory_space<vmem>>, vector<512x1024xf32>
    %convert_element_type3A_33 = arith.truncf %get3A_32 : vector<512x1024xf32> to vector<512x1024xbf16>
    %dot_general3A_34 = arith.constant dense<0.000000e+00> : vector<256x512xf32>
    %dot_general3A_35 = tpu.matmul %convert_element_type3A, %convert_element_type3A_33, %dot_general3A_34 {dimension_numbers = #tpu.dot_dimension_numbers<[1], [1], [0], [0], [0, 0, 1, 0], [], []>, transpose_lhs_hint = false} : vector<256x1024xbf16>, vector<512x1024xbf16>, vector<256x512xf32> -> vector<256x512xf32>
    %get3A_36 = arith.constant 0 : index
    %get3A_37 = arith.constant 0 : index
    %get3A_38 = vector.load %arg9[%get3A_36, %get3A_37] : memref<512x1024xf32, #tpu.memory_space<vmem>>, vector<512x1024xf32>
    %convert_element_type3A_39 = arith.truncf %get3A_38 : vector<512x1024xf32> to vector<512x1024xbf16>
    %dot_general3A_40 = arith.constant dense<0.000000e+00> : vector<256x512xf32>
    %dot_general3A_41 = tpu.matmul %convert_element_type3A, %convert_element_type3A_39, %dot_general3A_40 {dimension_numbers = #tpu.dot_dimension_numbers<[1], [1], [0], [0], [0, 0, 1, 0], [], []>, transpose_lhs_hint = false} : vector<256x1024xbf16>, vector<512x1024xbf16>, vector<256x512xf32> -> vector<256x512xf32>
    %slice3A = vector.extract_strided_slice %dot_general3A_29 {offsets = [0, 0], sizes = [256, 128], strides = [1, 1]} : vector<256x2048xf32> to vector<256x128xf32>
    %square3A_42 = arith.mulf %slice3A, %slice3A : vector<256x128xf32>
    %reduce_sum3A_43 = arith.constant dense<0.000000e+00> : vector<256xf32>
    %reduce_sum3A_44 = vector.multi_reduction <add>, %square3A_42, %reduce_sum3A_43 [1] : vector<256x128xf32> to vector<256xf32>
    %broadcast_in_dim3A_45 = vector.shape_cast %reduce_sum3A_44 : vector<256xf32> to vector<256x1xf32>
    %div3A_46 = arith.constant 1.280000e+02 : f32
    %div3A_47 = vector.broadcast %div3A_46 : f32 to vector<256x1xf32>
    %div3A_48 = arith.divf %broadcast_in_dim3A_45, %div3A_47 : vector<256x1xf32>
    %add3A_49 = arith.constant 9.99999997E-7 : f32
    %add3A_50 = vector.broadcast %add3A_49 : f32 to vector<256x1xf32>
    %add3A_51 = arith.addf %div3A_48, %add3A_50 : vector<256x1xf32>
    %rsqrt3A_52 = math.rsqrt %add3A_51 : vector<256x1xf32>
    %mul3A_53 = vector.broadcast %rsqrt3A_52 : vector<256x1xf32> to vector<256x128xf32>
    %mul3A_54 = arith.mulf %slice3A, %mul3A_53 : vector<256x128xf32>
    %mul3A_55 = vector.broadcast %get3A_21 : vector<1x128xf32> to vector<256x128xf32>
    %mul3A_56 = arith.mulf %mul3A_54, %mul3A_55 : vector<256x128xf32>
    %mul3A_57 = arith.constant 0.0883883461 : f32
    %mul3A_58 = vector.broadcast %mul3A_57 : f32 to vector<256x128xf32>
    %mul3A_59 = arith.mulf %mul3A_56, %mul3A_58 : vector<256x128xf32>
    %slice3A_60 = vector.extract_strided_slice %mul3A_59 {offsets = [0, 64], sizes = [256, 64], strides = [1, 1]} : vector<256x128xf32> to vector<256x64xf32>
    %neg3A = arith.constant 0.000000e+00 : f32
    %neg3A_61 = vector.broadcast %neg3A : f32 to vector<256x64xf32>
    %neg3A_62 = arith.subf %neg3A_61, %slice3A_60 : vector<256x64xf32>
    %slice3A_63 = vector.extract_strided_slice %mul3A_59 {offsets = [0, 0], sizes = [256, 64], strides = [1, 1]} : vector<256x128xf32> to vector<256x64xf32>
    %concatenate3A = tpu.concatenate %neg3A_62, %slice3A_63 in 1 : vector<256x64xf32>, vector<256x64xf32> -> vector<256x128xf32>
    %mul3A_64 = arith.mulf %mul3A_59, %get3A_15 : vector<256x128xf32>
    %mul3A_65 = arith.mulf %concatenate3A, %get3A_18 : vector<256x128xf32>
    %add3A_66 = arith.addf %mul3A_64, %mul3A_65 : vector<256x128xf32>
    %convert_element_type3A_67 = arith.truncf %add3A_66 : vector<256x128xf32> to vector<256x128xbf16>
    %slice3A_68 = vector.extract_strided_slice %dot_general3A_29 {offsets = [0, 128], sizes = [256, 128], strides = [1, 1]} : vector<256x2048xf32> to vector<256x128xf32>
    %square3A_69 = arith.mulf %slice3A_68, %slice3A_68 : vector<256x128xf32>
    %reduce_sum3A_70 = arith.constant dense<0.000000e+00> : vector<256xf32>
    %reduce_sum3A_71 = vector.multi_reduction <add>, %square3A_69, %reduce_sum3A_70 [1] : vector<256x128xf32> to vector<256xf32>
    %broadcast_in_dim3A_72 = vector.shape_cast %reduce_sum3A_71 : vector<256xf32> to vector<256x1xf32>
    %div3A_73 = arith.constant 1.280000e+02 : f32
    %div3A_74 = vector.broadcast %div3A_73 : f32 to vector<256x1xf32>
    %div3A_75 = arith.divf %broadcast_in_dim3A_72, %div3A_74 : vector<256x1xf32>
    %add3A_76 = arith.constant 9.99999997E-7 : f32
    %add3A_77 = vector.broadcast %add3A_76 : f32 to vector<256x1xf32>
    %add3A_78 = arith.addf %div3A_75, %add3A_77 : vector<256x1xf32>
    %rsqrt3A_79 = math.rsqrt %add3A_78 : vector<256x1xf32>
    %mul3A_80 = vector.broadcast %rsqrt3A_79 : vector<256x1xf32> to vector<256x128xf32>
    %mul3A_81 = arith.mulf %slice3A_68, %mul3A_80 : vector<256x128xf32>
    %mul3A_82 = vector.broadcast %get3A_21 : vector<1x128xf32> to vector<256x128xf32>
    %mul3A_83 = arith.mulf %mul3A_81, %mul3A_82 : vector<256x128xf32>
    %mul3A_84 = arith.constant 0.0883883461 : f32
    %mul3A_85 = vector.broadcast %mul3A_84 : f32 to vector<256x128xf32>
    %mul3A_86 = arith.mulf %mul3A_83, %mul3A_85 : vector<256x128xf32>
    %slice3A_87 = vector.extract_strided_slice %mul3A_86 {offsets = [0, 64], sizes = [256, 64], strides = [1, 1]} : vector<256x128xf32> to vector<256x64xf32>
    %neg3A_88 = arith.constant 0.000000e+00 : f32
    %neg3A_89 = vector.broadcast %neg3A_88 : f32 to vector<256x64xf32>
    %neg3A_90 = arith.subf %neg3A_89, %slice3A_87 : vector<256x64xf32>
    %slice3A_91 = vector.extract_strided_slice %mul3A_86 {offsets = [0, 0], sizes = [256, 64], strides = [1, 1]} : vector<256x128xf32> to vector<256x64xf32>
    %concatenate3A_92 = tpu.concatenate %neg3A_90, %slice3A_91 in 1 : vector<256x64xf32>, vector<256x64xf32> -> vector<256x128xf32>
    %mul3A_93 = arith.mulf %mul3A_86, %get3A_15 : vector<256x128xf32>
    %mul3A_94 = arith.mulf %concatenate3A_92, %get3A_18 : vector<256x128xf32>
    %add3A_95 = arith.addf %mul3A_93, %mul3A_94 : vector<256x128xf32>
    %convert_element_type3A_96 = arith.truncf %add3A_95 : vector<256x128xf32> to vector<256x128xbf16>
    %slice3A_97 = vector.extract_strided_slice %dot_general3A_29 {offsets = [0, 256], sizes = [256, 128], strides = [1, 1]} : vector<256x2048xf32> to vector<256x128xf32>
    %square3A_98 = arith.mulf %slice3A_97, %slice3A_97 : vector<256x128xf32>
    %reduce_sum3A_99 = arith.constant dense<0.000000e+00> : vector<256xf32>
    %reduce_sum3A_100 = vector.multi_reduction <add>, %square3A_98, %reduce_sum3A_99 [1] : vector<256x128xf32> to vector<256xf32>
    %broadcast_in_dim3A_101 = vector.shape_cast %reduce_sum3A_100 : vector<256xf32> to vector<256x1xf32>
    %div3A_102 = arith.constant 1.280000e+02 : f32
    %div3A_103 = vector.broadcast %div3A_102 : f32 to vector<256x1xf32>
    %div3A_104 = arith.divf %broadcast_in_dim3A_101, %div3A_103 : vector<256x1xf32>
    %add3A_105 = arith.constant 9.99999997E-7 : f32
    %add3A_106 = vector.broadcast %add3A_105 : f32 to vector<256x1xf32>
    %add3A_107 = arith.addf %div3A_104, %add3A_106 : vector<256x1xf32>
    %rsqrt3A_108 = math.rsqrt %add3A_107 : vector<256x1xf32>
    %mul3A_109 = vector.broadcast %rsqrt3A_108 : vector<256x1xf32> to vector<256x128xf32>
    %mul3A_110 = arith.mulf %slice3A_97, %mul3A_109 : vector<256x128xf32>
    %mul3A_111 = vector.broadcast %get3A_21 : vector<1x128xf32> to vector<256x128xf32>
    %mul3A_112 = arith.mulf %mul3A_110, %mul3A_111 : vector<256x128xf32>
    %mul3A_113 = arith.constant 0.0883883461 : f32
    %mul3A_114 = vector.broadcast %mul3A_113 : f32 to vector<256x128xf32>
    %mul3A_115 = arith.mulf %mul3A_112, %mul3A_114 : vector<256x128xf32>
    %slice3A_116 = vector.extract_strided_slice %mul3A_115 {offsets = [0, 64], sizes = [256, 64], strides = [1, 1]} : vector<256x128xf32> to vector<256x64xf32>
    %neg3A_117 = arith.constant 0.000000e+00 : f32
    %neg3A_118 = vector.broadcast %neg3A_117 : f32 to vector<256x64xf32>
    %neg3A_119 = arith.subf %neg3A_118, %slice3A_116 : vector<256x64xf32>
    %slice3A_120 = vector.extract_strided_slice %mul3A_115 {offsets = [0, 0], sizes = [256, 64], strides = [1, 1]} : vector<256x128xf32> to vector<256x64xf32>
    %concatenate3A_121 = tpu.concatenate %neg3A_119, %slice3A_120 in 1 : vector<256x64xf32>, vector<256x64xf32> -> vector<256x128xf32>
    %mul3A_122 = arith.mulf %mul3A_115, %get3A_15 : vector<256x128xf32>
    %mul3A_123 = arith.mulf %concatenate3A_121, %get3A_18 : vector<256x128xf32>
    %add3A_124 = arith.addf %mul3A_122, %mul3A_123 : vector<256x128xf32>
    %convert_element_type3A_125 = arith.truncf %add3A_124 : vector<256x128xf32> to vector<256x128xbf16>
    %slice3A_126 = vector.extract_strided_slice %dot_general3A_29 {offsets = [0, 384], sizes = [256, 128], strides = [1, 1]} : vector<256x2048xf32> to vector<256x128xf32>
    %square3A_127 = arith.mulf %slice3A_126, %slice3A_126 : vector<256x128xf32>
    %reduce_sum3A_128 = arith.constant dense<0.000000e+00> : vector<256xf32>
    %reduce_sum3A_129 = vector.multi_reduction <add>, %square3A_127, %reduce_sum3A_128 [1] : vector<256x128xf32> to vector<256xf32>
    %broadcast_in_dim3A_130 = vector.shape_cast %reduce_sum3A_129 : vector<256xf32> to vector<256x1xf32>
    %div3A_131 = arith.constant 1.280000e+02 : f32
    %div3A_132 = vector.broadcast %div3A_131 : f32 to vector<256x1xf32>
    %div3A_133 = arith.divf %broadcast_in_dim3A_130, %div3A_132 : vector<256x1xf32>
    %add3A_134 = arith.constant 9.99999997E-7 : f32
    %add3A_135 = vector.broadcast %add3A_134 : f32 to vector<256x1xf32>
    %add3A_136 = arith.addf %div3A_133, %add3A_135 : vector<256x1xf32>
    %rsqrt3A_137 = math.rsqrt %add3A_136 : vector<256x1xf32>
    %mul3A_138 = vector.broadcast %rsqrt3A_137 : vector<256x1xf32> to vector<256x128xf32>
    %mul3A_139 = arith.mulf %slice3A_126, %mul3A_138 : vector<256x128xf32>
    %mul3A_140 = vector.broadcast %get3A_21 : vector<1x128xf32> to vector<256x128xf32>
    %mul3A_141 = arith.mulf %mul3A_139, %mul3A_140 : vector<256x128xf32>
    %mul3A_142 = arith.constant 0.0883883461 : f32
    %mul3A_143 = vector.broadcast %mul3A_142 : f32 to vector<256x128xf32>
    %mul3A_144 = arith.mulf %mul3A_141, %mul3A_143 : vector<256x128xf32>
    %slice3A_145 = vector.extract_strided_slice %mul3A_144 {offsets = [0, 64], sizes = [256, 64], strides = [1, 1]} : vector<256x128xf32> to vector<256x64xf32>
    %neg3A_146 = arith.constant 0.000000e+00 : f32
    %neg3A_147 = vector.broadcast %neg3A_146 : f32 to vector<256x64xf32>
    %neg3A_148 = arith.subf %neg3A_147, %slice3A_145 : vector<256x64xf32>
    %slice3A_149 = vector.extract_strided_slice %mul3A_144 {offsets = [0, 0], sizes = [256, 64], strides = [1, 1]} : vector<256x128xf32> to vector<256x64xf32>
    %concatenate3A_150 = tpu.concatenate %neg3A_148, %slice3A_149 in 1 : vector<256x64xf32>, vector<256x64xf32> -> vector<256x128xf32>
    %mul3A_151 = arith.mulf %mul3A_144, %get3A_15 : vector<256x128xf32>
    %mul3A_152 = arith.mulf %concatenate3A_150, %get3A_18 : vector<256x128xf32>
    %add3A_153 = arith.addf %mul3A_151, %mul3A_152 : vector<256x128xf32>
    %convert_element_type3A_154 = arith.truncf %add3A_153 : vector<256x128xf32> to vector<256x128xbf16>
    %slice3A_155 = vector.extract_strided_slice %dot_general3A_29 {offsets = [0, 512], sizes = [256, 128], strides = [1, 1]} : vector<256x2048xf32> to vector<256x128xf32>
    %square3A_156 = arith.mulf %slice3A_155, %slice3A_155 : vector<256x128xf32>
    %reduce_sum3A_157 = arith.constant dense<0.000000e+00> : vector<256xf32>
    %reduce_sum3A_158 = vector.multi_reduction <add>, %square3A_156, %reduce_sum3A_157 [1] : vector<256x128xf32> to vector<256xf32>
    %broadcast_in_dim3A_159 = vector.shape_cast %reduce_sum3A_158 : vector<256xf32> to vector<256x1xf32>
    %div3A_160 = arith.constant 1.280000e+02 : f32
    %div3A_161 = vector.broadcast %div3A_160 : f32 to vector<256x1xf32>
    %div3A_162 = arith.divf %broadcast_in_dim3A_159, %div3A_161 : vector<256x1xf32>
    %add3A_163 = arith.constant 9.99999997E-7 : f32
    %add3A_164 = vector.broadcast %add3A_163 : f32 to vector<256x1xf32>
    %add3A_165 = arith.addf %div3A_162, %add3A_164 : vector<256x1xf32>
    %rsqrt3A_166 = math.rsqrt %add3A_165 : vector<256x1xf32>
    %mul3A_167 = vector.broadcast %rsqrt3A_166 : vector<256x1xf32> to vector<256x128xf32>
    %mul3A_168 = arith.mulf %slice3A_155, %mul3A_167 : vector<256x128xf32>
    %mul3A_169 = vector.broadcast %get3A_21 : vector<1x128xf32> to vector<256x128xf32>
    %mul3A_170 = arith.mulf %mul3A_168, %mul3A_169 : vector<256x128xf32>
    %mul3A_171 = arith.constant 0.0883883461 : f32
    %mul3A_172 = vector.broadcast %mul3A_171 : f32 to vector<256x128xf32>
    %mul3A_173 = arith.mulf %mul3A_170, %mul3A_172 : vector<256x128xf32>
    %slice3A_174 = vector.extract_strided_slice %mul3A_173 {offsets = [0, 64], sizes = [256, 64], strides = [1, 1]} : vector<256x128xf32> to vector<256x64xf32>
    %neg3A_175 = arith.constant 0.000000e+00 : f32
    %neg3A_176 = vector.broadcast %neg3A_175 : f32 to vector<256x64xf32>
    %neg3A_177 = arith.subf %neg3A_176, %slice3A_174 : vector<256x64xf32>
    %slice3A_178 = vector.extract_strided_slice %mul3A_173 {offsets = [0, 0], sizes = [256, 64], strides = [1, 1]} : vector<256x128xf32> to vector<256x64xf32>
    %concatenate3A_179 = tpu.concatenate %neg3A_177, %slice3A_178 in 1 : vector<256x64xf32>, vector<256x64xf32> -> vector<256x128xf32>
    %mul3A_180 = arith.mulf %mul3A_173, %get3A_15 : vector<256x128xf32>
    %mul3A_181 = arith.mulf %concatenate3A_179, %get3A_18 : vector<256x128xf32>
    %add3A_182 = arith.addf %mul3A_180, %mul3A_181 : vector<256x128xf32>
    %convert_element_type3A_183 = arith.truncf %add3A_182 : vector<256x128xf32> to vector<256x128xbf16>
    %slice3A_184 = vector.extract_strided_slice %dot_general3A_29 {offsets = [0, 640], sizes = [256, 128], strides = [1, 1]} : vector<256x2048xf32> to vector<256x128xf32>
    %square3A_185 = arith.mulf %slice3A_184, %slice3A_184 : vector<256x128xf32>
    %reduce_sum3A_186 = arith.constant dense<0.000000e+00> : vector<256xf32>
    %reduce_sum3A_187 = vector.multi_reduction <add>, %square3A_185, %reduce_sum3A_186 [1] : vector<256x128xf32> to vector<256xf32>
    %broadcast_in_dim3A_188 = vector.shape_cast %reduce_sum3A_187 : vector<256xf32> to vector<256x1xf32>
    %div3A_189 = arith.constant 1.280000e+02 : f32
    %div3A_190 = vector.broadcast %div3A_189 : f32 to vector<256x1xf32>
    %div3A_191 = arith.divf %broadcast_in_dim3A_188, %div3A_190 : vector<256x1xf32>
    %add3A_192 = arith.constant 9.99999997E-7 : f32
    %add3A_193 = vector.broadcast %add3A_192 : f32 to vector<256x1xf32>
    %add3A_194 = arith.addf %div3A_191, %add3A_193 : vector<256x1xf32>
    %rsqrt3A_195 = math.rsqrt %add3A_194 : vector<256x1xf32>
    %mul3A_196 = vector.broadcast %rsqrt3A_195 : vector<256x1xf32> to vector<256x128xf32>
    %mul3A_197 = arith.mulf %slice3A_184, %mul3A_196 : vector<256x128xf32>
    %mul3A_198 = vector.broadcast %get3A_21 : vector<1x128xf32> to vector<256x128xf32>
    %mul3A_199 = arith.mulf %mul3A_197, %mul3A_198 : vector<256x128xf32>
    %mul3A_200 = arith.constant 0.0883883461 : f32
    %mul3A_201 = vector.broadcast %mul3A_200 : f32 to vector<256x128xf32>
    %mul3A_202 = arith.mulf %mul3A_199, %mul3A_201 : vector<256x128xf32>
    %slice3A_203 = vector.extract_strided_slice %mul3A_202 {offsets = [0, 64], sizes = [256, 64], strides = [1, 1]} : vector<256x128xf32> to vector<256x64xf32>
    %neg3A_204 = arith.constant 0.000000e+00 : f32
    %neg3A_205 = vector.broadcast %neg3A_204 : f32 to vector<256x64xf32>
    %neg3A_206 = arith.subf %neg3A_205, %slice3A_203 : vector<256x64xf32>
    %slice3A_207 = vector.extract_strided_slice %mul3A_202 {offsets = [0, 0], sizes = [256, 64], strides = [1, 1]} : vector<256x128xf32> to vector<256x64xf32>
    %concatenate3A_208 = tpu.concatenate %neg3A_206, %slice3A_207 in 1 : vector<256x64xf32>, vector<256x64xf32> -> vector<256x128xf32>
    %mul3A_209 = arith.mulf %mul3A_202, %get3A_15 : vector<256x128xf32>
    %mul3A_210 = arith.mulf %concatenate3A_208, %get3A_18 : vector<256x128xf32>
    %add3A_211 = arith.addf %mul3A_209, %mul3A_210 : vector<256x128xf32>
    %convert_element_type3A_212 = arith.truncf %add3A_211 : vector<256x128xf32> to vector<256x128xbf16>
    %slice3A_213 = vector.extract_strided_slice %dot_general3A_29 {offsets = [0, 768], sizes = [256, 128], strides = [1, 1]} : vector<256x2048xf32> to vector<256x128xf32>
    %square3A_214 = arith.mulf %slice3A_213, %slice3A_213 : vector<256x128xf32>
    %reduce_sum3A_215 = arith.constant dense<0.000000e+00> : vector<256xf32>
    %reduce_sum3A_216 = vector.multi_reduction <add>, %square3A_214, %reduce_sum3A_215 [1] : vector<256x128xf32> to vector<256xf32>
    %broadcast_in_dim3A_217 = vector.shape_cast %reduce_sum3A_216 : vector<256xf32> to vector<256x1xf32>
    %div3A_218 = arith.constant 1.280000e+02 : f32
    %div3A_219 = vector.broadcast %div3A_218 : f32 to vector<256x1xf32>
    %div3A_220 = arith.divf %broadcast_in_dim3A_217, %div3A_219 : vector<256x1xf32>
    %add3A_221 = arith.constant 9.99999997E-7 : f32
    %add3A_222 = vector.broadcast %add3A_221 : f32 to vector<256x1xf32>
    %add3A_223 = arith.addf %div3A_220, %add3A_222 : vector<256x1xf32>
    %rsqrt3A_224 = math.rsqrt %add3A_223 : vector<256x1xf32>
    %mul3A_225 = vector.broadcast %rsqrt3A_224 : vector<256x1xf32> to vector<256x128xf32>
    %mul3A_226 = arith.mulf %slice3A_213, %mul3A_225 : vector<256x128xf32>
    %mul3A_227 = vector.broadcast %get3A_21 : vector<1x128xf32> to vector<256x128xf32>
    %mul3A_228 = arith.mulf %mul3A_226, %mul3A_227 : vector<256x128xf32>
    %mul3A_229 = arith.constant 0.0883883461 : f32
    %mul3A_230 = vector.broadcast %mul3A_229 : f32 to vector<256x128xf32>
    %mul3A_231 = arith.mulf %mul3A_228, %mul3A_230 : vector<256x128xf32>
    %slice3A_232 = vector.extract_strided_slice %mul3A_231 {offsets = [0, 64], sizes = [256, 64], strides = [1, 1]} : vector<256x128xf32> to vector<256x64xf32>
    %neg3A_233 = arith.constant 0.000000e+00 : f32
    %neg3A_234 = vector.broadcast %neg3A_233 : f32 to vector<256x64xf32>
    %neg3A_235 = arith.subf %neg3A_234, %slice3A_232 : vector<256x64xf32>
    %slice3A_236 = vector.extract_strided_slice %mul3A_231 {offsets = [0, 0], sizes = [256, 64], strides = [1, 1]} : vector<256x128xf32> to vector<256x64xf32>
    %concatenate3A_237 = tpu.concatenate %neg3A_235, %slice3A_236 in 1 : vector<256x64xf32>, vector<256x64xf32> -> vector<256x128xf32>
    %mul3A_238 = arith.mulf %mul3A_231, %get3A_15 : vector<256x128xf32>
    %mul3A_239 = arith.mulf %concatenate3A_237, %get3A_18 : vector<256x128xf32>
    %add3A_240 = arith.addf %mul3A_238, %mul3A_239 : vector<256x128xf32>
    %convert_element_type3A_241 = arith.truncf %add3A_240 : vector<256x128xf32> to vector<256x128xbf16>
    %slice3A_242 = vector.extract_strided_slice %dot_general3A_29 {offsets = [0, 896], sizes = [256, 128], strides = [1, 1]} : vector<256x2048xf32> to vector<256x128xf32>
    %square3A_243 = arith.mulf %slice3A_242, %slice3A_242 : vector<256x128xf32>
    %reduce_sum3A_244 = arith.constant dense<0.000000e+00> : vector<256xf32>
    %reduce_sum3A_245 = vector.multi_reduction <add>, %square3A_243, %reduce_sum3A_244 [1] : vector<256x128xf32> to vector<256xf32>
    %broadcast_in_dim3A_246 = vector.shape_cast %reduce_sum3A_245 : vector<256xf32> to vector<256x1xf32>
    %div3A_247 = arith.constant 1.280000e+02 : f32
    %div3A_248 = vector.broadcast %div3A_247 : f32 to vector<256x1xf32>
    %div3A_249 = arith.divf %broadcast_in_dim3A_246, %div3A_248 : vector<256x1xf32>
    %add3A_250 = arith.constant 9.99999997E-7 : f32
    %add3A_251 = vector.broadcast %add3A_250 : f32 to vector<256x1xf32>
    %add3A_252 = arith.addf %div3A_249, %add3A_251 : vector<256x1xf32>
    %rsqrt3A_253 = math.rsqrt %add3A_252 : vector<256x1xf32>
    %mul3A_254 = vector.broadcast %rsqrt3A_253 : vector<256x1xf32> to vector<256x128xf32>
    %mul3A_255 = arith.mulf %slice3A_242, %mul3A_254 : vector<256x128xf32>
    %mul3A_256 = vector.broadcast %get3A_21 : vector<1x128xf32> to vector<256x128xf32>
    %mul3A_257 = arith.mulf %mul3A_255, %mul3A_256 : vector<256x128xf32>
    %mul3A_258 = arith.constant 0.0883883461 : f32
    %mul3A_259 = vector.broadcast %mul3A_258 : f32 to vector<256x128xf32>
    %mul3A_260 = arith.mulf %mul3A_257, %mul3A_259 : vector<256x128xf32>
    %slice3A_261 = vector.extract_strided_slice %mul3A_260 {offsets = [0, 64], sizes = [256, 64], strides = [1, 1]} : vector<256x128xf32> to vector<256x64xf32>
    %neg3A_262 = arith.constant 0.000000e+00 : f32
    %neg3A_263 = vector.broadcast %neg3A_262 : f32 to vector<256x64xf32>
    %neg3A_264 = arith.subf %neg3A_263, %slice3A_261 : vector<256x64xf32>
    %slice3A_265 = vector.extract_strided_slice %mul3A_260 {offsets = [0, 0], sizes = [256, 64], strides = [1, 1]} : vector<256x128xf32> to vector<256x64xf32>
    %concatenate3A_266 = tpu.concatenate %neg3A_264, %slice3A_265 in 1 : vector<256x64xf32>, vector<256x64xf32> -> vector<256x128xf32>
    %mul3A_267 = arith.mulf %mul3A_260, %get3A_15 : vector<256x128xf32>
    %mul3A_268 = arith.mulf %concatenate3A_266, %get3A_18 : vector<256x128xf32>
    %add3A_269 = arith.addf %mul3A_267, %mul3A_268 : vector<256x128xf32>
    %convert_element_type3A_270 = arith.truncf %add3A_269 : vector<256x128xf32> to vector<256x128xbf16>
    %slice3A_271 = vector.extract_strided_slice %dot_general3A_29 {offsets = [0, 1024], sizes = [256, 128], strides = [1, 1]} : vector<256x2048xf32> to vector<256x128xf32>
    %square3A_272 = arith.mulf %slice3A_271, %slice3A_271 : vector<256x128xf32>
    %reduce_sum3A_273 = arith.constant dense<0.000000e+00> : vector<256xf32>
    %reduce_sum3A_274 = vector.multi_reduction <add>, %square3A_272, %reduce_sum3A_273 [1] : vector<256x128xf32> to vector<256xf32>
    %broadcast_in_dim3A_275 = vector.shape_cast %reduce_sum3A_274 : vector<256xf32> to vector<256x1xf32>
    %div3A_276 = arith.constant 1.280000e+02 : f32
    %div3A_277 = vector.broadcast %div3A_276 : f32 to vector<256x1xf32>
    %div3A_278 = arith.divf %broadcast_in_dim3A_275, %div3A_277 : vector<256x1xf32>
    %add3A_279 = arith.constant 9.99999997E-7 : f32
    %add3A_280 = vector.broadcast %add3A_279 : f32 to vector<256x1xf32>
    %add3A_281 = arith.addf %div3A_278, %add3A_280 : vector<256x1xf32>
    %rsqrt3A_282 = math.rsqrt %add3A_281 : vector<256x1xf32>
    %mul3A_283 = vector.broadcast %rsqrt3A_282 : vector<256x1xf32> to vector<256x128xf32>
    %mul3A_284 = arith.mulf %slice3A_271, %mul3A_283 : vector<256x128xf32>
    %mul3A_285 = vector.broadcast %get3A_21 : vector<1x128xf32> to vector<256x128xf32>
    %mul3A_286 = arith.mulf %mul3A_284, %mul3A_285 : vector<256x128xf32>
    %mul3A_287 = arith.constant 0.0883883461 : f32
    %mul3A_288 = vector.broadcast %mul3A_287 : f32 to vector<256x128xf32>
    %mul3A_289 = arith.mulf %mul3A_286, %mul3A_288 : vector<256x128xf32>
    %slice3A_290 = vector.extract_strided_slice %mul3A_289 {offsets = [0, 64], sizes = [256, 64], strides = [1, 1]} : vector<256x128xf32> to vector<256x64xf32>
    %neg3A_291 = arith.constant 0.000000e+00 : f32
    %neg3A_292 = vector.broadcast %neg3A_291 : f32 to vector<256x64xf32>
    %neg3A_293 = arith.subf %neg3A_292, %slice3A_290 : vector<256x64xf32>
    %slice3A_294 = vector.extract_strided_slice %mul3A_289 {offsets = [0, 0], sizes = [256, 64], strides = [1, 1]} : vector<256x128xf32> to vector<256x64xf32>
    %concatenate3A_295 = tpu.concatenate %neg3A_293, %slice3A_294 in 1 : vector<256x64xf32>, vector<256x64xf32> -> vector<256x128xf32>
    %mul3A_296 = arith.mulf %mul3A_289, %get3A_15 : vector<256x128xf32>
    %mul3A_297 = arith.mulf %concatenate3A_295, %get3A_18 : vector<256x128xf32>
    %add3A_298 = arith.addf %mul3A_296, %mul3A_297 : vector<256x128xf32>
    %convert_element_type3A_299 = arith.truncf %add3A_298 : vector<256x128xf32> to vector<256x128xbf16>
    %slice3A_300 = vector.extract_strided_slice %dot_general3A_29 {offsets = [0, 1152], sizes = [256, 128], strides = [1, 1]} : vector<256x2048xf32> to vector<256x128xf32>
    %square3A_301 = arith.mulf %slice3A_300, %slice3A_300 : vector<256x128xf32>
    %reduce_sum3A_302 = arith.constant dense<0.000000e+00> : vector<256xf32>
    %reduce_sum3A_303 = vector.multi_reduction <add>, %square3A_301, %reduce_sum3A_302 [1] : vector<256x128xf32> to vector<256xf32>
    %broadcast_in_dim3A_304 = vector.shape_cast %reduce_sum3A_303 : vector<256xf32> to vector<256x1xf32>
    %div3A_305 = arith.constant 1.280000e+02 : f32
    %div3A_306 = vector.broadcast %div3A_305 : f32 to vector<256x1xf32>
    %div3A_307 = arith.divf %broadcast_in_dim3A_304, %div3A_306 : vector<256x1xf32>
    %add3A_308 = arith.constant 9.99999997E-7 : f32
    %add3A_309 = vector.broadcast %add3A_308 : f32 to vector<256x1xf32>
    %add3A_310 = arith.addf %div3A_307, %add3A_309 : vector<256x1xf32>
    %rsqrt3A_311 = math.rsqrt %add3A_310 : vector<256x1xf32>
    %mul3A_312 = vector.broadcast %rsqrt3A_311 : vector<256x1xf32> to vector<256x128xf32>
    %mul3A_313 = arith.mulf %slice3A_300, %mul3A_312 : vector<256x128xf32>
    %mul3A_314 = vector.broadcast %get3A_21 : vector<1x128xf32> to vector<256x128xf32>
    %mul3A_315 = arith.mulf %mul3A_313, %mul3A_314 : vector<256x128xf32>
    %mul3A_316 = arith.constant 0.0883883461 : f32
    %mul3A_317 = vector.broadcast %mul3A_316 : f32 to vector<256x128xf32>
    %mul3A_318 = arith.mulf %mul3A_315, %mul3A_317 : vector<256x128xf32>
    %slice3A_319 = vector.extract_strided_slice %mul3A_318 {offsets = [0, 64], sizes = [256, 64], strides = [1, 1]} : vector<256x128xf32> to vector<256x64xf32>
    %neg3A_320 = arith.constant 0.000000e+00 : f32
    %neg3A_321 = vector.broadcast %neg3A_320 : f32 to vector<256x64xf32>
    %neg3A_322 = arith.subf %neg3A_321, %slice3A_319 : vector<256x64xf32>
    %slice3A_323 = vector.extract_strided_slice %mul3A_318 {offsets = [0, 0], sizes = [256, 64], strides = [1, 1]} : vector<256x128xf32> to vector<256x64xf32>
    %concatenate3A_324 = tpu.concatenate %neg3A_322, %slice3A_323 in 1 : vector<256x64xf32>, vector<256x64xf32> -> vector<256x128xf32>
    %mul3A_325 = arith.mulf %mul3A_318, %get3A_15 : vector<256x128xf32>
    %mul3A_326 = arith.mulf %concatenate3A_324, %get3A_18 : vector<256x128xf32>
    %add3A_327 = arith.addf %mul3A_325, %mul3A_326 : vector<256x128xf32>
    %convert_element_type3A_328 = arith.truncf %add3A_327 : vector<256x128xf32> to vector<256x128xbf16>
    %slice3A_329 = vector.extract_strided_slice %dot_general3A_29 {offsets = [0, 1280], sizes = [256, 128], strides = [1, 1]} : vector<256x2048xf32> to vector<256x128xf32>
    %square3A_330 = arith.mulf %slice3A_329, %slice3A_329 : vector<256x128xf32>
    %reduce_sum3A_331 = arith.constant dense<0.000000e+00> : vector<256xf32>
    %reduce_sum3A_332 = vector.multi_reduction <add>, %square3A_330, %reduce_sum3A_331 [1] : vector<256x128xf32> to vector<256xf32>
    %broadcast_in_dim3A_333 = vector.shape_cast %reduce_sum3A_332 : vector<256xf32> to vector<256x1xf32>
    %div3A_334 = arith.constant 1.280000e+02 : f32
    %div3A_335 = vector.broadcast %div3A_334 : f32 to vector<256x1xf32>
    %div3A_336 = arith.divf %broadcast_in_dim3A_333, %div3A_335 : vector<256x1xf32>
    %add3A_337 = arith.constant 9.99999997E-7 : f32
    %add3A_338 = vector.broadcast %add3A_337 : f32 to vector<256x1xf32>
    %add3A_339 = arith.addf %div3A_336, %add3A_338 : vector<256x1xf32>
    %rsqrt3A_340 = math.rsqrt %add3A_339 : vector<256x1xf32>
    %mul3A_341 = vector.broadcast %rsqrt3A_340 : vector<256x1xf32> to vector<256x128xf32>
    %mul3A_342 = arith.mulf %slice3A_329, %mul3A_341 : vector<256x128xf32>
    %mul3A_343 = vector.broadcast %get3A_21 : vector<1x128xf32> to vector<256x128xf32>
    %mul3A_344 = arith.mulf %mul3A_342, %mul3A_343 : vector<256x128xf32>
    %mul3A_345 = arith.constant 0.0883883461 : f32
    %mul3A_346 = vector.broadcast %mul3A_345 : f32 to vector<256x128xf32>
    %mul3A_347 = arith.mulf %mul3A_344, %mul3A_346 : vector<256x128xf32>
    %slice3A_348 = vector.extract_strided_slice %mul3A_347 {offsets = [0, 64], sizes = [256, 64], strides = [1, 1]} : vector<256x128xf32> to vector<256x64xf32>
    %neg3A_349 = arith.constant 0.000000e+00 : f32
    %neg3A_350 = vector.broadcast %neg3A_349 : f32 to vector<256x64xf32>
    %neg3A_351 = arith.subf %neg3A_350, %slice3A_348 : vector<256x64xf32>
    %slice3A_352 = vector.extract_strided_slice %mul3A_347 {offsets = [0, 0], sizes = [256, 64], strides = [1, 1]} : vector<256x128xf32> to vector<256x64xf32>
    %concatenate3A_353 = tpu.concatenate %neg3A_351, %slice3A_352 in 1 : vector<256x64xf32>, vector<256x64xf32> -> vector<256x128xf32>
    %mul3A_354 = arith.mulf %mul3A_347, %get3A_15 : vector<256x128xf32>
    %mul3A_355 = arith.mulf %concatenate3A_353, %get3A_18 : vector<256x128xf32>
    %add3A_356 = arith.addf %mul3A_354, %mul3A_355 : vector<256x128xf32>
    %convert_element_type3A_357 = arith.truncf %add3A_356 : vector<256x128xf32> to vector<256x128xbf16>
    %slice3A_358 = vector.extract_strided_slice %dot_general3A_29 {offsets = [0, 1408], sizes = [256, 128], strides = [1, 1]} : vector<256x2048xf32> to vector<256x128xf32>
    %square3A_359 = arith.mulf %slice3A_358, %slice3A_358 : vector<256x128xf32>
    %reduce_sum3A_360 = arith.constant dense<0.000000e+00> : vector<256xf32>
    %reduce_sum3A_361 = vector.multi_reduction <add>, %square3A_359, %reduce_sum3A_360 [1] : vector<256x128xf32> to vector<256xf32>
    %broadcast_in_dim3A_362 = vector.shape_cast %reduce_sum3A_361 : vector<256xf32> to vector<256x1xf32>
    %div3A_363 = arith.constant 1.280000e+02 : f32
    %div3A_364 = vector.broadcast %div3A_363 : f32 to vector<256x1xf32>
    %div3A_365 = arith.divf %broadcast_in_dim3A_362, %div3A_364 : vector<256x1xf32>
    %add3A_366 = arith.constant 9.99999997E-7 : f32
    %add3A_367 = vector.broadcast %add3A_366 : f32 to vector<256x1xf32>
    %add3A_368 = arith.addf %div3A_365, %add3A_367 : vector<256x1xf32>
    %rsqrt3A_369 = math.rsqrt %add3A_368 : vector<256x1xf32>
    %mul3A_370 = vector.broadcast %rsqrt3A_369 : vector<256x1xf32> to vector<256x128xf32>
    %mul3A_371 = arith.mulf %slice3A_358, %mul3A_370 : vector<256x128xf32>
    %mul3A_372 = vector.broadcast %get3A_21 : vector<1x128xf32> to vector<256x128xf32>
    %mul3A_373 = arith.mulf %mul3A_371, %mul3A_372 : vector<256x128xf32>
    %mul3A_374 = arith.constant 0.0883883461 : f32
    %mul3A_375 = vector.broadcast %mul3A_374 : f32 to vector<256x128xf32>
    %mul3A_376 = arith.mulf %mul3A_373, %mul3A_375 : vector<256x128xf32>
    %slice3A_377 = vector.extract_strided_slice %mul3A_376 {offsets = [0, 64], sizes = [256, 64], strides = [1, 1]} : vector<256x128xf32> to vector<256x64xf32>
    %neg3A_378 = arith.constant 0.000000e+00 : f32
    %neg3A_379 = vector.broadcast %neg3A_378 : f32 to vector<256x64xf32>
    %neg3A_380 = arith.subf %neg3A_379, %slice3A_377 : vector<256x64xf32>
    %slice3A_381 = vector.extract_strided_slice %mul3A_376 {offsets = [0, 0], sizes = [256, 64], strides = [1, 1]} : vector<256x128xf32> to vector<256x64xf32>
    %concatenate3A_382 = tpu.concatenate %neg3A_380, %slice3A_381 in 1 : vector<256x64xf32>, vector<256x64xf32> -> vector<256x128xf32>
    %mul3A_383 = arith.mulf %mul3A_376, %get3A_15 : vector<256x128xf32>
    %mul3A_384 = arith.mulf %concatenate3A_382, %get3A_18 : vector<256x128xf32>
    %add3A_385 = arith.addf %mul3A_383, %mul3A_384 : vector<256x128xf32>
    %convert_element_type3A_386 = arith.truncf %add3A_385 : vector<256x128xf32> to vector<256x128xbf16>
    %slice3A_387 = vector.extract_strided_slice %dot_general3A_29 {offsets = [0, 1536], sizes = [256, 128], strides = [1, 1]} : vector<256x2048xf32> to vector<256x128xf32>
    %square3A_388 = arith.mulf %slice3A_387, %slice3A_387 : vector<256x128xf32>
    %reduce_sum3A_389 = arith.constant dense<0.000000e+00> : vector<256xf32>
    %reduce_sum3A_390 = vector.multi_reduction <add>, %square3A_388, %reduce_sum3A_389 [1] : vector<256x128xf32> to vector<256xf32>
    %broadcast_in_dim3A_391 = vector.shape_cast %reduce_sum3A_390 : vector<256xf32> to vector<256x1xf32>
    %div3A_392 = arith.constant 1.280000e+02 : f32
    %div3A_393 = vector.broadcast %div3A_392 : f32 to vector<256x1xf32>
    %div3A_394 = arith.divf %broadcast_in_dim3A_391, %div3A_393 : vector<256x1xf32>
    %add3A_395 = arith.constant 9.99999997E-7 : f32
    %add3A_396 = vector.broadcast %add3A_395 : f32 to vector<256x1xf32>
    %add3A_397 = arith.addf %div3A_394, %add3A_396 : vector<256x1xf32>
    %rsqrt3A_398 = math.rsqrt %add3A_397 : vector<256x1xf32>
    %mul3A_399 = vector.broadcast %rsqrt3A_398 : vector<256x1xf32> to vector<256x128xf32>
    %mul3A_400 = arith.mulf %slice3A_387, %mul3A_399 : vector<256x128xf32>
    %mul3A_401 = vector.broadcast %get3A_21 : vector<1x128xf32> to vector<256x128xf32>
    %mul3A_402 = arith.mulf %mul3A_400, %mul3A_401 : vector<256x128xf32>
    %mul3A_403 = arith.constant 0.0883883461 : f32
    %mul3A_404 = vector.broadcast %mul3A_403 : f32 to vector<256x128xf32>
    %mul3A_405 = arith.mulf %mul3A_402, %mul3A_404 : vector<256x128xf32>
    %slice3A_406 = vector.extract_strided_slice %mul3A_405 {offsets = [0, 64], sizes = [256, 64], strides = [1, 1]} : vector<256x128xf32> to vector<256x64xf32>
    %neg3A_407 = arith.constant 0.000000e+00 : f32
    %neg3A_408 = vector.broadcast %neg3A_407 : f32 to vector<256x64xf32>
    %neg3A_409 = arith.subf %neg3A_408, %slice3A_406 : vector<256x64xf32>
    %slice3A_410 = vector.extract_strided_slice %mul3A_405 {offsets = [0, 0], sizes = [256, 64], strides = [1, 1]} : vector<256x128xf32> to vector<256x64xf32>
    %concatenate3A_411 = tpu.concatenate %neg3A_409, %slice3A_410 in 1 : vector<256x64xf32>, vector<256x64xf32> -> vector<256x128xf32>
    %mul3A_412 = arith.mulf %mul3A_405, %get3A_15 : vector<256x128xf32>
    %mul3A_413 = arith.mulf %concatenate3A_411, %get3A_18 : vector<256x128xf32>
    %add3A_414 = arith.addf %mul3A_412, %mul3A_413 : vector<256x128xf32>
    %convert_element_type3A_415 = arith.truncf %add3A_414 : vector<256x128xf32> to vector<256x128xbf16>
    %slice3A_416 = vector.extract_strided_slice %dot_general3A_29 {offsets = [0, 1664], sizes = [256, 128], strides = [1, 1]} : vector<256x2048xf32> to vector<256x128xf32>
    %square3A_417 = arith.mulf %slice3A_416, %slice3A_416 : vector<256x128xf32>
    %reduce_sum3A_418 = arith.constant dense<0.000000e+00> : vector<256xf32>
    %reduce_sum3A_419 = vector.multi_reduction <add>, %square3A_417, %reduce_sum3A_418 [1] : vector<256x128xf32> to vector<256xf32>
    %broadcast_in_dim3A_420 = vector.shape_cast %reduce_sum3A_419 : vector<256xf32> to vector<256x1xf32>
    %div3A_421 = arith.constant 1.280000e+02 : f32
    %div3A_422 = vector.broadcast %div3A_421 : f32 to vector<256x1xf32>
    %div3A_423 = arith.divf %broadcast_in_dim3A_420, %div3A_422 : vector<256x1xf32>
    %add3A_424 = arith.constant 9.99999997E-7 : f32
    %add3A_425 = vector.broadcast %add3A_424 : f32 to vector<256x1xf32>
    %add3A_426 = arith.addf %div3A_423, %add3A_425 : vector<256x1xf32>
    %rsqrt3A_427 = math.rsqrt %add3A_426 : vector<256x1xf32>
    %mul3A_428 = vector.broadcast %rsqrt3A_427 : vector<256x1xf32> to vector<256x128xf32>
    %mul3A_429 = arith.mulf %slice3A_416, %mul3A_428 : vector<256x128xf32>
    %mul3A_430 = vector.broadcast %get3A_21 : vector<1x128xf32> to vector<256x128xf32>
    %mul3A_431 = arith.mulf %mul3A_429, %mul3A_430 : vector<256x128xf32>
    %mul3A_432 = arith.constant 0.0883883461 : f32
    %mul3A_433 = vector.broadcast %mul3A_432 : f32 to vector<256x128xf32>
    %mul3A_434 = arith.mulf %mul3A_431, %mul3A_433 : vector<256x128xf32>
    %slice3A_435 = vector.extract_strided_slice %mul3A_434 {offsets = [0, 64], sizes = [256, 64], strides = [1, 1]} : vector<256x128xf32> to vector<256x64xf32>
    %neg3A_436 = arith.constant 0.000000e+00 : f32
    %neg3A_437 = vector.broadcast %neg3A_436 : f32 to vector<256x64xf32>
    %neg3A_438 = arith.subf %neg3A_437, %slice3A_435 : vector<256x64xf32>
    %slice3A_439 = vector.extract_strided_slice %mul3A_434 {offsets = [0, 0], sizes = [256, 64], strides = [1, 1]} : vector<256x128xf32> to vector<256x64xf32>
    %concatenate3A_440 = tpu.concatenate %neg3A_438, %slice3A_439 in 1 : vector<256x64xf32>, vector<256x64xf32> -> vector<256x128xf32>
    %mul3A_441 = arith.mulf %mul3A_434, %get3A_15 : vector<256x128xf32>
    %mul3A_442 = arith.mulf %concatenate3A_440, %get3A_18 : vector<256x128xf32>
    %add3A_443 = arith.addf %mul3A_441, %mul3A_442 : vector<256x128xf32>
    %convert_element_type3A_444 = arith.truncf %add3A_443 : vector<256x128xf32> to vector<256x128xbf16>
    %slice3A_445 = vector.extract_strided_slice %dot_general3A_29 {offsets = [0, 1792], sizes = [256, 128], strides = [1, 1]} : vector<256x2048xf32> to vector<256x128xf32>
    %square3A_446 = arith.mulf %slice3A_445, %slice3A_445 : vector<256x128xf32>
    %reduce_sum3A_447 = arith.constant dense<0.000000e+00> : vector<256xf32>
    %reduce_sum3A_448 = vector.multi_reduction <add>, %square3A_446, %reduce_sum3A_447 [1] : vector<256x128xf32> to vector<256xf32>
    %broadcast_in_dim3A_449 = vector.shape_cast %reduce_sum3A_448 : vector<256xf32> to vector<256x1xf32>
    %div3A_450 = arith.constant 1.280000e+02 : f32
    %div3A_451 = vector.broadcast %div3A_450 : f32 to vector<256x1xf32>
    %div3A_452 = arith.divf %broadcast_in_dim3A_449, %div3A_451 : vector<256x1xf32>
    %add3A_453 = arith.constant 9.99999997E-7 : f32
    %add3A_454 = vector.broadcast %add3A_453 : f32 to vector<256x1xf32>
    %add3A_455 = arith.addf %div3A_452, %add3A_454 : vector<256x1xf32>
    %rsqrt3A_456 = math.rsqrt %add3A_455 : vector<256x1xf32>
    %mul3A_457 = vector.broadcast %rsqrt3A_456 : vector<256x1xf32> to vector<256x128xf32>
    %mul3A_458 = arith.mulf %slice3A_445, %mul3A_457 : vector<256x128xf32>
    %mul3A_459 = vector.broadcast %get3A_21 : vector<1x128xf32> to vector<256x128xf32>
    %mul3A_460 = arith.mulf %mul3A_458, %mul3A_459 : vector<256x128xf32>
    %mul3A_461 = arith.constant 0.0883883461 : f32
    %mul3A_462 = vector.broadcast %mul3A_461 : f32 to vector<256x128xf32>
    %mul3A_463 = arith.mulf %mul3A_460, %mul3A_462 : vector<256x128xf32>
    %slice3A_464 = vector.extract_strided_slice %mul3A_463 {offsets = [0, 64], sizes = [256, 64], strides = [1, 1]} : vector<256x128xf32> to vector<256x64xf32>
    %neg3A_465 = arith.constant 0.000000e+00 : f32
    %neg3A_466 = vector.broadcast %neg3A_465 : f32 to vector<256x64xf32>
    %neg3A_467 = arith.subf %neg3A_466, %slice3A_464 : vector<256x64xf32>
    %slice3A_468 = vector.extract_strided_slice %mul3A_463 {offsets = [0, 0], sizes = [256, 64], strides = [1, 1]} : vector<256x128xf32> to vector<256x64xf32>
    %concatenate3A_469 = tpu.concatenate %neg3A_467, %slice3A_468 in 1 : vector<256x64xf32>, vector<256x64xf32> -> vector<256x128xf32>
    %mul3A_470 = arith.mulf %mul3A_463, %get3A_15 : vector<256x128xf32>
    %mul3A_471 = arith.mulf %concatenate3A_469, %get3A_18 : vector<256x128xf32>
    %add3A_472 = arith.addf %mul3A_470, %mul3A_471 : vector<256x128xf32>
    %convert_element_type3A_473 = arith.truncf %add3A_472 : vector<256x128xf32> to vector<256x128xbf16>
    %slice3A_474 = vector.extract_strided_slice %dot_general3A_29 {offsets = [0, 1920], sizes = [256, 128], strides = [1, 1]} : vector<256x2048xf32> to vector<256x128xf32>
    %square3A_475 = arith.mulf %slice3A_474, %slice3A_474 : vector<256x128xf32>
    %reduce_sum3A_476 = arith.constant dense<0.000000e+00> : vector<256xf32>
    %reduce_sum3A_477 = vector.multi_reduction <add>, %square3A_475, %reduce_sum3A_476 [1] : vector<256x128xf32> to vector<256xf32>
    %broadcast_in_dim3A_478 = vector.shape_cast %reduce_sum3A_477 : vector<256xf32> to vector<256x1xf32>
    %div3A_479 = arith.constant 1.280000e+02 : f32
    %div3A_480 = vector.broadcast %div3A_479 : f32 to vector<256x1xf32>
    %div3A_481 = arith.divf %broadcast_in_dim3A_478, %div3A_480 : vector<256x1xf32>
    %add3A_482 = arith.constant 9.99999997E-7 : f32
    %add3A_483 = vector.broadcast %add3A_482 : f32 to vector<256x1xf32>
    %add3A_484 = arith.addf %div3A_481, %add3A_483 : vector<256x1xf32>
    %rsqrt3A_485 = math.rsqrt %add3A_484 : vector<256x1xf32>
    %mul3A_486 = vector.broadcast %rsqrt3A_485 : vector<256x1xf32> to vector<256x128xf32>
    %mul3A_487 = arith.mulf %slice3A_474, %mul3A_486 : vector<256x128xf32>
    %mul3A_488 = vector.broadcast %get3A_21 : vector<1x128xf32> to vector<256x128xf32>
    %mul3A_489 = arith.mulf %mul3A_487, %mul3A_488 : vector<256x128xf32>
    %mul3A_490 = arith.constant 0.0883883461 : f32
    %mul3A_491 = vector.broadcast %mul3A_490 : f32 to vector<256x128xf32>
    %mul3A_492 = arith.mulf %mul3A_489, %mul3A_491 : vector<256x128xf32>
    %slice3A_493 = vector.extract_strided_slice %mul3A_492 {offsets = [0, 64], sizes = [256, 64], strides = [1, 1]} : vector<256x128xf32> to vector<256x64xf32>
    %neg3A_494 = arith.constant 0.000000e+00 : f32
    %neg3A_495 = vector.broadcast %neg3A_494 : f32 to vector<256x64xf32>
    %neg3A_496 = arith.subf %neg3A_495, %slice3A_493 : vector<256x64xf32>
    %slice3A_497 = vector.extract_strided_slice %mul3A_492 {offsets = [0, 0], sizes = [256, 64], strides = [1, 1]} : vector<256x128xf32> to vector<256x64xf32>
    %concatenate3A_498 = tpu.concatenate %neg3A_496, %slice3A_497 in 1 : vector<256x64xf32>, vector<256x64xf32> -> vector<256x128xf32>
    %mul3A_499 = arith.mulf %mul3A_492, %get3A_15 : vector<256x128xf32>
    %mul3A_500 = arith.mulf %concatenate3A_498, %get3A_18 : vector<256x128xf32>
    %add3A_501 = arith.addf %mul3A_499, %mul3A_500 : vector<256x128xf32>
    %convert_element_type3A_502 = arith.truncf %add3A_501 : vector<256x128xf32> to vector<256x128xbf16>
    %concatenate3A_503 = tpu.concatenate %convert_element_type3A_67, %convert_element_type3A_96, %convert_element_type3A_125, %convert_element_type3A_154, %convert_element_type3A_183, %convert_element_type3A_212, %convert_element_type3A_241, %convert_element_type3A_270, %convert_element_type3A_299, %convert_element_type3A_328, %convert_element_type3A_357, %convert_element_type3A_386, %convert_element_type3A_415, %convert_element_type3A_444, %convert_element_type3A_473, %convert_element_type3A_502 in 1 : vector<256x128xbf16>, vector<256x128xbf16>, vector<256x128xbf16>, vector<256x128xbf16>, vector<256x128xbf16>, vector<256x128xbf16>, vector<256x128xbf16>, vector<256x128xbf16>, vector<256x128xbf16>, vector<256x128xbf16>, vector<256x128xbf16>, vector<256x128xbf16>, vector<256x128xbf16>, vector<256x128xbf16>, vector<256x128xbf16>, vector<256x128xbf16> -> vector<256x2048xbf16>
    %swap3A = arith.constant 0 : index
    %swap3A_504 = arith.constant 0 : index
    %swap3A_505 = vector.load %arg10[%swap3A, %swap3A_504] : memref<256x2048xbf16, #tpu.memory_space<vmem>>, vector<256x2048xbf16>
    tpu.vector_store %arg10[%swap3A, %swap3A_504], %concatenate3A_503 {strides = array<i32>} : memref<256x2048xbf16, #tpu.memory_space<vmem>>, vector<256x2048xbf16>,
    %slice3A_506 = vector.extract_strided_slice %dot_general3A_35 {offsets = [0, 0], sizes = [256, 128], strides = [1, 1]} : vector<256x512xf32> to vector<256x128xf32>
    %square3A_507 = arith.mulf %slice3A_506, %slice3A_506 : vector<256x128xf32>
    %reduce_sum3A_508 = arith.constant dense<0.000000e+00> : vector<256xf32>
    %reduce_sum3A_509 = vector.multi_reduction <add>, %square3A_507, %reduce_sum3A_508 [1] : vector<256x128xf32> to vector<256xf32>
    %broadcast_in_dim3A_510 = vector.shape_cast %reduce_sum3A_509 : vector<256xf32> to vector<256x1xf32>
    %div3A_511 = arith.constant 1.280000e+02 : f32
    %div3A_512 = vector.broadcast %div3A_511 : f32 to vector<256x1xf32>
    %div3A_513 = arith.divf %broadcast_in_dim3A_510, %div3A_512 : vector<256x1xf32>
    %add3A_514 = arith.constant 9.99999997E-7 : f32
    %add3A_515 = vector.broadcast %add3A_514 : f32 to vector<256x1xf32>
    %add3A_516 = arith.addf %div3A_513, %add3A_515 : vector<256x1xf32>
    %rsqrt3A_517 = math.rsqrt %add3A_516 : vector<256x1xf32>
    %mul3A_518 = vector.broadcast %rsqrt3A_517 : vector<256x1xf32> to vector<256x128xf32>
    %mul3A_519 = arith.mulf %slice3A_506, %mul3A_518 : vector<256x128xf32>
    %mul3A_520 = vector.broadcast %get3A_24 : vector<1x128xf32> to vector<256x128xf32>
    %mul3A_521 = arith.mulf %mul3A_519, %mul3A_520 : vector<256x128xf32>
    %mul3A_522 = arith.constant 1.000000e+00 : f32
    %mul3A_523 = vector.broadcast %mul3A_522 : f32 to vector<256x128xf32>
    %mul3A_524 = arith.mulf %mul3A_521, %mul3A_523 : vector<256x128xf32>
    %slice3A_525 = vector.extract_strided_slice %mul3A_524 {offsets = [0, 64], sizes = [256, 64], strides = [1, 1]} : vector<256x128xf32> to vector<256x64xf32>
    %neg3A_526 = arith.constant 0.000000e+00 : f32
    %neg3A_527 = vector.broadcast %neg3A_526 : f32 to vector<256x64xf32>
    %neg3A_528 = arith.subf %neg3A_527, %slice3A_525 : vector<256x64xf32>
    %slice3A_529 = vector.extract_strided_slice %mul3A_524 {offsets = [0, 0], sizes = [256, 64], strides = [1, 1]} : vector<256x128xf32> to vector<256x64xf32>
    %concatenate3A_530 = tpu.concatenate %neg3A_528, %slice3A_529 in 1 : vector<256x64xf32>, vector<256x64xf32> -> vector<256x128xf32>
    %mul3A_531 = arith.mulf %mul3A_524, %get3A_15 : vector<256x128xf32>
    %mul3A_532 = arith.mulf %concatenate3A_530, %get3A_18 : vector<256x128xf32>
    %add3A_533 = arith.addf %mul3A_531, %mul3A_532 : vector<256x128xf32>
    %convert_element_type3A_534 = arith.truncf %add3A_533 : vector<256x128xf32> to vector<256x128xbf16>
    %slice3A_535 = vector.extract_strided_slice %dot_general3A_35 {offsets = [0, 128], sizes = [256, 128], strides = [1, 1]} : vector<256x512xf32> to vector<256x128xf32>
    %square3A_536 = arith.mulf %slice3A_535, %slice3A_535 : vector<256x128xf32>
    %reduce_sum3A_537 = arith.constant dense<0.000000e+00> : vector<256xf32>
    %reduce_sum3A_538 = vector.multi_reduction <add>, %square3A_536, %reduce_sum3A_537 [1] : vector<256x128xf32> to vector<256xf32>
    %broadcast_in_dim3A_539 = vector.shape_cast %reduce_sum3A_538 : vector<256xf32> to vector<256x1xf32>
    %div3A_540 = arith.constant 1.280000e+02 : f32
    %div3A_541 = vector.broadcast %div3A_540 : f32 to vector<256x1xf32>
    %div3A_542 = arith.divf %broadcast_in_dim3A_539, %div3A_541 : vector<256x1xf32>
    %add3A_543 = arith.constant 9.99999997E-7 : f32
    %add3A_544 = vector.broadcast %add3A_543 : f32 to vector<256x1xf32>
    %add3A_545 = arith.addf %div3A_542, %add3A_544 : vector<256x1xf32>
    %rsqrt3A_546 = math.rsqrt %add3A_545 : vector<256x1xf32>
    %mul3A_547 = vector.broadcast %rsqrt3A_546 : vector<256x1xf32> to vector<256x128xf32>
    %mul3A_548 = arith.mulf %slice3A_535, %mul3A_547 : vector<256x128xf32>
    %mul3A_549 = vector.broadcast %get3A_24 : vector<1x128xf32> to vector<256x128xf32>
    %mul3A_550 = arith.mulf %mul3A_548, %mul3A_549 : vector<256x128xf32>
    %mul3A_551 = arith.constant 1.000000e+00 : f32
    %mul3A_552 = vector.broadcast %mul3A_551 : f32 to vector<256x128xf32>
    %mul3A_553 = arith.mulf %mul3A_550, %mul3A_552 : vector<256x128xf32>
    %slice3A_554 = vector.extract_strided_slice %mul3A_553 {offsets = [0, 64], sizes = [256, 64], strides = [1, 1]} : vector<256x128xf32> to vector<256x64xf32>
    %neg3A_555 = arith.constant 0.000000e+00 : f32
    %neg3A_556 = vector.broadcast %neg3A_555 : f32 to vector<256x64xf32>
    %neg3A_557 = arith.subf %neg3A_556, %slice3A_554 : vector<256x64xf32>
    %slice3A_558 = vector.extract_strided_slice %mul3A_553 {offsets = [0, 0], sizes = [256, 64], strides = [1, 1]} : vector<256x128xf32> to vector<256x64xf32>
    %concatenate3A_559 = tpu.concatenate %neg3A_557, %slice3A_558 in 1 : vector<256x64xf32>, vector<256x64xf32> -> vector<256x128xf32>
    %mul3A_560 = arith.mulf %mul3A_553, %get3A_15 : vector<256x128xf32>
    %mul3A_561 = arith.mulf %concatenate3A_559, %get3A_18 : vector<256x128xf32>
    %add3A_562 = arith.addf %mul3A_560, %mul3A_561 : vector<256x128xf32>
    %convert_element_type3A_563 = arith.truncf %add3A_562 : vector<256x128xf32> to vector<256x128xbf16>
    %slice3A_564 = vector.extract_strided_slice %dot_general3A_35 {offsets = [0, 256], sizes = [256, 128], strides = [1, 1]} : vector<256x512xf32> to vector<256x128xf32>
    %square3A_565 = arith.mulf %slice3A_564, %slice3A_564 : vector<256x128xf32>
    %reduce_sum3A_566 = arith.constant dense<0.000000e+00> : vector<256xf32>
    %reduce_sum3A_567 = vector.multi_reduction <add>, %square3A_565, %reduce_sum3A_566 [1] : vector<256x128xf32> to vector<256xf32>
    %broadcast_in_dim3A_568 = vector.shape_cast %reduce_sum3A_567 : vector<256xf32> to vector<256x1xf32>
    %div3A_569 = arith.constant 1.280000e+02 : f32
    %div3A_570 = vector.broadcast %div3A_569 : f32 to vector<256x1xf32>
    %div3A_571 = arith.divf %broadcast_in_dim3A_568, %div3A_570 : vector<256x1xf32>
    %add3A_572 = arith.constant 9.99999997E-7 : f32
    %add3A_573 = vector.broadcast %add3A_572 : f32 to vector<256x1xf32>
    %add3A_574 = arith.addf %div3A_571, %add3A_573 : vector<256x1xf32>
    %rsqrt3A_575 = math.rsqrt %add3A_574 : vector<256x1xf32>
    %mul3A_576 = vector.broadcast %rsqrt3A_575 : vector<256x1xf32> to vector<256x128xf32>
    %mul3A_577 = arith.mulf %slice3A_564, %mul3A_576 : vector<256x128xf32>
    %mul3A_578 = vector.broadcast %get3A_24 : vector<1x128xf32> to vector<256x128xf32>
    %mul3A_579 = arith.mulf %mul3A_577, %mul3A_578 : vector<256x128xf32>
    %mul3A_580 = arith.constant 1.000000e+00 : f32
    %mul3A_581 = vector.broadcast %mul3A_580 : f32 to vector<256x128xf32>
    %mul3A_582 = arith.mulf %mul3A_579, %mul3A_581 : vector<256x128xf32>
    %slice3A_583 = vector.extract_strided_slice %mul3A_582 {offsets = [0, 64], sizes = [256, 64], strides = [1, 1]} : vector<256x128xf32> to vector<256x64xf32>
    %neg3A_584 = arith.constant 0.000000e+00 : f32
    %neg3A_585 = vector.broadcast %neg3A_584 : f32 to vector<256x64xf32>
    %neg3A_586 = arith.subf %neg3A_585, %slice3A_583 : vector<256x64xf32>
    %slice3A_587 = vector.extract_strided_slice %mul3A_582 {offsets = [0, 0], sizes = [256, 64], strides = [1, 1]} : vector<256x128xf32> to vector<256x64xf32>
    %concatenate3A_588 = tpu.concatenate %neg3A_586, %slice3A_587 in 1 : vector<256x64xf32>, vector<256x64xf32> -> vector<256x128xf32>
    %mul3A_589 = arith.mulf %mul3A_582, %get3A_15 : vector<256x128xf32>
    %mul3A_590 = arith.mulf %concatenate3A_588, %get3A_18 : vector<256x128xf32>
    %add3A_591 = arith.addf %mul3A_589, %mul3A_590 : vector<256x128xf32>
    %convert_element_type3A_592 = arith.truncf %add3A_591 : vector<256x128xf32> to vector<256x128xbf16>
    %slice3A_593 = vector.extract_strided_slice %dot_general3A_35 {offsets = [0, 384], sizes = [256, 128], strides = [1, 1]} : vector<256x512xf32> to vector<256x128xf32>
    %square3A_594 = arith.mulf %slice3A_593, %slice3A_593 : vector<256x128xf32>
    %reduce_sum3A_595 = arith.constant dense<0.000000e+00> : vector<256xf32>
    %reduce_sum3A_596 = vector.multi_reduction <add>, %square3A_594, %reduce_sum3A_595 [1] : vector<256x128xf32> to vector<256xf32>
    %broadcast_in_dim3A_597 = vector.shape_cast %reduce_sum3A_596 : vector<256xf32> to vector<256x1xf32>
    %div3A_598 = arith.constant 1.280000e+02 : f32
    %div3A_599 = vector.broadcast %div3A_598 : f32 to vector<256x1xf32>
    %div3A_600 = arith.divf %broadcast_in_dim3A_597, %div3A_599 : vector<256x1xf32>
    %add3A_601 = arith.constant 9.99999997E-7 : f32
    %add3A_602 = vector.broadcast %add3A_601 : f32 to vector<256x1xf32>
    %add3A_603 = arith.addf %div3A_600, %add3A_602 : vector<256x1xf32>
    %rsqrt3A_604 = math.rsqrt %add3A_603 : vector<256x1xf32>
    %mul3A_605 = vector.broadcast %rsqrt3A_604 : vector<256x1xf32> to vector<256x128xf32>
    %mul3A_606 = arith.mulf %slice3A_593, %mul3A_605 : vector<256x128xf32>
    %mul3A_607 = vector.broadcast %get3A_24 : vector<1x128xf32> to vector<256x128xf32>
    %mul3A_608 = arith.mulf %mul3A_606, %mul3A_607 : vector<256x128xf32>
    %mul3A_609 = arith.constant 1.000000e+00 : f32
    %mul3A_610 = vector.broadcast %mul3A_609 : f32 to vector<256x128xf32>
    %mul3A_611 = arith.mulf %mul3A_608, %mul3A_610 : vector<256x128xf32>
    %slice3A_612 = vector.extract_strided_slice %mul3A_611 {offsets = [0, 64], sizes = [256, 64], strides = [1, 1]} : vector<256x128xf32> to vector<256x64xf32>
    %neg3A_613 = arith.constant 0.000000e+00 : f32
    %neg3A_614 = vector.broadcast %neg3A_613 : f32 to vector<256x64xf32>
    %neg3A_615 = arith.subf %neg3A_614, %slice3A_612 : vector<256x64xf32>
    %slice3A_616 = vector.extract_strided_slice %mul3A_611 {offsets = [0, 0], sizes = [256, 64], strides = [1, 1]} : vector<256x128xf32> to vector<256x64xf32>
    %concatenate3A_617 = tpu.concatenate %neg3A_615, %slice3A_616 in 1 : vector<256x64xf32>, vector<256x64xf32> -> vector<256x128xf32>
    %mul3A_618 = arith.mulf %mul3A_611, %get3A_15 : vector<256x128xf32>
    %mul3A_619 = arith.mulf %concatenate3A_617, %get3A_18 : vector<256x128xf32>
    %add3A_620 = arith.addf %mul3A_618, %mul3A_619 : vector<256x128xf32>
    %convert_element_type3A_621 = arith.truncf %add3A_620 : vector<256x128xf32> to vector<256x128xbf16>
    %concatenate3A_622 = tpu.concatenate %convert_element_type3A_534, %convert_element_type3A_563, %convert_element_type3A_592, %convert_element_type3A_621 in 1 : vector<256x128xbf16>, vector<256x128xbf16>, vector<256x128xbf16>, vector<256x128xbf16> -> vector<256x512xbf16>
    %swap3A_623 = arith.constant 0 : index
    %swap3A_624 = arith.constant 0 : index
    %swap3A_625 = vector.load %arg11[%swap3A_623, %swap3A_624] : memref<256x512xbf16, #tpu.memory_space<vmem>>, vector<256x512xbf16>
    tpu.vector_store %arg11[%swap3A_623, %swap3A_624], %concatenate3A_622 {strides = array<i32>} : memref<256x512xbf16, #tpu.memory_space<vmem>>, vector<256x512xbf16>,
    %convert_element_type3A_626 = arith.truncf %dot_general3A_41 : vector<256x512xf32> to vector<256x512xbf16>
    %swap3A_627 = arith.constant 0 : index
    %swap3A_628 = arith.constant 0 : index
    %swap3A_629 = vector.load %arg12[%swap3A_627, %swap3A_628] : memref<256x512xbf16, #tpu.memory_space<vmem>>, vector<256x512xbf16>
    tpu.vector_store %arg12[%swap3A_627, %swap3A_628], %convert_element_type3A_626 {strides = array<i32>} : memref<256x512xbf16, #tpu.memory_space<vmem>>, vector<256x512xbf16>,
    return
  }
  func.func @transform_0(%arg0: i32) -> (i32, i32) {
    %c0_i32 = arith.constant 0 : i32
    %c0_i32_0 = arith.constant 0 : i32
    return %arg0, %c0_i32 : i32, i32
  }
  func.func @transform_1(%arg0: i32) -> (i32, i32) {
    %c0_i32 = arith.constant 0 : i32
    %c0_i32_0 = arith.constant 0 : i32
    return %arg0, %c0_i32 : i32, i32
  }
  func.func @transform_2(%arg0: i32) -> (i32, i32) {
    %c0_i32 = arith.constant 0 : i32
    %c0_i32_0 = arith.constant 0 : i32
    return %arg0, %c0_i32 : i32, i32
  }
  func.func @transform_3(%arg0: i32) -> (i32, i32) {
    %c0_i32 = arith.constant 0 : i32
    %c0_i32_0 = arith.constant 0 : i32
    %c0_i32_1 = arith.constant 0 : i32
    return %c0_i32, %c0_i32_0 : i32, i32
  }
  func.func @transform_4(%arg0: i32) -> (i32, i32) {
    %c0_i32 = arith.constant 0 : i32
    %c0_i32_0 = arith.constant 0 : i32
    %c0_i32_1 = arith.constant 0 : i32
    return %c0_i32, %c0_i32_0 : i32, i32
  }
  func.func @transform_5(%arg0: i32) -> (i32, i32) {
    %c0_i32 = arith.constant 0 : i32
    %c0_i32_0 = arith.constant 0 : i32
    %c0_i32_1 = arith.constant 0 : i32
    return %c0_i32, %c0_i32_0 : i32, i32
  }
  func.func @transform_6(%arg0: i32) -> (i32, i32) {
    %c0_i32 = arith.constant 0 : i32
    %c0_i32_0 = arith.constant 0 : i32
    %c0_i32_1 = arith.constant 0 : i32
    return %c0_i32, %c0_i32_0 : i32, i32
  }
  func.func @transform_7(%arg0: i32) -> (i32, i32) {
    %c0_i32 = arith.constant 0 : i32
    %c0_i32_0 = arith.constant 0 : i32
    %c0_i32_1 = arith.constant 0 : i32
    return %c0_i32, %c0_i32_0 : i32, i32
  }
  func.func @transform_8(%arg0: i32) -> (i32, i32) {
    %c0_i32 = arith.constant 0 : i32
    %c0_i32_0 = arith.constant 0 : i32
    %c0_i32_1 = arith.constant 0 : i32
    return %c0_i32, %c0_i32_0 : i32, i32
  }
  func.func @transform_9(%arg0: i32) -> (i32, i32) {
    %c0_i32 = arith.constant 0 : i32
    %c0_i32_0 = arith.constant 0 : i32
    return %arg0, %c0_i32 : i32, i32
  }
  func.func @transform_10(%arg0: i32) -> (i32, i32) {
    %c0_i32 = arith.constant 0 : i32
    %c0_i32_0 = arith.constant 0 : i32
    return %arg0, %c0_i32 : i32, i32
  }
  func.func @transform_11(%arg0: i32) -> (i32, i32) {
    %c0_i32 = arith.constant 0 : i32
    %c0_i32_0 = arith.constant 0 : i32
    return %arg0, %c0_i32 : i32, i32
  }
}

module attributes {stable_mosaic.version = 14 : i64} {
  func.func @_router_body(%arg0: i32, %arg1: memref<256x1024xf32, #tpu.memory_space<vmem>>, %arg2: memref<1x1024xf32, #tpu.memory_space<vmem>>, %arg3: memref<16x1024xf32, #tpu.memory_space<vmem>>, %arg4: memref<256x1024xf32, #tpu.memory_space<vmem>>, %arg5: memref<256x2xf32, #tpu.memory_space<vmem>>, %arg6: memref<2048x2xi32, #tpu.memory_space<vmem>>, %arg7: memref<8x128xi32, #tpu.memory_space<vmem>>, %arg8: memref<8x16xf32, #tpu.memory_space<vmem>>, %arg9: memref<2048x2xi32, #tpu.memory_space<vmem>>, %arg10: memref<2048x2xf32, #tpu.memory_space<vmem>>) attributes {dimension_semantics = [#tpu.dimension_semantics<arbitrary>], iteration_bounds = array<i64: 8>, scalar_prefetch = 0 : i64, scratch_operands = 3 : i64, tpu.core_type = #tpu.core_type<tc>, window_params = [{transform_indices = @transform_0, window_bounds = array<i64: 256, 1024>}, {pipeline_mode = #tpu.pipeline_mode<synchronous>, transform_indices = @transform_1, window_bounds = array<i64: 1, 1024>}, {pipeline_mode = #tpu.pipeline_mode<synchronous>, transform_indices = @transform_2, window_bounds = array<i64: 16, 1024>}, {transform_indices = @transform_3, window_bounds = array<i64: 256, 1024>}, {transform_indices = @transform_4, window_bounds = array<i64: 256, 2>}, {pipeline_mode = #tpu.pipeline_mode<synchronous>, transform_indices = @transform_5, window_bounds = array<i64: 2048, 2>}, {pipeline_mode = #tpu.pipeline_mode<synchronous>, transform_indices = @transform_6, window_bounds = array<i64: 8, 128>}]} {
    %eq3A = arith.constant 0 : i32
    %eq3A_0 = arith.cmpi eq, %arg0, %eq3A : i32
    %convert_element_type3A = arith.extui %eq3A_0 : i1 to i32
    %cond3A = arith.constant 0 : i32
    %cond3A_1 = arith.cmpi ne, %convert_element_type3A, %cond3A : i32
    scf.if %cond3A_1 {
      %broadcast_in_dim3A_119 = arith.constant 0.000000e+00 : f32
      %broadcast_in_dim3A_120 = vector.broadcast %broadcast_in_dim3A_119 : f32 to vector<8x16xf32>
      %swap3A_121 = arith.constant 0 : index
      %swap3A_122 = arith.constant 0 : index
      %swap3A_123 = vector.load %arg8[%swap3A_121, %swap3A_122] : memref<8x16xf32, #tpu.memory_space<vmem>>, vector<8x16xf32>
      tpu.vector_store %arg8[%swap3A_121, %swap3A_122], %broadcast_in_dim3A_120 {strides = array<i32>} : memref<8x16xf32, #tpu.memory_space<vmem>>, vector<8x16xf32>,
    } else {
    }
    %get3A = arith.constant 0 : index
    %get3A_2 = arith.constant 0 : index
    %get3A_3 = vector.load %arg1[%get3A, %get3A_2] : memref<256x1024xf32, #tpu.memory_space<vmem>>, vector<256x1024xf32>
    %get3A_4 = arith.constant 0 : index
    %get3A_5 = arith.constant 0 : index
    %get3A_6 = vector.load %arg2[%get3A_4, %get3A_5] : memref<1x1024xf32, #tpu.memory_space<vmem>>, vector<1x1024xf32>
    %square3A = arith.mulf %get3A_3, %get3A_3 : vector<256x1024xf32>
    %reduce_sum3A = arith.constant dense<0.000000e+00> : vector<256xf32>
    %reduce_sum3A_7 = vector.multi_reduction <add>, %square3A, %reduce_sum3A [1] : vector<256x1024xf32> to vector<256xf32>
    %broadcast_in_dim3A = vector.shape_cast %reduce_sum3A_7 : vector<256xf32> to vector<256x1xf32>
    %div3A = arith.constant 1.024000e+03 : f32
    %div3A_8 = vector.broadcast %div3A : f32 to vector<256x1xf32>
    %div3A_9 = arith.divf %broadcast_in_dim3A, %div3A_8 : vector<256x1xf32>
    %add3A = arith.constant 9.99999997E-7 : f32
    %add3A_10 = vector.broadcast %add3A : f32 to vector<256x1xf32>
    %add3A_11 = arith.addf %div3A_9, %add3A_10 : vector<256x1xf32>
    %rsqrt3A = math.rsqrt %add3A_11 : vector<256x1xf32>
    %mul3A = vector.broadcast %rsqrt3A : vector<256x1xf32> to vector<256x1024xf32>
    %mul3A_12 = arith.mulf %get3A_3, %mul3A : vector<256x1024xf32>
    %mul3A_13 = vector.broadcast %get3A_6 : vector<1x1024xf32> to vector<256x1024xf32>
    %mul3A_14 = arith.mulf %mul3A_12, %mul3A_13 : vector<256x1024xf32>
    %swap3A = arith.constant 0 : index
    %swap3A_15 = arith.constant 0 : index
    %swap3A_16 = vector.load %arg4[%swap3A, %swap3A_15] : memref<256x1024xf32, #tpu.memory_space<vmem>>, vector<256x1024xf32>
    tpu.vector_store %arg4[%swap3A, %swap3A_15], %mul3A_14 {strides = array<i32>} : memref<256x1024xf32, #tpu.memory_space<vmem>>, vector<256x1024xf32>,
    %get3A_17 = arith.constant 0 : index
    %get3A_18 = arith.constant 0 : index
    %get3A_19 = vector.load %arg3[%get3A_17, %get3A_18] : memref<16x1024xf32, #tpu.memory_space<vmem>>, vector<16x1024xf32>
    %dot_general3A = arith.constant dense<0.000000e+00> : vector<256x16xf32>
    %dot_general3A_20 = tpu.matmul %mul3A_14, %get3A_19, %dot_general3A {dimension_numbers = #tpu.dot_dimension_numbers<[1], [1], [0], [0], [0, 0, 1, 0], [], []>, transpose_lhs_hint = false} : vector<256x1024xf32>, vector<16x1024xf32>, vector<256x16xf32> -> vector<256x16xf32>
    %reduce_max3A = arith.constant dense<0xFF800000> : vector<256xf32>
    %reduce_max3A_21 = vector.multi_reduction <maximumf>, %dot_general3A_20, %reduce_max3A [1] : vector<256x16xf32> to vector<256xf32>
    %broadcast_in_dim3A_22 = vector.shape_cast %reduce_max3A_21 : vector<256xf32> to vector<256x1xf32>
    %sub3A = vector.broadcast %broadcast_in_dim3A_22 : vector<256x1xf32> to vector<256x16xf32>
    %sub3A_23 = arith.subf %dot_general3A_20, %sub3A : vector<256x16xf32>
    %exp3A = math.exp %sub3A_23 : vector<256x16xf32>
    %reduce_sum3A_24 = arith.constant dense<0.000000e+00> : vector<256xf32>
    %reduce_sum3A_25 = vector.multi_reduction <add>, %exp3A, %reduce_sum3A_24 [1] : vector<256x16xf32> to vector<256xf32>
    %broadcast_in_dim3A_26 = vector.shape_cast %reduce_sum3A_25 : vector<256xf32> to vector<256x1xf32>
    %div3A_27 = vector.broadcast %broadcast_in_dim3A_26 : vector<256x1xf32> to vector<256x16xf32>
    %div3A_28 = arith.divf %exp3A, %div3A_27 : vector<256x16xf32>
    %iota3A = tpu.iota {dimensions = array<i32: 1>} : vector<256x16xi32>
    %reduce_max3A_29 = arith.constant dense<0xFF800000> : vector<256xf32>
    %reduce_max3A_30 = vector.multi_reduction <maximumf>, %div3A_28, %reduce_max3A_29 [1] : vector<256x16xf32> to vector<256xf32>
    %broadcast_in_dim3A_31 = vector.shape_cast %reduce_max3A_30 : vector<256xf32> to vector<256x1xf32>
    %eq3A_32 = vector.broadcast %broadcast_in_dim3A_31 : vector<256x1xf32> to vector<256x16xf32>
    %eq3A_33 = arith.cmpf oeq, %div3A_28, %eq3A_32 : vector<256x16xf32>
    %jit3A = arith.constant 16 : i32
    %broadcast_in_dim3A_34 = vector.broadcast %jit3A : i32 to vector<256x16xi32>
    %select_n3A = arith.select %eq3A_33, %iota3A, %broadcast_in_dim3A_34 : vector<256x16xi1>, vector<256x16xi32>
    %reduce_min3A = arith.constant dense<2147483647> : vector<256xi32>
    %reduce_min3A_35 = vector.multi_reduction <minsi>, %select_n3A, %reduce_min3A [1] : vector<256x16xi32> to vector<256xi32>
    %broadcast_in_dim3A_36 = vector.shape_cast %reduce_min3A_35 : vector<256xi32> to vector<256x1xi32>
    %eq3A_37 = vector.broadcast %broadcast_in_dim3A_36 : vector<256x1xi32> to vector<256x16xi32>
    %eq3A_38 = arith.cmpi eq, %iota3A, %eq3A_37 : vector<256x16xi32>
    %jit3A_39 = arith.constant -1.000000e+00 : f32
    %broadcast_in_dim3A_40 = vector.broadcast %jit3A_39 : f32 to vector<256x16xf32>
    %select_n3A_41 = arith.select %eq3A_38, %broadcast_in_dim3A_40, %div3A_28 : vector<256x16xi1>, vector<256x16xf32>
    %reduce_max3A_42 = arith.constant dense<0xFF800000> : vector<256xf32>
    %reduce_max3A_43 = vector.multi_reduction <maximumf>, %select_n3A_41, %reduce_max3A_42 [1] : vector<256x16xf32> to vector<256xf32>
    %broadcast_in_dim3A_44 = vector.shape_cast %reduce_max3A_43 : vector<256xf32> to vector<256x1xf32>
    %eq3A_45 = vector.broadcast %broadcast_in_dim3A_44 : vector<256x1xf32> to vector<256x16xf32>
    %eq3A_46 = arith.cmpf oeq, %select_n3A_41, %eq3A_45 : vector<256x16xf32>
    %jit3A_47 = arith.constant 16 : i32
    %broadcast_in_dim3A_48 = vector.broadcast %jit3A_47 : i32 to vector<256x16xi32>
    %select_n3A_49 = arith.select %eq3A_46, %iota3A, %broadcast_in_dim3A_48 : vector<256x16xi1>, vector<256x16xi32>
    %reduce_min3A_50 = arith.constant dense<2147483647> : vector<256xi32>
    %reduce_min3A_51 = vector.multi_reduction <minsi>, %select_n3A_49, %reduce_min3A_50 [1] : vector<256x16xi32> to vector<256xi32>
    %broadcast_in_dim3A_52 = vector.shape_cast %reduce_min3A_51 : vector<256xi32> to vector<256x1xi32>
    %add3A_53 = arith.addf %broadcast_in_dim3A_31, %broadcast_in_dim3A_44 : vector<256x1xf32>
    %div3A_54 = arith.divf %broadcast_in_dim3A_31, %add3A_53 : vector<256x1xf32>
    %div3A_55 = arith.divf %broadcast_in_dim3A_44, %add3A_53 : vector<256x1xf32>
    %concatenate3A = tpu.concatenate %div3A_54, %div3A_55 in 1 : vector<256x1xf32>, vector<256x1xf32> -> vector<256x2xf32>
    %swap3A_56 = arith.constant 0 : index
    %swap3A_57 = arith.constant 0 : index
    %swap3A_58 = vector.load %arg5[%swap3A_56, %swap3A_57] : memref<256x2xf32, #tpu.memory_space<vmem>>, vector<256x2xf32>
    tpu.vector_store %arg5[%swap3A_56, %swap3A_57], %concatenate3A {strides = array<i32>} : memref<256x2xf32, #tpu.memory_space<vmem>>, vector<256x2xf32>,
    %eq3A_59 = vector.broadcast %broadcast_in_dim3A_36 : vector<256x1xi32> to vector<256x16xi32>
    %eq3A_60 = arith.cmpi eq, %iota3A, %eq3A_59 : vector<256x16xi32>
    %convert_element_type3A_61 = arith.extui %eq3A_60 : vector<256x16xi1> to vector<256x16xi32>
    %convert_element_type3A_62 = arith.sitofp %convert_element_type3A_61 : vector<256x16xi32> to vector<256x16xf32>
    %convert_element_type3A_63 = arith.truncf %convert_element_type3A_62 : vector<256x16xf32> to vector<256x16xbf16>
    %eq3A_64 = vector.broadcast %broadcast_in_dim3A_52 : vector<256x1xi32> to vector<256x16xi32>
    %eq3A_65 = arith.cmpi eq, %iota3A, %eq3A_64 : vector<256x16xi32>
    %convert_element_type3A_66 = arith.extui %eq3A_65 : vector<256x16xi1> to vector<256x16xi32>
    %convert_element_type3A_67 = arith.sitofp %convert_element_type3A_66 : vector<256x16xi32> to vector<256x16xf32>
    %convert_element_type3A_68 = arith.truncf %convert_element_type3A_67 : vector<256x16xf32> to vector<256x16xbf16>
    %iota3A_69 = tpu.iota {dimensions = array<i32: 0>} : vector<256x256xi32>
    %iota3A_70 = tpu.iota {dimensions = array<i32: 1>} : vector<256x256xi32>
    %gt3A = arith.cmpi sgt, %iota3A_69, %iota3A_70 : vector<256x256xi32>
    %convert_element_type3A_71 = arith.extui %gt3A : vector<256x256xi1> to vector<256x256xi32>
    %convert_element_type3A_72 = arith.sitofp %convert_element_type3A_71 : vector<256x256xi32> to vector<256x256xf32>
    %convert_element_type3A_73 = arith.truncf %convert_element_type3A_72 : vector<256x256xf32> to vector<256x256xbf16>
    %add3A_74 = arith.addf %convert_element_type3A_63, %convert_element_type3A_68 : vector<256x16xbf16>
    %dot_general3A_75 = arith.constant dense<0.000000e+00> : vector<256x16xf32>
    %dot_general3A_76 = tpu.matmul %convert_element_type3A_73, %add3A_74, %dot_general3A_75 {dimension_numbers = #tpu.dot_dimension_numbers<[1], [0], [0], [1], [0, 0, 1, 1], [], []>, transpose_lhs_hint = false} : vector<256x256xbf16>, vector<256x16xbf16>, vector<256x16xf32> -> vector<256x16xf32>
    %get3A_77 = arith.constant 0 : index
    %get3A_78 = arith.constant 0 : index
    %get3A_79 = vector.load %arg8[%get3A_77, %get3A_78] : memref<8x16xf32, #tpu.memory_space<vmem>>, vector<1x16xf32>
    %add3A_80 = vector.broadcast %get3A_79 : vector<1x16xf32> to vector<256x16xf32>
    %add3A_81 = arith.addf %dot_general3A_76, %add3A_80 : vector<256x16xf32>
    %convert_element_type3A_82 = arith.extf %convert_element_type3A_63 : vector<256x16xbf16> to vector<256x16xf32>
    %mul3A_83 = arith.mulf %add3A_81, %convert_element_type3A_82 : vector<256x16xf32>
    %reduce_sum3A_84 = arith.constant dense<0.000000e+00> : vector<256xf32>
    %reduce_sum3A_85 = vector.multi_reduction <add>, %mul3A_83, %reduce_sum3A_84 [1] : vector<256x16xf32> to vector<256xf32>
    %broadcast_in_dim3A_86 = vector.shape_cast %reduce_sum3A_85 : vector<256xf32> to vector<256x1xf32>
    %convert_element_type3A_87 = arith.extf %convert_element_type3A_68 : vector<256x16xbf16> to vector<256x16xf32>
    %mul3A_88 = arith.mulf %add3A_81, %convert_element_type3A_87 : vector<256x16xf32>
    %reduce_sum3A_89 = arith.constant dense<0.000000e+00> : vector<256xf32>
    %reduce_sum3A_90 = vector.multi_reduction <add>, %mul3A_88, %reduce_sum3A_89 [1] : vector<256x16xf32> to vector<256xf32>
    %broadcast_in_dim3A_91 = vector.shape_cast %reduce_sum3A_90 : vector<256xf32> to vector<256x1xf32>
    %concatenate3A_92 = tpu.concatenate %broadcast_in_dim3A_36, %broadcast_in_dim3A_52 in 1 : vector<256x1xi32>, vector<256x1xi32> -> vector<256x2xi32>
    %mul3A_93 = arith.constant 256 : i32
    %mul3A_94 = arith.muli %arg0, %mul3A_93 : i32
    %swap3A_95 = arith.index_cast %mul3A_94 : i32 to index
    %swap3A_96 = arith.constant 0 : index
    %swap3A_97 = vector.load %arg9[%swap3A_95, %swap3A_96] : memref<2048x2xi32, #tpu.memory_space<vmem>>, vector<256x2xi32>
    tpu.vector_store %arg9[%swap3A_95, %swap3A_96], %concatenate3A_92 {strides = array<i32>} : memref<2048x2xi32, #tpu.memory_space<vmem>>, vector<256x2xi32>,
    %concatenate3A_98 = tpu.concatenate %broadcast_in_dim3A_86, %broadcast_in_dim3A_91 in 1 : vector<256x1xf32>, vector<256x1xf32> -> vector<256x2xf32>
    %mul3A_99 = arith.constant 256 : i32
    %mul3A_100 = arith.muli %arg0, %mul3A_99 : i32
    %swap3A_101 = arith.index_cast %mul3A_100 : i32 to index
    %swap3A_102 = arith.constant 0 : index
    %swap3A_103 = vector.load %arg10[%swap3A_101, %swap3A_102] : memref<2048x2xf32, #tpu.memory_space<vmem>>, vector<256x2xf32>
    tpu.vector_store %arg10[%swap3A_101, %swap3A_102], %concatenate3A_98 {strides = array<i32>} : memref<2048x2xf32, #tpu.memory_space<vmem>>, vector<256x2xf32>,
    %convert_element_type3A_104 = arith.extf %convert_element_type3A_63 : vector<256x16xbf16> to vector<256x16xf32>
    %convert_element_type3A_105 = arith.extf %convert_element_type3A_68 : vector<256x16xbf16> to vector<256x16xf32>
    %add3A_106 = arith.addf %convert_element_type3A_104, %convert_element_type3A_105 : vector<256x16xf32>
    %reduce_sum3A_107 = arith.constant dense<0.000000e+00> : vector<16xf32>
    %reduce_sum3A_108 = vector.multi_reduction <add>, %add3A_106, %reduce_sum3A_107 [0] : vector<256x16xf32> to vector<16xf32>
    %broadcast_in_dim3A_109 = vector.shape_cast %reduce_sum3A_108 : vector<16xf32> to vector<1x16xf32>
    %add3A_110 = arith.addf %get3A_79, %broadcast_in_dim3A_109 : vector<1x16xf32>
    %swap3A_111 = arith.constant 0 : index
    %swap3A_112 = arith.constant 0 : index
    %swap3A_113 = vector.load %arg8[%swap3A_111, %swap3A_112] : memref<8x16xf32, #tpu.memory_space<vmem>>, vector<1x16xf32>
    tpu.vector_store %arg8[%swap3A_111, %swap3A_112], %add3A_110 {strides = array<i32>} : memref<8x16xf32, #tpu.memory_space<vmem>>, vector<1x16xf32>,
    %eq3A_114 = arith.constant 7 : i32
    %eq3A_115 = arith.cmpi eq, %arg0, %eq3A_114 : i32
    %convert_element_type3A_116 = arith.extui %eq3A_115 : i1 to i32
    %cond3A_117 = arith.constant 0 : i32
    %cond3A_118 = arith.cmpi ne, %convert_element_type3A_116, %cond3A_117 : i32
    scf.if %cond3A_118 {
      %slice3A = vector.extract_strided_slice %add3A_110 {offsets = [0, 0], sizes = [1, 1], strides = [1, 1]} : vector<1x16xf32> to vector<1x1xf32>
      %squeeze3A = vector.extract %slice3A[0, 0] : f32 from vector<1x1xf32>
      %add3A_119 = arith.constant 2.550000e+02 : f32
      %add3A_120 = arith.addf %squeeze3A, %add3A_119 : f32
      %div3A_121 = arith.constant 2.560000e+02 : f32
      %div3A_122 = arith.divf %add3A_120, %div3A_121 : f32
      %floor3A = math.floor %div3A_122 : f32
      %mul3A_123 = arith.constant 2.560000e+02 : f32
      %mul3A_124 = arith.mulf %floor3A, %mul3A_123 : f32
      %add3A_125 = arith.constant 0.000000e+00 : f32
      %add3A_126 = arith.addf %add3A_125, %mul3A_124 : f32
      %slice3A_127 = vector.extract_strided_slice %add3A_110 {offsets = [0, 1], sizes = [1, 1], strides = [1, 1]} : vector<1x16xf32> to vector<1x1xf32>
      %squeeze3A_128 = vector.extract %slice3A_127[0, 0] : f32 from vector<1x1xf32>
      %add3A_129 = arith.constant 2.550000e+02 : f32
      %add3A_130 = arith.addf %squeeze3A_128, %add3A_129 : f32
      %div3A_131 = arith.constant 2.560000e+02 : f32
      %div3A_132 = arith.divf %add3A_130, %div3A_131 : f32
      %floor3A_133 = math.floor %div3A_132 : f32
      %mul3A_134 = arith.constant 2.560000e+02 : f32
      %mul3A_135 = arith.mulf %floor3A_133, %mul3A_134 : f32
      %add3A_136 = arith.addf %add3A_126, %mul3A_135 : f32
      %slice3A_137 = vector.extract_strided_slice %add3A_110 {offsets = [0, 2], sizes = [1, 1], strides = [1, 1]} : vector<1x16xf32> to vector<1x1xf32>
      %squeeze3A_138 = vector.extract %slice3A_137[0, 0] : f32 from vector<1x1xf32>
      %add3A_139 = arith.constant 2.550000e+02 : f32
      %add3A_140 = arith.addf %squeeze3A_138, %add3A_139 : f32
      %div3A_141 = arith.constant 2.560000e+02 : f32
      %div3A_142 = arith.divf %add3A_140, %div3A_141 : f32
      %floor3A_143 = math.floor %div3A_142 : f32
      %mul3A_144 = arith.constant 2.560000e+02 : f32
      %mul3A_145 = arith.mulf %floor3A_143, %mul3A_144 : f32
      %add3A_146 = arith.addf %add3A_136, %mul3A_145 : f32
      %slice3A_147 = vector.extract_strided_slice %add3A_110 {offsets = [0, 3], sizes = [1, 1], strides = [1, 1]} : vector<1x16xf32> to vector<1x1xf32>
      %squeeze3A_148 = vector.extract %slice3A_147[0, 0] : f32 from vector<1x1xf32>
      %add3A_149 = arith.constant 2.550000e+02 : f32
      %add3A_150 = arith.addf %squeeze3A_148, %add3A_149 : f32
      %div3A_151 = arith.constant 2.560000e+02 : f32
      %div3A_152 = arith.divf %add3A_150, %div3A_151 : f32
      %floor3A_153 = math.floor %div3A_152 : f32
      %mul3A_154 = arith.constant 2.560000e+02 : f32
      %mul3A_155 = arith.mulf %floor3A_153, %mul3A_154 : f32
      %add3A_156 = arith.addf %add3A_146, %mul3A_155 : f32
      %slice3A_157 = vector.extract_strided_slice %add3A_110 {offsets = [0, 4], sizes = [1, 1], strides = [1, 1]} : vector<1x16xf32> to vector<1x1xf32>
      %squeeze3A_158 = vector.extract %slice3A_157[0, 0] : f32 from vector<1x1xf32>
      %add3A_159 = arith.constant 2.550000e+02 : f32
      %add3A_160 = arith.addf %squeeze3A_158, %add3A_159 : f32
      %div3A_161 = arith.constant 2.560000e+02 : f32
      %div3A_162 = arith.divf %add3A_160, %div3A_161 : f32
      %floor3A_163 = math.floor %div3A_162 : f32
      %mul3A_164 = arith.constant 2.560000e+02 : f32
      %mul3A_165 = arith.mulf %floor3A_163, %mul3A_164 : f32
      %add3A_166 = arith.addf %add3A_156, %mul3A_165 : f32
      %slice3A_167 = vector.extract_strided_slice %add3A_110 {offsets = [0, 5], sizes = [1, 1], strides = [1, 1]} : vector<1x16xf32> to vector<1x1xf32>
      %squeeze3A_168 = vector.extract %slice3A_167[0, 0] : f32 from vector<1x1xf32>
      %add3A_169 = arith.constant 2.550000e+02 : f32
      %add3A_170 = arith.addf %squeeze3A_168, %add3A_169 : f32
      %div3A_171 = arith.constant 2.560000e+02 : f32
      %div3A_172 = arith.divf %add3A_170, %div3A_171 : f32
      %floor3A_173 = math.floor %div3A_172 : f32
      %mul3A_174 = arith.constant 2.560000e+02 : f32
      %mul3A_175 = arith.mulf %floor3A_173, %mul3A_174 : f32
      %add3A_176 = arith.addf %add3A_166, %mul3A_175 : f32
      %slice3A_177 = vector.extract_strided_slice %add3A_110 {offsets = [0, 6], sizes = [1, 1], strides = [1, 1]} : vector<1x16xf32> to vector<1x1xf32>
      %squeeze3A_178 = vector.extract %slice3A_177[0, 0] : f32 from vector<1x1xf32>
      %add3A_179 = arith.constant 2.550000e+02 : f32
      %add3A_180 = arith.addf %squeeze3A_178, %add3A_179 : f32
      %div3A_181 = arith.constant 2.560000e+02 : f32
      %div3A_182 = arith.divf %add3A_180, %div3A_181 : f32
      %floor3A_183 = math.floor %div3A_182 : f32
      %mul3A_184 = arith.constant 2.560000e+02 : f32
      %mul3A_185 = arith.mulf %floor3A_183, %mul3A_184 : f32
      %add3A_186 = arith.addf %add3A_176, %mul3A_185 : f32
      %slice3A_187 = vector.extract_strided_slice %add3A_110 {offsets = [0, 7], sizes = [1, 1], strides = [1, 1]} : vector<1x16xf32> to vector<1x1xf32>
      %squeeze3A_188 = vector.extract %slice3A_187[0, 0] : f32 from vector<1x1xf32>
      %add3A_189 = arith.constant 2.550000e+02 : f32
      %add3A_190 = arith.addf %squeeze3A_188, %add3A_189 : f32
      %div3A_191 = arith.constant 2.560000e+02 : f32
      %div3A_192 = arith.divf %add3A_190, %div3A_191 : f32
      %floor3A_193 = math.floor %div3A_192 : f32
      %mul3A_194 = arith.constant 2.560000e+02 : f32
      %mul3A_195 = arith.mulf %floor3A_193, %mul3A_194 : f32
      %add3A_196 = arith.addf %add3A_186, %mul3A_195 : f32
      %slice3A_197 = vector.extract_strided_slice %add3A_110 {offsets = [0, 8], sizes = [1, 1], strides = [1, 1]} : vector<1x16xf32> to vector<1x1xf32>
      %squeeze3A_198 = vector.extract %slice3A_197[0, 0] : f32 from vector<1x1xf32>
      %add3A_199 = arith.constant 2.550000e+02 : f32
      %add3A_200 = arith.addf %squeeze3A_198, %add3A_199 : f32
      %div3A_201 = arith.constant 2.560000e+02 : f32
      %div3A_202 = arith.divf %add3A_200, %div3A_201 : f32
      %floor3A_203 = math.floor %div3A_202 : f32
      %mul3A_204 = arith.constant 2.560000e+02 : f32
      %mul3A_205 = arith.mulf %floor3A_203, %mul3A_204 : f32
      %add3A_206 = arith.addf %add3A_196, %mul3A_205 : f32
      %slice3A_207 = vector.extract_strided_slice %add3A_110 {offsets = [0, 9], sizes = [1, 1], strides = [1, 1]} : vector<1x16xf32> to vector<1x1xf32>
      %squeeze3A_208 = vector.extract %slice3A_207[0, 0] : f32 from vector<1x1xf32>
      %add3A_209 = arith.constant 2.550000e+02 : f32
      %add3A_210 = arith.addf %squeeze3A_208, %add3A_209 : f32
      %div3A_211 = arith.constant 2.560000e+02 : f32
      %div3A_212 = arith.divf %add3A_210, %div3A_211 : f32
      %floor3A_213 = math.floor %div3A_212 : f32
      %mul3A_214 = arith.constant 2.560000e+02 : f32
      %mul3A_215 = arith.mulf %floor3A_213, %mul3A_214 : f32
      %add3A_216 = arith.addf %add3A_206, %mul3A_215 : f32
      %slice3A_217 = vector.extract_strided_slice %add3A_110 {offsets = [0, 10], sizes = [1, 1], strides = [1, 1]} : vector<1x16xf32> to vector<1x1xf32>
      %squeeze3A_218 = vector.extract %slice3A_217[0, 0] : f32 from vector<1x1xf32>
      %add3A_219 = arith.constant 2.550000e+02 : f32
      %add3A_220 = arith.addf %squeeze3A_218, %add3A_219 : f32
      %div3A_221 = arith.constant 2.560000e+02 : f32
      %div3A_222 = arith.divf %add3A_220, %div3A_221 : f32
      %floor3A_223 = math.floor %div3A_222 : f32
      %mul3A_224 = arith.constant 2.560000e+02 : f32
      %mul3A_225 = arith.mulf %floor3A_223, %mul3A_224 : f32
      %add3A_226 = arith.addf %add3A_216, %mul3A_225 : f32
      %slice3A_227 = vector.extract_strided_slice %add3A_110 {offsets = [0, 11], sizes = [1, 1], strides = [1, 1]} : vector<1x16xf32> to vector<1x1xf32>
      %squeeze3A_228 = vector.extract %slice3A_227[0, 0] : f32 from vector<1x1xf32>
      %add3A_229 = arith.constant 2.550000e+02 : f32
      %add3A_230 = arith.addf %squeeze3A_228, %add3A_229 : f32
      %div3A_231 = arith.constant 2.560000e+02 : f32
      %div3A_232 = arith.divf %add3A_230, %div3A_231 : f32
      %floor3A_233 = math.floor %div3A_232 : f32
      %mul3A_234 = arith.constant 2.560000e+02 : f32
      %mul3A_235 = arith.mulf %floor3A_233, %mul3A_234 : f32
      %add3A_236 = arith.addf %add3A_226, %mul3A_235 : f32
      %slice3A_237 = vector.extract_strided_slice %add3A_110 {offsets = [0, 12], sizes = [1, 1], strides = [1, 1]} : vector<1x16xf32> to vector<1x1xf32>
      %squeeze3A_238 = vector.extract %slice3A_237[0, 0] : f32 from vector<1x1xf32>
      %add3A_239 = arith.constant 2.550000e+02 : f32
      %add3A_240 = arith.addf %squeeze3A_238, %add3A_239 : f32
      %div3A_241 = arith.constant 2.560000e+02 : f32
      %div3A_242 = arith.divf %add3A_240, %div3A_241 : f32
      %floor3A_243 = math.floor %div3A_242 : f32
      %mul3A_244 = arith.constant 2.560000e+02 : f32
      %mul3A_245 = arith.mulf %floor3A_243, %mul3A_244 : f32
      %add3A_246 = arith.addf %add3A_236, %mul3A_245 : f32
      %slice3A_247 = vector.extract_strided_slice %add3A_110 {offsets = [0, 13], sizes = [1, 1], strides = [1, 1]} : vector<1x16xf32> to vector<1x1xf32>
      %squeeze3A_248 = vector.extract %slice3A_247[0, 0] : f32 from vector<1x1xf32>
      %add3A_249 = arith.constant 2.550000e+02 : f32
      %add3A_250 = arith.addf %squeeze3A_248, %add3A_249 : f32
      %div3A_251 = arith.constant 2.560000e+02 : f32
      %div3A_252 = arith.divf %add3A_250, %div3A_251 : f32
      %floor3A_253 = math.floor %div3A_252 : f32
      %mul3A_254 = arith.constant 2.560000e+02 : f32
      %mul3A_255 = arith.mulf %floor3A_253, %mul3A_254 : f32
      %add3A_256 = arith.addf %add3A_246, %mul3A_255 : f32
      %slice3A_257 = vector.extract_strided_slice %add3A_110 {offsets = [0, 14], sizes = [1, 1], strides = [1, 1]} : vector<1x16xf32> to vector<1x1xf32>
      %squeeze3A_258 = vector.extract %slice3A_257[0, 0] : f32 from vector<1x1xf32>
      %add3A_259 = arith.constant 2.550000e+02 : f32
      %add3A_260 = arith.addf %squeeze3A_258, %add3A_259 : f32
      %div3A_261 = arith.constant 2.560000e+02 : f32
      %div3A_262 = arith.divf %add3A_260, %div3A_261 : f32
      %floor3A_263 = math.floor %div3A_262 : f32
      %mul3A_264 = arith.constant 2.560000e+02 : f32
      %mul3A_265 = arith.mulf %floor3A_263, %mul3A_264 : f32
      %add3A_266 = arith.addf %add3A_256, %mul3A_265 : f32
      %get3A_267 = arith.constant 0 : index
      %get3A_268 = arith.constant 0 : index
      %get3A_269 = vector.load %arg9[%get3A_267, %get3A_268] : memref<2048x2xi32, #tpu.memory_space<vmem>>, vector<2048x2xi32>
      %broadcast_in_dim3A_270 = arith.constant 0.000000e+00 : f32
      %broadcast_in_dim3A_271 = vector.broadcast %broadcast_in_dim3A_270 : f32 to vector<2048x2xf32>
      %eq3A_272 = arith.constant 0 : i32
      %eq3A_273 = vector.broadcast %eq3A_272 : i32 to vector<2048x2xi32>
      %eq3A_274 = arith.cmpi eq, %get3A_269, %eq3A_273 : vector<2048x2xi32>
      %jit3A_275 = arith.constant 0.000000e+00 : f32
      %jit3A_276 = arith.constant 0.000000e+00 : f32
      %broadcast_in_dim3A_277 = vector.broadcast %jit3A_275 : f32 to vector<2048x2xf32>
      %broadcast_in_dim3A_278 = vector.broadcast %jit3A_276 : f32 to vector<2048x2xf32>
      %select_n3A_279 = arith.select %eq3A_274, %broadcast_in_dim3A_277, %broadcast_in_dim3A_278 : vector<2048x2xi1>, vector<2048x2xf32>
      %add3A_280 = arith.addf %broadcast_in_dim3A_271, %select_n3A_279 : vector<2048x2xf32>
      %eq3A_281 = arith.constant 1 : i32
      %eq3A_282 = vector.broadcast %eq3A_281 : i32 to vector<2048x2xi32>
      %eq3A_283 = arith.cmpi eq, %get3A_269, %eq3A_282 : vector<2048x2xi32>
      %jit3A_284 = arith.constant 0.000000e+00 : f32
      %broadcast_in_dim3A_285 = vector.broadcast %add3A_126 : f32 to vector<2048x2xf32>
      %broadcast_in_dim3A_286 = vector.broadcast %jit3A_284 : f32 to vector<2048x2xf32>
      %select_n3A_287 = arith.select %eq3A_283, %broadcast_in_dim3A_285, %broadcast_in_dim3A_286 : vector<2048x2xi1>, vector<2048x2xf32>
      %add3A_288 = arith.addf %add3A_280, %select_n3A_287 : vector<2048x2xf32>
      %eq3A_289 = arith.constant 2 : i32
      %eq3A_290 = vector.broadcast %eq3A_289 : i32 to vector<2048x2xi32>
      %eq3A_291 = arith.cmpi eq, %get3A_269, %eq3A_290 : vector<2048x2xi32>
      %jit3A_292 = arith.constant 0.000000e+00 : f32
      %broadcast_in_dim3A_293 = vector.broadcast %add3A_136 : f32 to vector<2048x2xf32>
      %broadcast_in_dim3A_294 = vector.broadcast %jit3A_292 : f32 to vector<2048x2xf32>
      %select_n3A_295 = arith.select %eq3A_291, %broadcast_in_dim3A_293, %broadcast_in_dim3A_294 : vector<2048x2xi1>, vector<2048x2xf32>
      %add3A_296 = arith.addf %add3A_288, %select_n3A_295 : vector<2048x2xf32>
      %eq3A_297 = arith.constant 3 : i32
      %eq3A_298 = vector.broadcast %eq3A_297 : i32 to vector<2048x2xi32>
      %eq3A_299 = arith.cmpi eq, %get3A_269, %eq3A_298 : vector<2048x2xi32>
      %jit3A_300 = arith.constant 0.000000e+00 : f32
      %broadcast_in_dim3A_301 = vector.broadcast %add3A_146 : f32 to vector<2048x2xf32>
      %broadcast_in_dim3A_302 = vector.broadcast %jit3A_300 : f32 to vector<2048x2xf32>
      %select_n3A_303 = arith.select %eq3A_299, %broadcast_in_dim3A_301, %broadcast_in_dim3A_302 : vector<2048x2xi1>, vector<2048x2xf32>
      %add3A_304 = arith.addf %add3A_296, %select_n3A_303 : vector<2048x2xf32>
      %eq3A_305 = arith.constant 4 : i32
      %eq3A_306 = vector.broadcast %eq3A_305 : i32 to vector<2048x2xi32>
      %eq3A_307 = arith.cmpi eq, %get3A_269, %eq3A_306 : vector<2048x2xi32>
      %jit3A_308 = arith.constant 0.000000e+00 : f32
      %broadcast_in_dim3A_309 = vector.broadcast %add3A_156 : f32 to vector<2048x2xf32>
      %broadcast_in_dim3A_310 = vector.broadcast %jit3A_308 : f32 to vector<2048x2xf32>
      %select_n3A_311 = arith.select %eq3A_307, %broadcast_in_dim3A_309, %broadcast_in_dim3A_310 : vector<2048x2xi1>, vector<2048x2xf32>
      %add3A_312 = arith.addf %add3A_304, %select_n3A_311 : vector<2048x2xf32>
      %eq3A_313 = arith.constant 5 : i32
      %eq3A_314 = vector.broadcast %eq3A_313 : i32 to vector<2048x2xi32>
      %eq3A_315 = arith.cmpi eq, %get3A_269, %eq3A_314 : vector<2048x2xi32>
      %jit3A_316 = arith.constant 0.000000e+00 : f32
      %broadcast_in_dim3A_317 = vector.broadcast %add3A_166 : f32 to vector<2048x2xf32>
      %broadcast_in_dim3A_318 = vector.broadcast %jit3A_316 : f32 to vector<2048x2xf32>
      %select_n3A_319 = arith.select %eq3A_315, %broadcast_in_dim3A_317, %broadcast_in_dim3A_318 : vector<2048x2xi1>, vector<2048x2xf32>
      %add3A_320 = arith.addf %add3A_312, %select_n3A_319 : vector<2048x2xf32>
      %eq3A_321 = arith.constant 6 : i32
      %eq3A_322 = vector.broadcast %eq3A_321 : i32 to vector<2048x2xi32>
      %eq3A_323 = arith.cmpi eq, %get3A_269, %eq3A_322 : vector<2048x2xi32>
      %jit3A_324 = arith.constant 0.000000e+00 : f32
      %broadcast_in_dim3A_325 = vector.broadcast %add3A_176 : f32 to vector<2048x2xf32>
      %broadcast_in_dim3A_326 = vector.broadcast %jit3A_324 : f32 to vector<2048x2xf32>
      %select_n3A_327 = arith.select %eq3A_323, %broadcast_in_dim3A_325, %broadcast_in_dim3A_326 : vector<2048x2xi1>, vector<2048x2xf32>
      %add3A_328 = arith.addf %add3A_320, %select_n3A_327 : vector<2048x2xf32>
      %eq3A_329 = arith.constant 7 : i32
      %eq3A_330 = vector.broadcast %eq3A_329 : i32 to vector<2048x2xi32>
      %eq3A_331 = arith.cmpi eq, %get3A_269, %eq3A_330 : vector<2048x2xi32>
      %jit3A_332 = arith.constant 0.000000e+00 : f32
      %broadcast_in_dim3A_333 = vector.broadcast %add3A_186 : f32 to vector<2048x2xf32>
      %broadcast_in_dim3A_334 = vector.broadcast %jit3A_332 : f32 to vector<2048x2xf32>
      %select_n3A_335 = arith.select %eq3A_331, %broadcast_in_dim3A_333, %broadcast_in_dim3A_334 : vector<2048x2xi1>, vector<2048x2xf32>
      %add3A_336 = arith.addf %add3A_328, %select_n3A_335 : vector<2048x2xf32>
      %eq3A_337 = arith.constant 8 : i32
      %eq3A_338 = vector.broadcast %eq3A_337 : i32 to vector<2048x2xi32>
      %eq3A_339 = arith.cmpi eq, %get3A_269, %eq3A_338 : vector<2048x2xi32>
      %jit3A_340 = arith.constant 0.000000e+00 : f32
      %broadcast_in_dim3A_341 = vector.broadcast %add3A_196 : f32 to vector<2048x2xf32>
      %broadcast_in_dim3A_342 = vector.broadcast %jit3A_340 : f32 to vector<2048x2xf32>
      %select_n3A_343 = arith.select %eq3A_339, %broadcast_in_dim3A_341, %broadcast_in_dim3A_342 : vector<2048x2xi1>, vector<2048x2xf32>
      %add3A_344 = arith.addf %add3A_336, %select_n3A_343 : vector<2048x2xf32>
      %eq3A_345 = arith.constant 9 : i32
      %eq3A_346 = vector.broadcast %eq3A_345 : i32 to vector<2048x2xi32>
      %eq3A_347 = arith.cmpi eq, %get3A_269, %eq3A_346 : vector<2048x2xi32>
      %jit3A_348 = arith.constant 0.000000e+00 : f32
      %broadcast_in_dim3A_349 = vector.broadcast %add3A_206 : f32 to vector<2048x2xf32>
      %broadcast_in_dim3A_350 = vector.broadcast %jit3A_348 : f32 to vector<2048x2xf32>
      %select_n3A_351 = arith.select %eq3A_347, %broadcast_in_dim3A_349, %broadcast_in_dim3A_350 : vector<2048x2xi1>, vector<2048x2xf32>
      %add3A_352 = arith.addf %add3A_344, %select_n3A_351 : vector<2048x2xf32>
      %eq3A_353 = arith.constant 10 : i32
      %eq3A_354 = vector.broadcast %eq3A_353 : i32 to vector<2048x2xi32>
      %eq3A_355 = arith.cmpi eq, %get3A_269, %eq3A_354 : vector<2048x2xi32>
      %jit3A_356 = arith.constant 0.000000e+00 : f32
      %broadcast_in_dim3A_357 = vector.broadcast %add3A_216 : f32 to vector<2048x2xf32>
      %broadcast_in_dim3A_358 = vector.broadcast %jit3A_356 : f32 to vector<2048x2xf32>
      %select_n3A_359 = arith.select %eq3A_355, %broadcast_in_dim3A_357, %broadcast_in_dim3A_358 : vector<2048x2xi1>, vector<2048x2xf32>
      %add3A_360 = arith.addf %add3A_352, %select_n3A_359 : vector<2048x2xf32>
      %eq3A_361 = arith.constant 11 : i32
      %eq3A_362 = vector.broadcast %eq3A_361 : i32 to vector<2048x2xi32>
      %eq3A_363 = arith.cmpi eq, %get3A_269, %eq3A_362 : vector<2048x2xi32>
      %jit3A_364 = arith.constant 0.000000e+00 : f32
      %broadcast_in_dim3A_365 = vector.broadcast %add3A_226 : f32 to vector<2048x2xf32>
      %broadcast_in_dim3A_366 = vector.broadcast %jit3A_364 : f32 to vector<2048x2xf32>
      %select_n3A_367 = arith.select %eq3A_363, %broadcast_in_dim3A_365, %broadcast_in_dim3A_366 : vector<2048x2xi1>, vector<2048x2xf32>
      %add3A_368 = arith.addf %add3A_360, %select_n3A_367 : vector<2048x2xf32>
      %eq3A_369 = arith.constant 12 : i32
      %eq3A_370 = vector.broadcast %eq3A_369 : i32 to vector<2048x2xi32>
      %eq3A_371 = arith.cmpi eq, %get3A_269, %eq3A_370 : vector<2048x2xi32>
      %jit3A_372 = arith.constant 0.000000e+00 : f32
      %broadcast_in_dim3A_373 = vector.broadcast %add3A_236 : f32 to vector<2048x2xf32>
      %broadcast_in_dim3A_374 = vector.broadcast %jit3A_372 : f32 to vector<2048x2xf32>
      %select_n3A_375 = arith.select %eq3A_371, %broadcast_in_dim3A_373, %broadcast_in_dim3A_374 : vector<2048x2xi1>, vector<2048x2xf32>
      %add3A_376 = arith.addf %add3A_368, %select_n3A_375 : vector<2048x2xf32>
      %eq3A_377 = arith.constant 13 : i32
      %eq3A_378 = vector.broadcast %eq3A_377 : i32 to vector<2048x2xi32>
      %eq3A_379 = arith.cmpi eq, %get3A_269, %eq3A_378 : vector<2048x2xi32>
      %jit3A_380 = arith.constant 0.000000e+00 : f32
      %broadcast_in_dim3A_381 = vector.broadcast %add3A_246 : f32 to vector<2048x2xf32>
      %broadcast_in_dim3A_382 = vector.broadcast %jit3A_380 : f32 to vector<2048x2xf32>
      %select_n3A_383 = arith.select %eq3A_379, %broadcast_in_dim3A_381, %broadcast_in_dim3A_382 : vector<2048x2xi1>, vector<2048x2xf32>
      %add3A_384 = arith.addf %add3A_376, %select_n3A_383 : vector<2048x2xf32>
      %eq3A_385 = arith.constant 14 : i32
      %eq3A_386 = vector.broadcast %eq3A_385 : i32 to vector<2048x2xi32>
      %eq3A_387 = arith.cmpi eq, %get3A_269, %eq3A_386 : vector<2048x2xi32>
      %jit3A_388 = arith.constant 0.000000e+00 : f32
      %broadcast_in_dim3A_389 = vector.broadcast %add3A_256 : f32 to vector<2048x2xf32>
      %broadcast_in_dim3A_390 = vector.broadcast %jit3A_388 : f32 to vector<2048x2xf32>
      %select_n3A_391 = arith.select %eq3A_387, %broadcast_in_dim3A_389, %broadcast_in_dim3A_390 : vector<2048x2xi1>, vector<2048x2xf32>
      %add3A_392 = arith.addf %add3A_384, %select_n3A_391 : vector<2048x2xf32>
      %eq3A_393 = arith.constant 15 : i32
      %eq3A_394 = vector.broadcast %eq3A_393 : i32 to vector<2048x2xi32>
      %eq3A_395 = arith.cmpi eq, %get3A_269, %eq3A_394 : vector<2048x2xi32>
      %jit3A_396 = arith.constant 0.000000e+00 : f32
      %broadcast_in_dim3A_397 = vector.broadcast %add3A_266 : f32 to vector<2048x2xf32>
      %broadcast_in_dim3A_398 = vector.broadcast %jit3A_396 : f32 to vector<2048x2xf32>
      %select_n3A_399 = arith.select %eq3A_395, %broadcast_in_dim3A_397, %broadcast_in_dim3A_398 : vector<2048x2xi1>, vector<2048x2xf32>
      %add3A_400 = arith.addf %add3A_392, %select_n3A_399 : vector<2048x2xf32>
      %get3A_401 = arith.constant 0 : index
      %get3A_402 = arith.constant 0 : index
      %get3A_403 = vector.load %arg10[%get3A_401, %get3A_402] : memref<2048x2xf32, #tpu.memory_space<vmem>>, vector<2048x2xf32>
      %add3A_404 = arith.addf %add3A_400, %get3A_403 : vector<2048x2xf32>
      %convert_element_type3A_405 = arith.fptosi %add3A_404 : vector<2048x2xf32> to vector<2048x2xi32>
      %swap3A_406 = arith.constant 0 : index
      %swap3A_407 = arith.constant 0 : index
      %swap3A_408 = vector.load %arg6[%swap3A_406, %swap3A_407] : memref<2048x2xi32, #tpu.memory_space<vmem>>, vector<2048x2xi32>
      tpu.vector_store %arg6[%swap3A_406, %swap3A_407], %convert_element_type3A_405 {strides = array<i32>} : memref<2048x2xi32, #tpu.memory_space<vmem>>, vector<2048x2xi32>,
      %iota3A_409 = tpu.iota {dimensions = array<i32: 1>} : vector<8x128xi32>
      %mul3A_410 = arith.constant 256 : i32
      %mul3A_411 = vector.broadcast %mul3A_410 : i32 to vector<8x128xi32>
      %mul3A_412 = arith.muli %iota3A_409, %mul3A_411 : vector<8x128xi32>
      %convert_element_type3A_413 = arith.sitofp %mul3A_412 : vector<8x128xi32> to vector<8x128xf32>
      %broadcast_in_dim3A_414 = arith.constant 0.000000e+00 : f32
      %broadcast_in_dim3A_415 = vector.broadcast %broadcast_in_dim3A_414 : f32 to vector<8x128xf32>
      %ge3A = arith.constant 0.000000e+00 : f32
      %ge3A_416 = vector.broadcast %ge3A : f32 to vector<8x128xf32>
      %ge3A_417 = arith.cmpf oge, %convert_element_type3A_413, %ge3A_416 : vector<8x128xf32>
      %jit3A_418 = arith.constant 1.000000e+00 : f32
      %jit3A_419 = arith.constant 0.000000e+00 : f32
      %broadcast_in_dim3A_420 = vector.broadcast %jit3A_418 : f32 to vector<8x128xf32>
      %broadcast_in_dim3A_421 = vector.broadcast %jit3A_419 : f32 to vector<8x128xf32>
      %select_n3A_422 = arith.select %ge3A_417, %broadcast_in_dim3A_420, %broadcast_in_dim3A_421 : vector<8x128xi1>, vector<8x128xf32>
      %add3A_423 = arith.addf %broadcast_in_dim3A_415, %select_n3A_422 : vector<8x128xf32>
      %ge3A_424 = vector.broadcast %add3A_126 : f32 to vector<8x128xf32>
      %ge3A_425 = arith.cmpf oge, %convert_element_type3A_413, %ge3A_424 : vector<8x128xf32>
      %jit3A_426 = arith.constant 1.000000e+00 : f32
      %jit3A_427 = arith.constant 0.000000e+00 : f32
      %broadcast_in_dim3A_428 = vector.broadcast %jit3A_426 : f32 to vector<8x128xf32>
      %broadcast_in_dim3A_429 = vector.broadcast %jit3A_427 : f32 to vector<8x128xf32>
      %select_n3A_430 = arith.select %ge3A_425, %broadcast_in_dim3A_428, %broadcast_in_dim3A_429 : vector<8x128xi1>, vector<8x128xf32>
      %add3A_431 = arith.addf %add3A_423, %select_n3A_430 : vector<8x128xf32>
      %ge3A_432 = vector.broadcast %add3A_136 : f32 to vector<8x128xf32>
      %ge3A_433 = arith.cmpf oge, %convert_element_type3A_413, %ge3A_432 : vector<8x128xf32>
      %jit3A_434 = arith.constant 1.000000e+00 : f32
      %jit3A_435 = arith.constant 0.000000e+00 : f32
      %broadcast_in_dim3A_436 = vector.broadcast %jit3A_434 : f32 to vector<8x128xf32>
      %broadcast_in_dim3A_437 = vector.broadcast %jit3A_435 : f32 to vector<8x128xf32>
      %select_n3A_438 = arith.select %ge3A_433, %broadcast_in_dim3A_436, %broadcast_in_dim3A_437 : vector<8x128xi1>, vector<8x128xf32>
      %add3A_439 = arith.addf %add3A_431, %select_n3A_438 : vector<8x128xf32>
      %ge3A_440 = vector.broadcast %add3A_146 : f32 to vector<8x128xf32>
      %ge3A_441 = arith.cmpf oge, %convert_element_type3A_413, %ge3A_440 : vector<8x128xf32>
      %jit3A_442 = arith.constant 1.000000e+00 : f32
      %jit3A_443 = arith.constant 0.000000e+00 : f32
      %broadcast_in_dim3A_444 = vector.broadcast %jit3A_442 : f32 to vector<8x128xf32>
      %broadcast_in_dim3A_445 = vector.broadcast %jit3A_443 : f32 to vector<8x128xf32>
      %select_n3A_446 = arith.select %ge3A_441, %broadcast_in_dim3A_444, %broadcast_in_dim3A_445 : vector<8x128xi1>, vector<8x128xf32>
      %add3A_447 = arith.addf %add3A_439, %select_n3A_446 : vector<8x128xf32>
      %ge3A_448 = vector.broadcast %add3A_156 : f32 to vector<8x128xf32>
      %ge3A_449 = arith.cmpf oge, %convert_element_type3A_413, %ge3A_448 : vector<8x128xf32>
      %jit3A_450 = arith.constant 1.000000e+00 : f32
      %jit3A_451 = arith.constant 0.000000e+00 : f32
      %broadcast_in_dim3A_452 = vector.broadcast %jit3A_450 : f32 to vector<8x128xf32>
      %broadcast_in_dim3A_453 = vector.broadcast %jit3A_451 : f32 to vector<8x128xf32>
      %select_n3A_454 = arith.select %ge3A_449, %broadcast_in_dim3A_452, %broadcast_in_dim3A_453 : vector<8x128xi1>, vector<8x128xf32>
      %add3A_455 = arith.addf %add3A_447, %select_n3A_454 : vector<8x128xf32>
      %ge3A_456 = vector.broadcast %add3A_166 : f32 to vector<8x128xf32>
      %ge3A_457 = arith.cmpf oge, %convert_element_type3A_413, %ge3A_456 : vector<8x128xf32>
      %jit3A_458 = arith.constant 1.000000e+00 : f32
      %jit3A_459 = arith.constant 0.000000e+00 : f32
      %broadcast_in_dim3A_460 = vector.broadcast %jit3A_458 : f32 to vector<8x128xf32>
      %broadcast_in_dim3A_461 = vector.broadcast %jit3A_459 : f32 to vector<8x128xf32>
      %select_n3A_462 = arith.select %ge3A_457, %broadcast_in_dim3A_460, %broadcast_in_dim3A_461 : vector<8x128xi1>, vector<8x128xf32>
      %add3A_463 = arith.addf %add3A_455, %select_n3A_462 : vector<8x128xf32>
      %ge3A_464 = vector.broadcast %add3A_176 : f32 to vector<8x128xf32>
      %ge3A_465 = arith.cmpf oge, %convert_element_type3A_413, %ge3A_464 : vector<8x128xf32>
      %jit3A_466 = arith.constant 1.000000e+00 : f32
      %jit3A_467 = arith.constant 0.000000e+00 : f32
      %broadcast_in_dim3A_468 = vector.broadcast %jit3A_466 : f32 to vector<8x128xf32>
      %broadcast_in_dim3A_469 = vector.broadcast %jit3A_467 : f32 to vector<8x128xf32>
      %select_n3A_470 = arith.select %ge3A_465, %broadcast_in_dim3A_468, %broadcast_in_dim3A_469 : vector<8x128xi1>, vector<8x128xf32>
      %add3A_471 = arith.addf %add3A_463, %select_n3A_470 : vector<8x128xf32>
      %ge3A_472 = vector.broadcast %add3A_186 : f32 to vector<8x128xf32>
      %ge3A_473 = arith.cmpf oge, %convert_element_type3A_413, %ge3A_472 : vector<8x128xf32>
      %jit3A_474 = arith.constant 1.000000e+00 : f32
      %jit3A_475 = arith.constant 0.000000e+00 : f32
      %broadcast_in_dim3A_476 = vector.broadcast %jit3A_474 : f32 to vector<8x128xf32>
      %broadcast_in_dim3A_477 = vector.broadcast %jit3A_475 : f32 to vector<8x128xf32>
      %select_n3A_478 = arith.select %ge3A_473, %broadcast_in_dim3A_476, %broadcast_in_dim3A_477 : vector<8x128xi1>, vector<8x128xf32>
      %add3A_479 = arith.addf %add3A_471, %select_n3A_478 : vector<8x128xf32>
      %ge3A_480 = vector.broadcast %add3A_196 : f32 to vector<8x128xf32>
      %ge3A_481 = arith.cmpf oge, %convert_element_type3A_413, %ge3A_480 : vector<8x128xf32>
      %jit3A_482 = arith.constant 1.000000e+00 : f32
      %jit3A_483 = arith.constant 0.000000e+00 : f32
      %broadcast_in_dim3A_484 = vector.broadcast %jit3A_482 : f32 to vector<8x128xf32>
      %broadcast_in_dim3A_485 = vector.broadcast %jit3A_483 : f32 to vector<8x128xf32>
      %select_n3A_486 = arith.select %ge3A_481, %broadcast_in_dim3A_484, %broadcast_in_dim3A_485 : vector<8x128xi1>, vector<8x128xf32>
      %add3A_487 = arith.addf %add3A_479, %select_n3A_486 : vector<8x128xf32>
      %ge3A_488 = vector.broadcast %add3A_206 : f32 to vector<8x128xf32>
      %ge3A_489 = arith.cmpf oge, %convert_element_type3A_413, %ge3A_488 : vector<8x128xf32>
      %jit3A_490 = arith.constant 1.000000e+00 : f32
      %jit3A_491 = arith.constant 0.000000e+00 : f32
      %broadcast_in_dim3A_492 = vector.broadcast %jit3A_490 : f32 to vector<8x128xf32>
      %broadcast_in_dim3A_493 = vector.broadcast %jit3A_491 : f32 to vector<8x128xf32>
      %select_n3A_494 = arith.select %ge3A_489, %broadcast_in_dim3A_492, %broadcast_in_dim3A_493 : vector<8x128xi1>, vector<8x128xf32>
      %add3A_495 = arith.addf %add3A_487, %select_n3A_494 : vector<8x128xf32>
      %ge3A_496 = vector.broadcast %add3A_216 : f32 to vector<8x128xf32>
      %ge3A_497 = arith.cmpf oge, %convert_element_type3A_413, %ge3A_496 : vector<8x128xf32>
      %jit3A_498 = arith.constant 1.000000e+00 : f32
      %jit3A_499 = arith.constant 0.000000e+00 : f32
      %broadcast_in_dim3A_500 = vector.broadcast %jit3A_498 : f32 to vector<8x128xf32>
      %broadcast_in_dim3A_501 = vector.broadcast %jit3A_499 : f32 to vector<8x128xf32>
      %select_n3A_502 = arith.select %ge3A_497, %broadcast_in_dim3A_500, %broadcast_in_dim3A_501 : vector<8x128xi1>, vector<8x128xf32>
      %add3A_503 = arith.addf %add3A_495, %select_n3A_502 : vector<8x128xf32>
      %ge3A_504 = vector.broadcast %add3A_226 : f32 to vector<8x128xf32>
      %ge3A_505 = arith.cmpf oge, %convert_element_type3A_413, %ge3A_504 : vector<8x128xf32>
      %jit3A_506 = arith.constant 1.000000e+00 : f32
      %jit3A_507 = arith.constant 0.000000e+00 : f32
      %broadcast_in_dim3A_508 = vector.broadcast %jit3A_506 : f32 to vector<8x128xf32>
      %broadcast_in_dim3A_509 = vector.broadcast %jit3A_507 : f32 to vector<8x128xf32>
      %select_n3A_510 = arith.select %ge3A_505, %broadcast_in_dim3A_508, %broadcast_in_dim3A_509 : vector<8x128xi1>, vector<8x128xf32>
      %add3A_511 = arith.addf %add3A_503, %select_n3A_510 : vector<8x128xf32>
      %ge3A_512 = vector.broadcast %add3A_236 : f32 to vector<8x128xf32>
      %ge3A_513 = arith.cmpf oge, %convert_element_type3A_413, %ge3A_512 : vector<8x128xf32>
      %jit3A_514 = arith.constant 1.000000e+00 : f32
      %jit3A_515 = arith.constant 0.000000e+00 : f32
      %broadcast_in_dim3A_516 = vector.broadcast %jit3A_514 : f32 to vector<8x128xf32>
      %broadcast_in_dim3A_517 = vector.broadcast %jit3A_515 : f32 to vector<8x128xf32>
      %select_n3A_518 = arith.select %ge3A_513, %broadcast_in_dim3A_516, %broadcast_in_dim3A_517 : vector<8x128xi1>, vector<8x128xf32>
      %add3A_519 = arith.addf %add3A_511, %select_n3A_518 : vector<8x128xf32>
      %ge3A_520 = vector.broadcast %add3A_246 : f32 to vector<8x128xf32>
      %ge3A_521 = arith.cmpf oge, %convert_element_type3A_413, %ge3A_520 : vector<8x128xf32>
      %jit3A_522 = arith.constant 1.000000e+00 : f32
      %jit3A_523 = arith.constant 0.000000e+00 : f32
      %broadcast_in_dim3A_524 = vector.broadcast %jit3A_522 : f32 to vector<8x128xf32>
      %broadcast_in_dim3A_525 = vector.broadcast %jit3A_523 : f32 to vector<8x128xf32>
      %select_n3A_526 = arith.select %ge3A_521, %broadcast_in_dim3A_524, %broadcast_in_dim3A_525 : vector<8x128xi1>, vector<8x128xf32>
      %add3A_527 = arith.addf %add3A_519, %select_n3A_526 : vector<8x128xf32>
      %ge3A_528 = vector.broadcast %add3A_256 : f32 to vector<8x128xf32>
      %ge3A_529 = arith.cmpf oge, %convert_element_type3A_413, %ge3A_528 : vector<8x128xf32>
      %jit3A_530 = arith.constant 1.000000e+00 : f32
      %jit3A_531 = arith.constant 0.000000e+00 : f32
      %broadcast_in_dim3A_532 = vector.broadcast %jit3A_530 : f32 to vector<8x128xf32>
      %broadcast_in_dim3A_533 = vector.broadcast %jit3A_531 : f32 to vector<8x128xf32>
      %select_n3A_534 = arith.select %ge3A_529, %broadcast_in_dim3A_532, %broadcast_in_dim3A_533 : vector<8x128xi1>, vector<8x128xf32>
      %add3A_535 = arith.addf %add3A_527, %select_n3A_534 : vector<8x128xf32>
      %ge3A_536 = vector.broadcast %add3A_266 : f32 to vector<8x128xf32>
      %ge3A_537 = arith.cmpf oge, %convert_element_type3A_413, %ge3A_536 : vector<8x128xf32>
      %jit3A_538 = arith.constant 1.000000e+00 : f32
      %jit3A_539 = arith.constant 0.000000e+00 : f32
      %broadcast_in_dim3A_540 = vector.broadcast %jit3A_538 : f32 to vector<8x128xf32>
      %broadcast_in_dim3A_541 = vector.broadcast %jit3A_539 : f32 to vector<8x128xf32>
      %select_n3A_542 = arith.select %ge3A_537, %broadcast_in_dim3A_540, %broadcast_in_dim3A_541 : vector<8x128xi1>, vector<8x128xf32>
      %add3A_543 = arith.addf %add3A_535, %select_n3A_542 : vector<8x128xf32>
      %sub3A_544 = arith.constant 1.000000e+00 : f32
      %sub3A_545 = vector.broadcast %sub3A_544 : f32 to vector<8x128xf32>
      %sub3A_546 = arith.subf %add3A_543, %sub3A_545 : vector<8x128xf32>
      %jit3A_547 = arith.constant 0.000000e+00 : f32
      %jit3A_548 = arith.constant 1.500000e+01 : f32
      %max3A = vector.broadcast %jit3A_547 : f32 to vector<8x128xf32>
      %max3A_549 = arith.maximumf %max3A, %sub3A_546 : vector<8x128xf32>
      %min3A = vector.broadcast %jit3A_548 : f32 to vector<8x128xf32>
      %min3A_550 = arith.minimumf %min3A, %max3A_549 : vector<8x128xf32>
      %convert_element_type3A_551 = arith.fptosi %min3A_550 : vector<8x128xf32> to vector<8x128xi32>
      %swap3A_552 = arith.constant 0 : index
      %swap3A_553 = arith.constant 0 : index
      %swap3A_554 = vector.load %arg7[%swap3A_552, %swap3A_553] : memref<8x128xi32, #tpu.memory_space<vmem>>, vector<8x128xi32>
      tpu.vector_store %arg7[%swap3A_552, %swap3A_553], %convert_element_type3A_551 {strides = array<i32>} : memref<8x128xi32, #tpu.memory_space<vmem>>, vector<8x128xi32>,
    } else {
    }
    return
  }
  func.func @transform_0(%arg0: i32) -> (i32, i32) {
    %c0_i32 = arith.constant 0 : i32
    %c0_i32_0 = arith.constant 0 : i32
    return %arg0, %c0_i32 : i32, i32
  }
  func.func @transform_1(%arg0: i32) -> (i32, i32) {
    %c0_i32 = arith.constant 0 : i32
    %c0_i32_0 = arith.constant 0 : i32
    %c0_i32_1 = arith.constant 0 : i32
    return %c0_i32, %c0_i32_0 : i32, i32
  }
  func.func @transform_2(%arg0: i32) -> (i32, i32) {
    %c0_i32 = arith.constant 0 : i32
    %c0_i32_0 = arith.constant 0 : i32
    %c0_i32_1 = arith.constant 0 : i32
    return %c0_i32, %c0_i32_0 : i32, i32
  }
  func.func @transform_3(%arg0: i32) -> (i32, i32) {
    %c0_i32 = arith.constant 0 : i32
    %c0_i32_0 = arith.constant 0 : i32
    return %arg0, %c0_i32 : i32, i32
  }
  func.func @transform_4(%arg0: i32) -> (i32, i32) {
    %c0_i32 = arith.constant 0 : i32
    %c0_i32_0 = arith.constant 0 : i32
    return %arg0, %c0_i32 : i32, i32
  }
  func.func @transform_5(%arg0: i32) -> (i32, i32) {
    %c0_i32 = arith.constant 0 : i32
    %c0_i32_0 = arith.constant 0 : i32
    %c0_i32_1 = arith.constant 0 : i32
    return %c0_i32, %c0_i32_0 : i32, i32
  }
  func.func @transform_6(%arg0: i32) -> (i32, i32) {
    %c0_i32 = arith.constant 0 : i32
    %c0_i32_0 = arith.constant 0 : i32
    %c0_i32_1 = arith.constant 0 : i32
    return %c0_i32, %c0_i32_0 : i32, i32
  }
}

module attributes {stable_mosaic.version = 14 : i64} {
  func.func @_moe_body(%arg0: i32, %arg1: memref<32xi32, #tpu.memory_space<smem>>, %arg2: memref<256x1024xf32, #tpu.memory_space<vmem>>, %arg3: memref<1x512x1024xf32, #tpu.memory_space<vmem>>, %arg4: memref<1x512x1024xf32, #tpu.memory_space<vmem>>, %arg5: memref<1x1024x512xf32, #tpu.memory_space<vmem>>, %arg6: memref<256x1024xf32, #tpu.memory_space<vmem>>) attributes {dimension_semantics = [#tpu.dimension_semantics<arbitrary>], iteration_bounds = array<i64: 32>, scalar_prefetch = 1 : i64, scratch_operands = 0 : i64, tpu.core_type = #tpu.core_type<tc>, window_params = [{transform_indices = @transform_0, window_bounds = array<i64: 256, 1024>}, {transform_indices = @transform_1, window_bounds = array<i64: 1, 512, 1024>}, {transform_indices = @transform_2, window_bounds = array<i64: 1, 512, 1024>}, {transform_indices = @transform_3, window_bounds = array<i64: 1, 1024, 512>}, {transform_indices = @transform_4, window_bounds = array<i64: 256, 1024>}]} {
    %get3A = arith.constant 0 : index
    %get3A_0 = arith.constant 0 : index
    %get3A_1 = vector.load %arg2[%get3A, %get3A_0] : memref<256x1024xf32, #tpu.memory_space<vmem>>, vector<256x1024xf32>
    %convert_element_type3A = arith.truncf %get3A_1 : vector<256x1024xf32> to vector<256x1024xbf16>
    %get3A_2 = arith.constant 0 : index
    %get3A_3 = arith.constant 0 : index
    %get3A_4 = arith.constant 0 : index
    %get3A_5 = vector.load %arg3[%get3A_2, %get3A_3, %get3A_4] : memref<1x512x1024xf32, #tpu.memory_space<vmem>>, vector<1x512x1024xf32>
    %get3A_6 = vector.shape_cast %get3A_5 : vector<1x512x1024xf32> to vector<512x1024xf32>
    %convert_element_type3A_7 = arith.truncf %get3A_6 : vector<512x1024xf32> to vector<512x1024xbf16>
    %dot_general3A = arith.constant dense<0.000000e+00> : vector<256x512xf32>
    %dot_general3A_8 = tpu.matmul %convert_element_type3A, %convert_element_type3A_7, %dot_general3A {dimension_numbers = #tpu.dot_dimension_numbers<[1], [1], [0], [0], [0, 0, 1, 0], [], []>, transpose_lhs_hint = false} : vector<256x1024xbf16>, vector<512x1024xbf16>, vector<256x512xf32> -> vector<256x512xf32>
    %get3A_9 = arith.constant 0 : index
    %get3A_10 = arith.constant 0 : index
    %get3A_11 = arith.constant 0 : index
    %get3A_12 = vector.load %arg4[%get3A_9, %get3A_10, %get3A_11] : memref<1x512x1024xf32, #tpu.memory_space<vmem>>, vector<1x512x1024xf32>
    %get3A_13 = vector.shape_cast %get3A_12 : vector<1x512x1024xf32> to vector<512x1024xf32>
    %convert_element_type3A_14 = arith.truncf %get3A_13 : vector<512x1024xf32> to vector<512x1024xbf16>
    %dot_general3A_15 = arith.constant dense<0.000000e+00> : vector<256x512xf32>
    %dot_general3A_16 = tpu.matmul %convert_element_type3A, %convert_element_type3A_14, %dot_general3A_15 {dimension_numbers = #tpu.dot_dimension_numbers<[1], [1], [0], [0], [0, 0, 1, 0], [], []>, transpose_lhs_hint = false} : vector<256x1024xbf16>, vector<512x1024xbf16>, vector<256x512xf32> -> vector<256x512xf32>
    %neg3A = arith.constant 0.000000e+00 : f32
    %neg3A_17 = vector.broadcast %neg3A : f32 to vector<256x512xf32>
    %neg3A_18 = arith.subf %neg3A_17, %dot_general3A_8 : vector<256x512xf32>
    %exp3A = math.exp %neg3A_18 : vector<256x512xf32>
    %add3A = arith.constant 1.000000e+00 : f32
    %add3A_19 = vector.broadcast %add3A : f32 to vector<256x512xf32>
    %add3A_20 = arith.addf %add3A_19, %exp3A : vector<256x512xf32>
    %div3A = arith.constant 1.000000e+00 : f32
    %div3A_21 = vector.broadcast %div3A : f32 to vector<256x512xf32>
    %div3A_22 = arith.divf %div3A_21, %add3A_20 : vector<256x512xf32>
    %mul3A = arith.mulf %dot_general3A_8, %div3A_22 : vector<256x512xf32>
    %mul3A_23 = arith.mulf %mul3A, %dot_general3A_16 : vector<256x512xf32>
    %convert_element_type3A_24 = arith.truncf %mul3A_23 : vector<256x512xf32> to vector<256x512xbf16>
    %get3A_25 = arith.constant 0 : index
    %get3A_26 = arith.constant 0 : index
    %get3A_27 = arith.constant 0 : index
    %get3A_28 = vector.load %arg5[%get3A_25, %get3A_26, %get3A_27] : memref<1x1024x512xf32, #tpu.memory_space<vmem>>, vector<1x1024x512xf32>
    %get3A_29 = vector.shape_cast %get3A_28 : vector<1x1024x512xf32> to vector<1024x512xf32>
    %convert_element_type3A_30 = arith.truncf %get3A_29 : vector<1024x512xf32> to vector<1024x512xbf16>
    %dot_general3A_31 = arith.constant dense<0.000000e+00> : vector<256x1024xf32>
    %dot_general3A_32 = tpu.matmul %convert_element_type3A_24, %convert_element_type3A_30, %dot_general3A_31 {dimension_numbers = #tpu.dot_dimension_numbers<[1], [1], [0], [0], [0, 0, 1, 0], [], []>, transpose_lhs_hint = false} : vector<256x512xbf16>, vector<1024x512xbf16>, vector<256x1024xf32> -> vector<256x1024xf32>
    %swap3A = arith.constant 0 : index
    %swap3A_33 = arith.constant 0 : index
    %swap3A_34 = vector.load %arg6[%swap3A, %swap3A_33] : memref<256x1024xf32, #tpu.memory_space<vmem>>, vector<256x1024xf32>
    tpu.vector_store %arg6[%swap3A, %swap3A_33], %dot_general3A_32 {strides = array<i32>} : memref<256x1024xf32, #tpu.memory_space<vmem>>, vector<256x1024xf32>,
    return
  }
  func.func @transform_0(%arg0: i32, %arg1: memref<32xi32, #tpu.memory_space<smem>>) -> (i32, i32) {
    %c0_i32 = arith.constant 0 : i32
    %c0_i32_0 = arith.constant 0 : i32
    return %arg0, %c0_i32 : i32, i32
  }
  func.func @transform_1(%arg0: i32, %arg1: memref<32xi32, #tpu.memory_space<smem>>) -> (i32, i32, i32) {
    %get3A = arith.index_cast %arg0 : i32 to index
    %get3A_0 = memref.load %arg1[%get3A] : memref<32xi32, #tpu.memory_space<smem>>
    %c0_i32 = arith.constant 0 : i32
    %c0_i32_1 = arith.constant 0 : i32
    %c0_i32_2 = arith.constant 0 : i32
    return %get3A_0, %c0_i32, %c0_i32_1 : i32, i32, i32
  }
  func.func @transform_2(%arg0: i32, %arg1: memref<32xi32, #tpu.memory_space<smem>>) -> (i32, i32, i32) {
    %get3A = arith.index_cast %arg0 : i32 to index
    %get3A_0 = memref.load %arg1[%get3A] : memref<32xi32, #tpu.memory_space<smem>>
    %c0_i32 = arith.constant 0 : i32
    %c0_i32_1 = arith.constant 0 : i32
    %c0_i32_2 = arith.constant 0 : i32
    return %get3A_0, %c0_i32, %c0_i32_1 : i32, i32, i32
  }
  func.func @transform_3(%arg0: i32, %arg1: memref<32xi32, #tpu.memory_space<smem>>) -> (i32, i32, i32) {
    %get3A = arith.index_cast %arg0 : i32 to index
    %get3A_0 = memref.load %arg1[%get3A] : memref<32xi32, #tpu.memory_space<smem>>
    %c0_i32 = arith.constant 0 : i32
    %c0_i32_1 = arith.constant 0 : i32
    %c0_i32_2 = arith.constant 0 : i32
    return %get3A_0, %c0_i32, %c0_i32_1 : i32, i32, i32
  }
  func.func @transform_4(%arg0: i32, %arg1: memref<32xi32, #tpu.memory_space<smem>>) -> (i32, i32) {
    %c0_i32 = arith.constant 0 : i32
    %c0_i32_0 = arith.constant 0 : i32
    return %arg0, %c0_i32 : i32, i32
  }
}

module attributes {stable_mosaic.version = 14 : i64} {
  func.func @_combine_body(%arg0: i32, %arg1: memref<256x1024xf32, #tpu.memory_space<vmem>>, %arg2: memref<256x2048xf32, #tpu.memory_space<vmem>>, %arg3: memref<256x2xf32, #tpu.memory_space<vmem>>, %arg4: memref<256x1024xf32, #tpu.memory_space<vmem>>) attributes {dimension_semantics = [#tpu.dimension_semantics<arbitrary>], iteration_bounds = array<i64: 8>, scalar_prefetch = 0 : i64, scratch_operands = 0 : i64, tpu.core_type = #tpu.core_type<tc>, window_params = [{transform_indices = @transform_0, window_bounds = array<i64: 256, 1024>}, {transform_indices = @transform_1, window_bounds = array<i64: 256, 2048>}, {transform_indices = @transform_2, window_bounds = array<i64: 256, 2>}, {transform_indices = @transform_3, window_bounds = array<i64: 256, 1024>}]} {
    %get3A = arith.constant 0 : index
    %get3A_0 = arith.constant 0 : index
    %get3A_1 = vector.load %arg2[%get3A, %get3A_0] : memref<256x2048xf32, #tpu.memory_space<vmem>>, vector<256x2048xf32>
    %slice3A = vector.extract_strided_slice %get3A_1 {offsets = [0, 0], sizes = [256, 1024], strides = [1, 1]} : vector<256x2048xf32> to vector<256x1024xf32>
    %slice3A_2 = vector.extract_strided_slice %get3A_1 {offsets = [0, 1024], sizes = [256, 1024], strides = [1, 1]} : vector<256x2048xf32> to vector<256x1024xf32>
    %get3A_3 = arith.constant 0 : index
    %get3A_4 = arith.constant 0 : index
    %get3A_5 = vector.load %arg3[%get3A_3, %get3A_4] : memref<256x2xf32, #tpu.memory_space<vmem>>, vector<256x2xf32>
    %get3A_6 = arith.constant 0 : index
    %get3A_7 = arith.constant 0 : index
    %get3A_8 = vector.load %arg1[%get3A_6, %get3A_7] : memref<256x1024xf32, #tpu.memory_space<vmem>>, vector<256x1024xf32>
    %slice3A_9 = vector.extract_strided_slice %get3A_5 {offsets = [0, 0], sizes = [256, 1], strides = [1, 1]} : vector<256x2xf32> to vector<256x1xf32>
    %mul3A = vector.broadcast %slice3A_9 : vector<256x1xf32> to vector<256x1024xf32>
    %mul3A_10 = arith.mulf %mul3A, %slice3A : vector<256x1024xf32>
    %add3A = arith.addf %get3A_8, %mul3A_10 : vector<256x1024xf32>
    %slice3A_11 = vector.extract_strided_slice %get3A_5 {offsets = [0, 1], sizes = [256, 1], strides = [1, 1]} : vector<256x2xf32> to vector<256x1xf32>
    %mul3A_12 = vector.broadcast %slice3A_11 : vector<256x1xf32> to vector<256x1024xf32>
    %mul3A_13 = arith.mulf %mul3A_12, %slice3A_2 : vector<256x1024xf32>
    %add3A_14 = arith.addf %add3A, %mul3A_13 : vector<256x1024xf32>
    %swap3A = arith.constant 0 : index
    %swap3A_15 = arith.constant 0 : index
    %swap3A_16 = vector.load %arg4[%swap3A, %swap3A_15] : memref<256x1024xf32, #tpu.memory_space<vmem>>, vector<256x1024xf32>
    tpu.vector_store %arg4[%swap3A, %swap3A_15], %add3A_14 {strides = array<i32>} : memref<256x1024xf32, #tpu.memory_space<vmem>>, vector<256x1024xf32>,
    return
  }
  func.func @transform_0(%arg0: i32) -> (i32, i32) {
    %c0_i32 = arith.constant 0 : i32
    %c0_i32_0 = arith.constant 0 : i32
    return %arg0, %c0_i32 : i32, i32
  }
  func.func @transform_1(%arg0: i32) -> (i32, i32) {
    %c0_i32 = arith.constant 0 : i32
    %c0_i32_0 = arith.constant 0 : i32
    return %arg0, %c0_i32 : i32, i32
  }
  func.func @transform_2(%arg0: i32) -> (i32, i32) {
    %c0_i32 = arith.constant 0 : i32
    %c0_i32_0 = arith.constant 0 : i32
    return %arg0, %c0_i32 : i32, i32
  }
  func.func @transform_3(%arg0: i32) -> (i32, i32) {
    %c0_i32 = arith.constant 0 : i32
    %c0_i32_0 = arith.constant 0 : i32
    return %arg0, %c0_i32 : i32, i32
  }
}

</mosaic_0001>

<sc_bundles>
// kernel: kernel.11.cloned.1.call-start
scs
__scs_entry_jumppad:
0x0: {  	(pc) =	sbr.rel $0x88, $3  }
0x1: {  	(tag) =	ssettag $0x0;
	lr =	simm.s32 $0x1  }
0x2: {  	[smem:$0x3F92] =	sst lr;
	_ =	strace $0xD0000000  }
0x3: {  	_ = 	snop  }
0x4: {  	_ = 	snop  }
0x5: {  	_ = 	snop  }
0x6: {  	_ = 	snop  }
0x7: {  	_ = 	snop  }
__scs_overlays_trampoline_lowered:
0x8: {  	[smem:$0x3FA1] =	sst s0  }
0x9: {  	[smem:$0x3FA2] =	sst s1  }
0xa: {  	[smem:$0x3FA3] =	sst s2  }
0xb: {  	[smem:$0x3FA4] =	sst s3  }
0xc: {  	[smem:$0x3FA5] =	sst s4  }
0xd: {  	[smem:$0x3FA6] =	sst s5  }
0xe: {  	[smem:$0x3FA7] =	sst s6  }
0xf: {  	[smem:$0x3FA8] =	sst s7  }
0x10: {  	[smem:$0x3FA9] =	sst s8  }
0x11: {  	[smem:$0x3FAA] =	sst s9;
	s0 =	simm.s32 @!p0 $0x0  }
0x12: {  	s1 =	sld [smem:$0x3F90];
	s0 =	simm.s32 @p0 $0x1  }
0x13: {  	[smem:$0x3FAB] =	sst s0;
	s0 =	simm.s32 @!p1 $0x0  }
0x14: {  	s2 =	sld [smem:$0x3F8F];
	s0 =	simm.s32 @p1 $0x1  }
0x15: {  	[smem:$0x3FAC] =	sst s0;
	s0 =	simm.s32 @!p2 $0x0  }
0x16: {  	s3 =	sld [smem:$0x3FDB];
	s0 =	simm.s32 @p2 $0x1  }
0x17: {  	s4 =	simm.s32 $0x1BF5;
	[smem:$0x3FAE] =	sst s0  }
0x18: {  	s0 =	sld [smem:$0x3F91];
	_ =	swait.ge [sflag:s4], $0x0  }
0x19: {  	s7 =	sld [smem:$0x3F92]  }
0x1a: {  	s8 =	sadd.s32 $0xFFFFE003, lr  }
0x1b: {  	s9 =	sadd.s32 $0xFFFFFEF7, lr;
	s5 =	simm.s32 $0xFFFFFFFF;
	p2 =	slt.u32 s8, $0xFFFFF086  }
0x1c: {  	p1 =	slt.u32 s9, $0xF7A;
	s5 =	simm.s32 @!p2 $0x0  }
0x1d: {  	s5 =	simm.s32 @p1 $0x1;
	p0 =	seq.s32 s7, s2  }
0x1e: {  	s7 =	smul.u32 @!p0 $0xF7A, s2;
	p2 =	seq.s32 @!p0 s5, $0x0  }
0x1f: {  	s9 =	smul.u32 $0xF7A, s1;
	s8 =	simm.s32 @!p0 $0x1BF5;
	p2 =	por !p2, p0  }
0x20: {  	[sflag:s8] =	ssyncset.s32 @!p0 $0xFFFFF086;
	s6 =	sadd.s32 @!p0 s3, s7;
	s7 =	simm.s32 @!p0 $0x108  }
0x21: {  	s3 =	sadd.s32 s3, s9;
	s6 =	sadd.s32 @!p0 $0x88, s6;
	s7 =	simm.s32 @p2 $0x1082  }
0x22: {  	[simem:s7], [sflag:s8] =	dma.local @!p0 [hbm:s6], $0xF7A  }
0x23: {  	s9 =	sor.u32 $0xD0000000, s2;
	s6 =	simm.s32 $0x108;
	_ =	swait.ge @!p0 [sflag:s8], $0x0  }
0x24: {  	s3 =	sadd.s32 $0x88, s3;
	s6 =	simm.s32 @!p1 $0x1082;
	[sflag:s4] =	ssyncset.s32 $0xFFFFF086  }
0x25: {  	[simem:s6], [sflag:s4] =	dma.local [hbm:s3], $0xF7A  }
0x26: {  	[smem:$0x3F92] =	sst s1;
	(tag) =	ssettag s2;
	_ =	strace s9  }
0x27: {  	s1 =	sld [smem:$0x3FA2]  }
0x28: {  	s2 =	sld [smem:$0x3FA3]  }
0x29: {  	s4 =	sld [smem:$0x3FA5]  }
0x2a: {  	p0 =	seq.s32 s5, $0x0;
	s5 =	sld [smem:$0x3FA6]  }
0x2b: {  	s6 =	sld [smem:$0x3FA7]  }
0x2c: {  	s7 =	sld [smem:$0x3FA8]  }
0x2d: {  	s3 =	simm.s32 $0x108;
	s8 =	sld [smem:$0x3FA9]  }
0x2e: {  	s3 =	simm.s32 @!p0 $0x1082;
	s9 =	sld [smem:$0x3FAA]  }
0x2f: {  	lr =	sadd.s32 s0, s3;
	s0 =	sld [smem:$0x3FA1]  }
0x30: {  	s3 =	sld [smem:$0x3FA4]  }
0x31: {  	[smem:$0x3FAD] =	sst s10  }
0x32: {  	s10 =	sld [smem:$0x3FAB];
	_ =	sdelay $0x3  }
0x33: {  	p0 =	seq.s32 s10, $0x1;
	s10 =	sld [smem:$0x3FAD];
	_ =	sdelay $0x3  }
0x34: {  	[smem:$0x3FAD] =	sst s10  }
0x35: {  	s10 =	sld [smem:$0x3FAC];
	_ =	sdelay $0x3  }
0x36: {  	p1 =	seq.s32 s10, $0x1;
	s10 =	sld [smem:$0x3FAD];
	_ =	sdelay $0x3  }
0x37: {  	[smem:$0x3FAD] =	sst s10  }
0x38: {  	s10 =	sld [smem:$0x3FAE]  }
0x39: {  	_ = 	snop;
	(pc) =	sbr.ind lr, $3  }
0x3a: {  	_ = 	snop  }
0x3b: {  	_ = 	snop  }
0x3c: {  	p2 =	seq.s32 s10, $0x1;
	s10 =	sld [smem:$0x3FAD]  }
0x3d: {  	_ =	shalt  }
0x3e: {  	_ =	shalt  }
0x3f: {  	_ =	shalt  }
0x40: {  	_ =	shalt  }
0x41: {  	_ =	shalt  }
0x42: {  	_ =	shalt  }
0x43: {  	_ =	shalt  }
0x44: {  	_ =	shalt  }
0x45: {  	_ =	shalt  }
0x46: {  	_ =	shalt  }
0x47: {  	_ =	shalt  }
0x48: {  	_ =	shalt  }
0x49: {  	_ =	shalt  }
0x4a: {  	_ =	shalt  }
0x4b: {  	_ =	shalt  }
0x4c: {  	_ =	shalt  }
0x4d: {  	_ =	shalt  }
0x4e: {  	_ =	shalt  }
0x4f: {  	_ =	shalt  }
0x50: {  	_ =	shalt  }
0x51: {  	_ =	shalt  }
0x52: {  	_ =	shalt  }
0x53: {  	_ =	shalt  }
0x54: {  	_ =	shalt  }
0x55: {  	_ =	shalt  }
0x56: {  	_ =	shalt  }
0x57: {  	_ =	shalt  }
0x58: {  	_ =	shalt  }
0x59: {  	_ =	shalt  }
0x5a: {  	_ =	shalt  }
0x5b: {  	_ =	shalt  }
0x5c: {  	_ =	shalt  }
0x5d: {  	_ =	shalt  }
0x5e: {  	_ =	shalt  }
0x5f: {  	_ =	shalt  }
0x60: {  	_ =	shalt  }
0x61: {  	_ =	shalt  }
0x62: {  	_ =	shalt  }
0x63: {  	_ =	shalt  }
0x64: {  	_ =	shalt  }
0x65: {  	_ =	shalt  }
0x66: {  	_ =	shalt  }
0x67: {  	_ =	shalt  }
0x68: {  	_ =	shalt  }
0x69: {  	_ =	shalt  }
0x6a: {  	_ =	shalt  }
0x6b: {  	_ =	shalt  }
0x6c: {  	_ =	shalt  }
0x6d: {  	_ =	shalt  }
0x6e: {  	_ =	shalt  }
0x6f: {  	_ =	shalt  }
0x70: {  	_ =	shalt  }
0x71: {  	_ =	shalt  }
0x72: {  	_ =	shalt  }
0x73: {  	_ =	shalt  }
0x74: {  	_ =	shalt  }
0x75: {  	_ =	shalt  }
0x76: {  	_ =	shalt  }
0x77: {  	_ =	shalt  }
0x78: {  	_ =	shalt  }
0x79: {  	_ =	shalt  }
0x7a: {  	_ =	shalt  }
0x7b: {  	_ =	shalt  }
0x7c: {  	_ =	shalt  }
0x7d: {  	_ =	shalt  }
0x7e: {  	_ =	shalt  }
0x7f: {  	_ =	shalt  }
0x80: {  	_ =	shalt  }
0x81: {  	_ =	shalt  }
0x82: {  	_ =	shalt  }
0x83: {  	_ =	shalt  }
0x84: {  	_ =	shalt  }
0x85: {  	_ =	shalt  }
0x86: {  	_ =	shalt  }
0x87: {  	_ =	shalt  }
.Lfunc_end0:
.L_simem_size_0:
called_computation_lowered:
.L_overlay_start_0:
0x88: {  	s2 =	sld [smem:$0x3FD9]  }
0x89: {  	s3 =	sld [smem:$0x3FFE];
	_ =	sdelay $0x1  }
0x8a: {  	s1 =	srdreg.scid  }
0x8b: {  	s0 =	sand.u32 $0x1, s1  }
0x8c: {  	s16 =	sshll.u32 s0, $0xA;
	s2 =	sadd.s32 s3, s2  }
0x8d: {  	s2 =	sadd.s32 s2, s16  }
0x8e: {  	[smem:$0x3FB9] =	sst s2  }
0x8f: {  	_ = 	snop  }
0x90: {  	(tm) =	ssettm $0x1  }
0x91: {  	s17 =	sld [smem:$0x3FFB];
	_ =	sdelay $0x3  }
0x92: {  	_ =	strace s17  }
0x93: {  	s2 =	sld [smem:$0x3FFC];
	_ =	sdelay $0x3  }
0x94: {  	_ =	strace s2  }
0x95: {  	s2 =	sld [smem:$0x3FFD];
	_ =	sdelay $0x3  }
0x96: {  	_ =	strace s2  }
0x97: {  	_ =	strace $0x8FFFFFFF  }
0x98: {  	s18 =	sld [smem:$0x3FDB];
	_ =	sdelay $0x1  }
0x99: {  	s19 =	simm.s32 $_scs_section_size  }
0x9a: {  	s4 =	simm.s32 $_size__tile_overlayer_lowered;
	s5 =	simm.s32 $_tile_overlayer_lowered  }
0x9b: {  	s22 =	simm.s32 $0x1BFF;
	s21 =	sshll.u32 s5, $0x1;
	s2 =	sadd.s32 s19, s18  }
0x9c: {  	s6 =	simm.s32 $0x0;
	s20 =	sshll.u32 s4, $0x1;
	s4 =	sadd.s32 s21, s2  }
0x9d: {  	[timem:s6], [sflag:s22] =	dma.local [hbm:s4], s20  }
0x9e: {  	_ =	swait.ge [sflag:s22], s20  }
0x9f: {  	s3 =	ssub.s32 $0x0, s20;
	[sflag:s22] =	ssyncset.done $0x0  }
0xa0: {  	[sflag:s22] =	ssyncadd.s32 s3;
	_ =	sdelay $0x1  }
0xa1: {  	s23 =	simm.s32 $0x1B8B  }
0xa2: {  	_ =	swait.ge [sflag:s23], $0x1  }
0xa3: {  	[sflag:s23] =	ssyncset.done $0x0  }
0xa4: {  	s25 =	simm.s32 $0x1B8E;
	s24 =	sld [smem:$0x3FFE];
	[sflag:s23] =	ssyncadd.s32 $0xFFFFFFFF  }
0xa5: {  	s26 =	simm.s32 $execute0_lowered;
	[smem:$0x3FD2] =	sst s25  }
0xa6: {  	s4 =	sshll.u32 s26, $0x1;
	_ =	strace $0x80000046;
	[dreg:$0x1] =	wrdreg $0xFFFFFFFF  }
0xa7: {  	s28 =	simm.s32 $_size_execute0_lowered;
	s2 =	sadd.s32 s2, s4;
	[dreg:$0x0] =	wrdreg $0x0  }
0xa8: {  	s4 =	sshll.u32 s28, $0x1;
	[dreg:$0x2] =	wrdreg s2  }
0xa9: {  	[dreg:$0x3] =	wrdreg s4  }
0xaa: {  	[dreg:$0x4] =	wrdreg $0xC0  }
0xab: {  	_ =	task [dreg:s6], $0x5FFFF  }
0xac: {  	[dreg:$0x1] =	wrdreg $0xFFFFFFFF  }
0xad: {  	[dreg:$0x0] =	wrdreg $0x60  }
0xae: {  	[dreg:$0x2] =	wrdreg s24  }
0xaf: {  	[dreg:$0x3] =	wrdreg $0x9  }
0xb0: {  	_ =	task.clear_ibuf [dreg:s6], $0x4FFFF;
	_ =	strace $0x90000046  }
0xb1: {  	s29 =	simm.s32 $0x9;
	_ =	strace $0x80000048  }
0xb2: {  	_ =	swait.ge [sflag:s29], $0x1  }
0xb3: {  	[sflag:s29] =	ssyncadd.s32 $0xFFFFFFFF  }
0xb4: {  	_ =	strace $0x90000048  }
0xb5: {  	_ =	sfence  }
0xb6: {  	s30 =	sld [smem:$0x0];
	_ =	sdelay $0x2  }
0xb7: {  	s31 =	sshll.u32 s1, $0xD;
	s1 =	sshrl.u32 s1, $0x2  }
0xb8: {  	s3 =	sand.u32 $0x4000, s31;
	s1 =	sadd.s32 s1, s30  }
0xb9: {  	s0 =	sor.u32 s3, s0;
	s1 =	sshll.u32 s1, $0x11  }
0xba: {  	s0 =	sor.u32 s1, s0  }
0xbb: {  	s0 =	sadd.s32 $0x8F2B, s0  }
0xbc: {  	[sflag:s0] =	ssyncadd.remote.s32 $0x1  }
0xbd: {  	_ =	sfence.sel $0xFFFF  }
0xbe: {  	[dreg:$0x0] =	wrdreg $0xFFFFFFFF;
	(pc) =	sbr.abs _section_cstart, $3  }
0xbf: {  	[dreg:$0x1] =	wrdreg $0xFFFFFFFF  }
0xc0: {  	_ =	task.clear_ibuf [dreg:s6], $0x2FFFF;
	_ =	strace $0x9FFFFFFF  }
0xc1: {  	(tm) =	ssettm $0x7FFFFFFF  }
tec
execute0_lowered:
.L_overlay_start_1:
0x0: {  	(tag) =	ssettag $0x1  }
0x1: {  	s0 =	srdreg.scid  }
0x2: {  	s2 =	sand.u32 $0x1, s0;
	s0 =	stileid.u32  }
0x3: {  	s4 =	sor.u32 s0, s2  }
0x4: {  	p0 =	sne.s32 s4, $0x0  }
.Ltmp0:
0x5: {  	_ = 	snop;
	(pc) =	sbr.rel @p0 .LBB2_7-.Ltmp0, $3  }
0x6: {  	_ =	sdelay $0x1  }
0x7: {  	s3 =	rddreg [dreg:$0x0]  }
0x8: {  	s1 =	rddreg [dreg:$0x1];
	_ =	strace $0x80000047  }
0x9: {  	vm0 =	vcmask $0xF0C;
	vm1 =	vcmask $0x704  }
0xa: {  	vm0 =	vmor vm1, vm0;
	vm1 =	vcmask $0x1714  }
0xb: {  	vm0 =	vmor vm0, vm1;
	vm1 =	vcmask $0x1F1C  }
0xc: {  	vm0 =	vmor vm0, vm1;
	vm1 =	vcmask $0x2724  }
0xd: {  	vm0 =	vmor vm0, vm1;
	vm1 =	vcmask $0x2F2C  }
0xe: {  	s4 =	ssub.s32 $0x2, s2;
	s2 =	sadd.s32 $0x2800, s3;
	s3 =	sadd.s32 $0x2A00, s3;
	vm0 =	vmor vm0, vm1;
	vm1 =	vcmask $0x3734  }
0xf: {  	s6 =	simm.s32 $0x1;
	s7 =	simm.s32 $0x1000;
	s5 =	sshrl.u32 s4, $0x1;
	vm0 =	vmor vm0, vm1;
	vm1 =	vcmask $0x3F3C  }
0x10: {  	v0 =	vlaneseq.u32;
	v1 =	vimm.s32 $0x0;
	s8 =	simm.s32 $0x0;
	s4 =	ssub.s32 s4, s5;
	s5 =	simm.s32 $0x0;
	vm0 =	vmor vm0, vm1  }
.LBB2_2:
0x11: {  	[tilespmem:s5], [sflag:$0x1] =	stream.linear.gather [hbm4b:s2+s5], $0x1000, $0x38;
	[tilespmem:$0x3000] =	vst v63  }
0x12: {  	_ =	swait.ge [sflag:s6], $0x1000  }
0x13: {  	[sflag:s6] =	ssyncset.done $0x0  }
0x14: {  	s9 =	simm.s32 $0x1000;
	s10 =	simm.s32 $0x0;
	[sflag:s6] =	ssyncadd.s32 $0xFFFFF000  }
.LBB2_3:
0x15: {  	p0 =	sne.s32 s10, $0x1FF0  }
.Ltmp1:
0x16: {  	_ = 	snop;
	(pc) =	sbr.rel @p0 .LBB2_3-.Ltmp1, $4  }
0x17: {  	_ = 	snop  }
0x18: {  	v2 =	vor.u32 s10, v0  }
0x19: {  	v2 =	vand.u32 $0x7FF, v2  }
0x1a: {  	s10 =	sadd.s32 $0x10, s10;
	[tilespmem:s9+$0x0] =	vst v2;
	s9 =	sadd.s32 $0x10, s9  }
0x1b: {  	s9 =	simm.s32 $0x0  }
0x1c: {  	s10 =	simm.s32 $0x10;
	s11 =	simm.s32 $0x0;
	v2 =	vld [tilespmem:s9+$0x0]  }
.LBB2_5:
0x1d: {  	p0 =	sne.s32 s10, $0xFF0;
	_ =	sdelay $0x1  }
0x1e: {  	v3 =	vmov s9  }
0x1f: {  	vm1 =	veq.s32 v3, v0  }
.Ltmp2:
0x20: {  	v3 =	vor.u32 s9, v0;
	s9 =	smov.u32 s10;
	vm1 =	vmand vm1, vm0;
	(pc) =	sbr.rel @p0 .LBB2_5-.Ltmp2, $4  }
0x21: {  	v3 =	vshrl.u32 v3, $0x1;
	v4 =	vsel vm1, $0xFFFFFFFF, v1  }
0x22: {  	v3 =	vadd.s32 v4, v3  }
0x23: {  	s11 =	sadd.s32 $0x10, s11;
	[tilespmem:v2+s7+$0x0] =	vst.idx.msk $0xffff, v3  }
0x24: {  	s10 =	sadd.s32 $0x10, s10;
	v2 =	vld [tilespmem:s11+$0x0]  }
0x25: {  	_ =	sdelay $0x2  }
0x26: {  	v3 =	vmov s9  }
0x27: {  	vm1 =	veq.s32 v3, v0  }
0x28: {  	v3 =	vor.u32 s9, v0;
	vm1 =	vmand vm1, vm0  }
0x29: {  	s8 =	sadd.s32 $0x1, s8;
	v3 =	vshrl.u32 v3, $0x1;
	v4 =	vsel vm1, $0xFFFFFFFF, v1  }
0x2a: {  	p0 =	sne.s32 s8, s4;
	v3 =	vadd.s32 v4, v3  }
.Ltmp3:
0x2b: {  	[tilespmem:v2+s7+$0x0] =	vst.idx.msk $0xffff, v3;
	(pc) =	sbr.rel @p0 .LBB2_2-.Ltmp3, $4  }
0x2c: {  	[hbm4b:s3+s5] =	stream.linear.scatter [tilespmem:s7], [sflag:$0x1], $0x2000, $0x38;
	[tilespmem:$0x3000] =	vst v63  }
0x2d: {  	_ =	swait.ge [sflag:s6], $0x2000  }
0x2e: {  	[sflag:s6] =	ssyncset.done $0x0  }
0x2f: {  	[sflag:s6] =	ssyncadd.s32 $0xFFFFE000  }
.LBB2_7:
0x30: {  	_ =	sfence.sel $0x180000  }
0x31: {  	[bflag:$0x0] =	sbarrier.arrive $0xFFFF  }
0x32: {  	p0 =	sne.s32 s0, $0x0;
	_ =	strace $0x90000047  }
0x33: {  	s0 =	sadd.s32 @!p0 $0x100000, s1;
	[bflag:$0x2] =	sbarrier.arrive $0xFFFF  }
0x34: {  	[sflag:s0] =	ssyncadd.tile.s32 @!p0 $0x1;
	_ =	shalt  }
.Lfunc_end2:
_tile_overlayer_lowered:
.L_overlay_start_2:
0x35: {  	(tag) =	ssettag $0x2  }
0x36: {  	s0 =	rddreg [dreg:$0x0];
	s2 =	stileid.u32  }
0x37: {  	s1 =	rddreg [dreg:$0x1];
	p0 =	sne.s32 s2, $0x0  }
0x38: {  	s3 =	rddreg [dreg:$0x2];
	[bflag:$0x3] =	sbarrier.arrive $0xFFFF;
	s2 =	simm.s32 @!p0 $0x1C01  }
0x39: {  	[timem:s3], [sflag:s2] =	dma.local @!p0 [hbm:s0], s1  }
0x3a: {  	s0 =	simm.s32 @!p0 $0x1  }
0x3b: {  	_ =	swait.ge @!p0 [sflag:s0], s1  }
0x3c: {  	s1 =	ssub.s32 @!p0 $0x0, s1;
	[sflag:s0] =	ssyncset.done @!p0 $0x0  }
0x3d: {  	[sflag:s0] =	ssyncadd.s32 @!p0 s1  }
0x3e: {  	[bflag:$0x3] =	sbarrier.arrive $0xFFFF  }
0x3f: {  	_ =	shalt  }

// kernel: kernel.14.cloned.1.call-start
scs
__scs_entry_jumppad:
0x0: {  	(pc) =	sbr.rel $0x88, $3  }
0x1: {  	(tag) =	ssettag $0x0;
	lr =	simm.s32 $0x1  }
0x2: {  	[smem:$0x3F92] =	sst lr;
	_ =	strace $0xD0000000  }
0x3: {  	_ = 	snop  }
0x4: {  	_ = 	snop  }
0x5: {  	_ = 	snop  }
0x6: {  	_ = 	snop  }
0x7: {  	_ = 	snop  }
__scs_overlays_trampoline_lowered:
0x8: {  	[smem:$0x3FA1] =	sst s0  }
0x9: {  	[smem:$0x3FA2] =	sst s1  }
0xa: {  	[smem:$0x3FA3] =	sst s2  }
0xb: {  	[smem:$0x3FA4] =	sst s3  }
0xc: {  	[smem:$0x3FA5] =	sst s4  }
0xd: {  	[smem:$0x3FA6] =	sst s5  }
0xe: {  	[smem:$0x3FA7] =	sst s6  }
0xf: {  	[smem:$0x3FA8] =	sst s7  }
0x10: {  	[smem:$0x3FA9] =	sst s8  }
0x11: {  	[smem:$0x3FAA] =	sst s9;
	s0 =	simm.s32 @!p0 $0x0  }
0x12: {  	s1 =	sld [smem:$0x3F90];
	s0 =	simm.s32 @p0 $0x1  }
0x13: {  	[smem:$0x3FAB] =	sst s0;
	s0 =	simm.s32 @!p1 $0x0  }
0x14: {  	s2 =	sld [smem:$0x3F8F];
	s0 =	simm.s32 @p1 $0x1  }
0x15: {  	[smem:$0x3FAC] =	sst s0;
	s0 =	simm.s32 @!p2 $0x0  }
0x16: {  	s3 =	sld [smem:$0x3FDB];
	s0 =	simm.s32 @p2 $0x1  }
0x17: {  	s4 =	simm.s32 $0x1BF5;
	[smem:$0x3FAE] =	sst s0  }
0x18: {  	s0 =	sld [smem:$0x3F91];
	_ =	swait.ge [sflag:s4], $0x0  }
0x19: {  	s7 =	sld [smem:$0x3F92]  }
0x1a: {  	s8 =	sadd.s32 $0xFFFFE003, lr  }
0x1b: {  	s9 =	sadd.s32 $0xFFFFFEF7, lr;
	s5 =	simm.s32 $0xFFFFFFFF;
	p2 =	slt.u32 s8, $0xFFFFF086  }
0x1c: {  	p1 =	slt.u32 s9, $0xF7A;
	s5 =	simm.s32 @!p2 $0x0  }
0x1d: {  	s5 =	simm.s32 @p1 $0x1;
	p0 =	seq.s32 s7, s2  }
0x1e: {  	s7 =	smul.u32 @!p0 $0xF7A, s2;
	p2 =	seq.s32 @!p0 s5, $0x0  }
0x1f: {  	s9 =	smul.u32 $0xF7A, s1;
	s8 =	simm.s32 @!p0 $0x1BF5;
	p2 =	por !p2, p0  }
0x20: {  	[sflag:s8] =	ssyncset.s32 @!p0 $0xFFFFF086;
	s6 =	sadd.s32 @!p0 s3, s7;
	s7 =	simm.s32 @!p0 $0x108  }
0x21: {  	s3 =	sadd.s32 s3, s9;
	s6 =	sadd.s32 @!p0 $0x88, s6;
	s7 =	simm.s32 @p2 $0x1082  }
0x22: {  	[simem:s7], [sflag:s8] =	dma.local @!p0 [hbm:s6], $0xF7A  }
0x23: {  	s9 =	sor.u32 $0xD0000000, s2;
	s6 =	simm.s32 $0x108;
	_ =	swait.ge @!p0 [sflag:s8], $0x0  }
0x24: {  	s3 =	sadd.s32 $0x88, s3;
	s6 =	simm.s32 @!p1 $0x1082;
	[sflag:s4] =	ssyncset.s32 $0xFFFFF086  }
0x25: {  	[simem:s6], [sflag:s4] =	dma.local [hbm:s3], $0xF7A  }
0x26: {  	[smem:$0x3F92] =	sst s1;
	(tag) =	ssettag s2;
	_ =	strace s9  }
0x27: {  	s1 =	sld [smem:$0x3FA2]  }
0x28: {  	s2 =	sld [smem:$0x3FA3]  }
0x29: {  	s4 =	sld [smem:$0x3FA5]  }
0x2a: {  	p0 =	seq.s32 s5, $0x0;
	s5 =	sld [smem:$0x3FA6]  }
0x2b: {  	s6 =	sld [smem:$0x3FA7]  }
0x2c: {  	s7 =	sld [smem:$0x3FA8]  }
0x2d: {  	s3 =	simm.s32 $0x108;
	s8 =	sld [smem:$0x3FA9]  }
0x2e: {  	s3 =	simm.s32 @!p0 $0x1082;
	s9 =	sld [smem:$0x3FAA]  }
0x2f: {  	lr =	sadd.s32 s0, s3;
	s0 =	sld [smem:$0x3FA1]  }
0x30: {  	s3 =	sld [smem:$0x3FA4]  }
0x31: {  	[smem:$0x3FAD] =	sst s10  }
0x32: {  	s10 =	sld [smem:$0x3FAB];
	_ =	sdelay $0x3  }
0x33: {  	p0 =	seq.s32 s10, $0x1;
	s10 =	sld [smem:$0x3FAD];
	_ =	sdelay $0x3  }
0x34: {  	[smem:$0x3FAD] =	sst s10  }
0x35: {  	s10 =	sld [smem:$0x3FAC];
	_ =	sdelay $0x3  }
0x36: {  	p1 =	seq.s32 s10, $0x1;
	s10 =	sld [smem:$0x3FAD];
	_ =	sdelay $0x3  }
0x37: {  	[smem:$0x3FAD] =	sst s10  }
0x38: {  	s10 =	sld [smem:$0x3FAE]  }
0x39: {  	_ = 	snop;
	(pc) =	sbr.ind lr, $3  }
0x3a: {  	_ = 	snop  }
0x3b: {  	_ = 	snop  }
0x3c: {  	p2 =	seq.s32 s10, $0x1;
	s10 =	sld [smem:$0x3FAD]  }
0x3d: {  	_ =	shalt  }
0x3e: {  	_ =	shalt  }
0x3f: {  	_ =	shalt  }
0x40: {  	_ =	shalt  }
0x41: {  	_ =	shalt  }
0x42: {  	_ =	shalt  }
0x43: {  	_ =	shalt  }
0x44: {  	_ =	shalt  }
0x45: {  	_ =	shalt  }
0x46: {  	_ =	shalt  }
0x47: {  	_ =	shalt  }
0x48: {  	_ =	shalt  }
0x49: {  	_ =	shalt  }
0x4a: {  	_ =	shalt  }
0x4b: {  	_ =	shalt  }
0x4c: {  	_ =	shalt  }
0x4d: {  	_ =	shalt  }
0x4e: {  	_ =	shalt  }
0x4f: {  	_ =	shalt  }
0x50: {  	_ =	shalt  }
0x51: {  	_ =	shalt  }
0x52: {  	_ =	shalt  }
0x53: {  	_ =	shalt  }
0x54: {  	_ =	shalt  }
0x55: {  	_ =	shalt  }
0x56: {  	_ =	shalt  }
0x57: {  	_ =	shalt  }
0x58: {  	_ =	shalt  }
0x59: {  	_ =	shalt  }
0x5a: {  	_ =	shalt  }
0x5b: {  	_ =	shalt  }
0x5c: {  	_ =	shalt  }
0x5d: {  	_ =	shalt  }
0x5e: {  	_ =	shalt  }
0x5f: {  	_ =	shalt  }
0x60: {  	_ =	shalt  }
0x61: {  	_ =	shalt  }
0x62: {  	_ =	shalt  }
0x63: {  	_ =	shalt  }
0x64: {  	_ =	shalt  }
0x65: {  	_ =	shalt  }
0x66: {  	_ =	shalt  }
0x67: {  	_ =	shalt  }
0x68: {  	_ =	shalt  }
0x69: {  	_ =	shalt  }
0x6a: {  	_ =	shalt  }
0x6b: {  	_ =	shalt  }
0x6c: {  	_ =	shalt  }
0x6d: {  	_ =	shalt  }
0x6e: {  	_ =	shalt  }
0x6f: {  	_ =	shalt  }
0x70: {  	_ =	shalt  }
0x71: {  	_ =	shalt  }
0x72: {  	_ =	shalt  }
0x73: {  	_ =	shalt  }
0x74: {  	_ =	shalt  }
0x75: {  	_ =	shalt  }
0x76: {  	_ =	shalt  }
0x77: {  	_ =	shalt  }
0x78: {  	_ =	shalt  }
0x79: {  	_ =	shalt  }
0x7a: {  	_ =	shalt  }
0x7b: {  	_ =	shalt  }
0x7c: {  	_ =	shalt  }
0x7d: {  	_ =	shalt  }
0x7e: {  	_ =	shalt  }
0x7f: {  	_ =	shalt  }
0x80: {  	_ =	shalt  }
0x81: {  	_ =	shalt  }
0x82: {  	_ =	shalt  }
0x83: {  	_ =	shalt  }
0x84: {  	_ =	shalt  }
0x85: {  	_ =	shalt  }
0x86: {  	_ =	shalt  }
0x87: {  	_ =	shalt  }
.Lfunc_end0:
.L_simem_size_0:
called_computation.1_lowered:
.L_overlay_start_0:
0x88: {  	s2 =	sld [smem:$0x3FD9]  }
0x89: {  	s3 =	sld [smem:$0x3FFE];
	_ =	sdelay $0x1  }
0x8a: {  	s1 =	srdreg.scid  }
0x8b: {  	s0 =	sand.u32 $0x1, s1  }
0x8c: {  	s17 =	sshll.u32 s0, $0xA;
	s2 =	sadd.s32 s3, s2  }
0x8d: {  	s2 =	sadd.s32 s2, s17  }
0x8e: {  	[smem:$0x3FB9] =	sst s2  }
0x8f: {  	_ = 	snop  }
0x90: {  	s2 =	sld [smem:$0x3FD0];
	(tm) =	ssettm $0x1  }
0x91: {  	s18 =	sld [smem:$0x3FFB];
	_ =	sdelay $0x3  }
0x92: {  	_ =	strace s18  }
0x93: {  	s3 =	sld [smem:$0x3FFC];
	_ =	sdelay $0x3  }
0x94: {  	_ =	strace s3  }
0x95: {  	s3 =	sld [smem:$0x3FFD];
	_ =	sdelay $0x3  }
0x96: {  	_ =	strace s3  }
0x97: {  	_ =	strace $0x8FFFFFFF  }
0x98: {  	s19 =	sld [smem:$0x3FDB];
	_ =	sdelay $0x1  }
0x99: {  	s4 =	simm.s32 $_scs_section_size  }
0x9a: {  	s5 =	simm.s32 $_size__tile_overlayer_lowered;
	s6 =	simm.s32 $_tile_overlayer_lowered  }
0x9b: {  	s22 =	simm.s32 $0x1BFF;
	s21 =	sshll.u32 s6, $0x1;
	s3 =	sadd.s32 s4, s19  }
0x9c: {  	s7 =	simm.s32 $0x0;
	s20 =	sshll.u32 s5, $0x1;
	s5 =	sadd.s32 s21, s3  }
0x9d: {  	[timem:s7], [sflag:s22] =	dma.local [hbm:s5], s20  }
0x9e: {  	_ =	swait.ge [sflag:s22], s20  }
0x9f: {  	s4 =	ssub.s32 $0x0, s20;
	[sflag:s22] =	ssyncset.done $0x0  }
0xa0: {  	[sflag:s22] =	ssyncadd.s32 s4;
	_ =	sdelay $0x1  }
0xa1: {  	s23 =	simm.s32 $0x1B8B  }
0xa2: {  	_ =	swait.ge [sflag:s23], $0x1  }
0xa3: {  	[sflag:s23] =	ssyncset.done $0x0  }
0xa4: {  	s25 =	simm.s32 $0x1B8E;
	s24 =	sld [smem:$0x3FFE];
	[sflag:s23] =	ssyncadd.s32 $0xFFFFFFFF  }
0xa5: {  	s26 =	simm.s32 $execute0_lowered;
	[smem:$0x3FD2] =	sst s25  }
0xa6: {  	s5 =	sshll.u32 s26, $0x1;
	_ =	strace $0x80000049;
	[dreg:$0x1] =	wrdreg $0xFFFFFFFF  }
0xa7: {  	s28 =	simm.s32 $_size_execute0_lowered;
	s3 =	sadd.s32 s3, s5;
	[dreg:$0x0] =	wrdreg $0x0  }
0xa8: {  	s5 =	sshll.u32 s28, $0x1;
	[dreg:$0x2] =	wrdreg s3  }
0xa9: {  	[dreg:$0x3] =	wrdreg s5  }
0xaa: {  	[dreg:$0x4] =	wrdreg $0xC0  }
0xab: {  	_ =	task [dreg:s7], $0x5FFFF  }
0xac: {  	[dreg:$0x1] =	wrdreg $0xFFFFFFFF  }
0xad: {  	[dreg:$0x0] =	wrdreg $0x60  }
0xae: {  	[dreg:$0x2] =	wrdreg s2  }
0xaf: {  	[dreg:$0x3] =	wrdreg s24  }
0xb0: {  	[dreg:$0x4] =	wrdreg $0x9  }
0xb1: {  	_ =	task.clear_ibuf [dreg:s7], $0x5FFFF;
	_ =	strace $0x90000049  }
0xb2: {  	s29 =	simm.s32 $0x9;
	_ =	strace $0x8000004B  }
0xb3: {  	_ =	swait.ge [sflag:s29], $0x1  }
0xb4: {  	[sflag:s29] =	ssyncadd.s32 $0xFFFFFFFF  }
0xb5: {  	_ =	strace $0x9000004B  }
0xb6: {  	_ =	sfence  }
0xb7: {  	s30 =	sld [smem:$0x0];
	_ =	sdelay $0x2  }
0xb8: {  	s31 =	sshll.u32 s1, $0xD;
	s1 =	sshrl.u32 s1, $0x2  }
0xb9: {  	s3 =	sand.u32 $0x4000, s31;
	s1 =	sadd.s32 s1, s30  }
0xba: {  	s0 =	sor.u32 s3, s0;
	s1 =	sshll.u32 s1, $0x11  }
0xbb: {  	s0 =	sor.u32 s1, s0  }
0xbc: {  	s0 =	sadd.s32 $0x8F2B, s0  }
0xbd: {  	[sflag:s0] =	ssyncadd.remote.s32 $0x1  }
0xbe: {  	_ =	sfence.sel $0xFFFF  }
0xbf: {  	[dreg:$0x0] =	wrdreg $0xFFFFFFFF;
	(pc) =	sbr.abs _section_cstart, $3  }
0xc0: {  	[dreg:$0x1] =	wrdreg $0xFFFFFFFF  }
0xc1: {  	_ =	task.clear_ibuf [dreg:s7], $0x2FFFF;
	_ =	strace $0x9FFFFFFF  }
0xc2: {  	(tm) =	ssettm $0x7FFFFFFF  }
0xc3: {  	_ =	shalt  }
tec
execute0_lowered:
.L_overlay_start_1:
0x0: {  	(tag) =	ssettag $0x1  }
0x1: {  	s2 =	rddreg [dreg:$0x0];
	s1 =	srdreg.scid  }
0x2: {  	s0 =	rddreg [dreg:$0x1];
	s4 =	stileid.u32;
	s1 =	sand.u32 $0x1, s1  }
0x3: {  	s3 =	simm.s32 $0x0;
	s4 =	sshll.u32 s4, $0x9;
	s5 =	sshll.u32 s1, $0x8  }
0x4: {  	s8 =	simm.s32 $0x2;
	s23 =	simm.s32 $0x100;
	s4 =	sor.u32 s5, s4  }
0x5: {  	s18 =	simm.s32 $0x1;
	[smem:$0x7FF] =	sst s3;
	s5 =	sshrl.u32 s4, $0x3  }
0x6: {  	_ =	strace $0x8000004A;
	s4 =	sshll.u32 s4, $0x7;
	s5 =	sadd.s32 s5, s0  }
0x7: {  	s1 =	ssub.s32 $0x2, s1;
	s0 =	sadd.s32 s4, s0;
	s5 =	sadd.s32 $0x2A00, s5  }
0x8: {  	s30 =	sshrl.u32 s1, $0x1;
	s31 =	sadd.s32 $0x2E00, s0;
	[dreg:$0x3] =	wrdreg s5  }
0x9: {  	s1 =	ssub.s32 s1, s30;
	s6 =	sadd.s32 $0x4E00, s0;
	[dreg:$0x4] =	wrdreg s31  }
0xa: {  	v2 =	vlaneseq.u32;
	s4 =	sadd.s32 $0x100, s2;
	s7 =	sadd.s32 $0x6E00, s0;
	[dreg:$0x5] =	wrdreg s6  }
0xb: {  	vm0 =	vmmov $0xffff;
	v1 =	vshrl.u32 v2, $0x3;
	s0 =	sadd.s32 $0x8E00, s0;
	s5 =	sadd.s32 $0x200, s2;
	[dreg:$0x6] =	wrdreg s7  }
0xc: {  	v0 =	vand.u32 $0x7, v2;
	v2 =	vor.u32 $0x8, v2;
	v1 =	vmul.u32 $0x8, v1;
	s6 =	sadd.s32 $0x300, s2;
	[dreg:$0x7] =	wrdreg s0;
	s7 =	smax.u32 s1, $0x1  }
.LBB2_1:
0xd: {  	s19 =	rddreg [dreg:$0x3]  }
0xe: {  	[tilespmem:s3], [sflag:$0x2] =	stream.linear.gather [hbm4b:s19+s3], $0x100, $0x38;
	[tilespmem:$0x10100] =	vst v63  }
0xf: {  	_ =	swait.ge [sflag:s8], $0x100  }
0x10: {  	[sflag:s8] =	ssyncset.done $0x0  }
0x11: {  	[sflag:s8] =	ssyncadd.s32 $0xFFFFFF00  }
0x12: {  	v3 =	vld [tilespmem:$0x0];
	_ =	sdelay $0x4  }
0x13: {  	v4 =	vshll.u32 v3, $0x3  }
0x14: {  	v3 =	vand.u32 $0x7, v3;
	v4 =	vand.u32 $0xFFFFFFC0, v4  }
0x15: {  	v3 =	vor.u32 v3, v4  }
0x16: {  	v4 =	vperm.xlane v3, v0;
	_ =	sdelay $0x1  }
0x17: {  	v4 =	vadd.s32 v1, v4;
	_ =	sdelay $0x4  }
0x18: {  	[tilespmem:s23], [sflag:$0x1] =	stream.indirect_vreg.gather [hbm4b:s2+s3], $0x80, v4, vm0, $0xb8;
	[tilespmem:$0x10100] =	vst v63  }
0x19: {  	s0 =	simm.s32 $0x900;
	v3 =	vperm.xlane v3, v2  }
0x1a: {  	[tilespmem:s0], [sflag:$0x1] =	stream.indirect_vreg.gather [hbm4b:s4+s3], $0x80, v4, vm0, $0xb8;
	[tilespmem:$0x10100] =	vst v63  }
0x1b: {  	s13 =	simm.s32 $0x1100;
	v3 =	vadd.s32 v1, v3  }
0x1c: {  	[tilespmem:s13], [sflag:$0x1] =	stream.indirect_vreg.gather [hbm4b:s5+s3], $0x80, v4, vm0, $0xb8;
	[tilespmem:$0x10100] =	vst v63  }
0x1d: {  	s15 =	simm.s32 $0x1900  }
0x1e: {  	[tilespmem:s15], [sflag:$0x1] =	stream.indirect_vreg.gather [hbm4b:s6+s3], $0x80, v4, vm0, $0xb8;
	[tilespmem:$0x10100] =	vst v63  }
0x1f: {  	s16 =	simm.s32 $0x2100  }
0x20: {  	[tilespmem:s16], [sflag:$0x1] =	stream.indirect_vreg.gather [hbm4b:s2+s3], $0x80, v3, vm0, $0xb8;
	[tilespmem:$0x10100] =	vst v63  }
0x21: {  	s17 =	simm.s32 $0x2900  }
0x22: {  	[tilespmem:s17], [sflag:$0x1] =	stream.indirect_vreg.gather [hbm4b:s4+s3], $0x80, v3, vm0, $0xb8;
	[tilespmem:$0x10100] =	vst v63  }
0x23: {  	s19 =	simm.s32 $0x3100  }
0x24: {  	[tilespmem:s19], [sflag:$0x1] =	stream.indirect_vreg.gather [hbm4b:s5+s3], $0x80, v3, vm0, $0xb8;
	[tilespmem:$0x10100] =	vst v63  }
0x25: {  	s20 =	simm.s32 $0x3900  }
0x26: {  	[tilespmem:s20], [sflag:$0x1] =	stream.indirect_vreg.gather [hbm4b:s6+s3], $0x80, v3, vm0, $0xb8;
	[tilespmem:$0x10100] =	vst v63  }
0x27: {  	v3 =	vld [tilespmem:$0x10];
	_ =	sdelay $0x4  }
0x28: {  	v49 =	vshll.u32 v3, $0x3  }
0x29: {  	v3 =	vand.u32 $0x7, v3;
	v4 =	vand.u32 $0xFFFFFFC0, v49  }
0x2a: {  	v3 =	vor.u32 v3, v4  }
0x2b: {  	v4 =	vperm.xlane v3, v0;
	_ =	sdelay $0x1  }
0x2c: {  	v4 =	vadd.s32 v1, v4;
	_ =	sdelay $0x3  }
0x2d: {  	s21 =	simm.s32 $0x4100  }
0x2e: {  	[tilespmem:s21], [sflag:$0x1] =	stream.indirect_vreg.gather [hbm4b:s2+s3], $0x80, v4, vm0, $0xb8;
	[tilespmem:$0x10100] =	vst v63  }
0x2f: {  	s22 =	simm.s32 $0x4900;
	v3 =	vperm.xlane v3, v2  }
0x30: {  	[tilespmem:s22], [sflag:$0x1] =	stream.indirect_vreg.gather [hbm4b:s4+s3], $0x80, v4, vm0, $0xb8;
	[tilespmem:$0x10100] =	vst v63  }
0x31: {  	s24 =	simm.s32 $0x5100;
	v3 =	vadd.s32 v1, v3  }
0x32: {  	[tilespmem:s24], [sflag:$0x1] =	stream.indirect_vreg.gather [hbm4b:s5+s3], $0x80, v4, vm0, $0xb8;
	[tilespmem:$0x10100] =	vst v63  }
0x33: {  	s25 =	simm.s32 $0x5900  }
0x34: {  	[tilespmem:s25], [sflag:$0x1] =	stream.indirect_vreg.gather [hbm4b:s6+s3], $0x80, v4, vm0, $0xb8;
	[tilespmem:$0x10100] =	vst v63  }
0x35: {  	s26 =	simm.s32 $0x6100  }
0x36: {  	[tilespmem:s26], [sflag:$0x1] =	stream.indirect_vreg.gather [hbm4b:s2+s3], $0x80, v3, vm0, $0xb8;
	[tilespmem:$0x10100] =	vst v63  }
0x37: {  	s28 =	simm.s32 $0x6900  }
0x38: {  	[tilespmem:s28], [sflag:$0x1] =	stream.indirect_vreg.gather [hbm4b:s4+s3], $0x80, v3, vm0, $0xb8;
	[tilespmem:$0x10100] =	vst v63  }
0x39: {  	s29 =	simm.s32 $0x7100  }
0x3a: {  	[tilespmem:s29], [sflag:$0x1] =	stream.indirect_vreg.gather [hbm4b:s5+s3], $0x80, v3, vm0, $0xb8;
	[tilespmem:$0x10100] =	vst v63  }
0x3b: {  	s30 =	simm.s32 $0x7900  }
0x3c: {  	[tilespmem:s30], [sflag:$0x1] =	stream.indirect_vreg.gather [hbm4b:s6+s3], $0x80, v3, vm0, $0xb8;
	[tilespmem:$0x10100] =	vst v63  }
0x3d: {  	v3 =	vld [tilespmem:$0x20];
	_ =	sdelay $0x4  }
0x3e: {  	v50 =	vshll.u32 v3, $0x3  }
0x3f: {  	v3 =	vand.u32 $0x7, v3;
	v4 =	vand.u32 $0xFFFFFFC0, v50  }
0x40: {  	v3 =	vor.u32 v3, v4  }
0x41: {  	v4 =	vperm.xlane v3, v0;
	_ =	sdelay $0x1  }
0x42: {  	v4 =	vadd.s32 v1, v4;
	_ =	sdelay $0x3  }
0x43: {  	s16 =	simm.s32 $0x8100  }
0x44: {  	[tilespmem:s16], [sflag:$0x1] =	stream.indirect_vreg.gather [hbm4b:s2+s3], $0x80, v4, vm0, $0xb8;
	[tilespmem:$0x10100] =	vst v63  }
0x45: {  	s17 =	simm.s32 $0x8900;
	v3 =	vperm.xlane v3, v2  }
0x46: {  	[tilespmem:s17], [sflag:$0x1] =	stream.indirect_vreg.gather [hbm4b:s4+s3], $0x80, v4, vm0, $0xb8;
	[tilespmem:$0x10100] =	vst v63  }
0x47: {  	s19 =	simm.s32 $0x9100;
	v3 =	vadd.s32 v1, v3  }
0x48: {  	[tilespmem:s19], [sflag:$0x1] =	stream.indirect_vreg.gather [hbm4b:s5+s3], $0x80, v4, vm0, $0xb8;
	[tilespmem:$0x10100] =	vst v63  }
0x49: {  	s20 =	simm.s32 $0x9900  }
0x4a: {  	[tilespmem:s20], [sflag:$0x1] =	stream.indirect_vreg.gather [hbm4b:s6+s3], $0x80, v4, vm0, $0xb8;
	[tilespmem:$0x10100] =	vst v63  }
0x4b: {  	s21 =	simm.s32 $0xA100  }
0x4c: {  	[tilespmem:s21], [sflag:$0x1] =	stream.indirect_vreg.gather [hbm4b:s2+s3], $0x80, v3, vm0, $0xb8;
	[tilespmem:$0x10100] =	vst v63  }
0x4d: {  	s22 =	simm.s32 $0xA900  }
0x4e: {  	[tilespmem:s22], [sflag:$0x1] =	stream.indirect_vreg.gather [hbm4b:s4+s3], $0x80, v3, vm0, $0xb8;
	[tilespmem:$0x10100] =	vst v63  }
0x4f: {  	s24 =	simm.s32 $0xB100  }
0x50: {  	[tilespmem:s24], [sflag:$0x1] =	stream.indirect_vreg.gather [hbm4b:s5+s3], $0x80, v3, vm0, $0xb8;
	[tilespmem:$0x10100] =	vst v63  }
0x51: {  	s25 =	simm.s32 $0xB900  }
0x52: {  	[tilespmem:s25], [sflag:$0x1] =	stream.indirect_vreg.gather [hbm4b:s6+s3], $0x80, v3, vm0, $0xb8;
	[tilespmem:$0x10100] =	vst v63  }
0x53: {  	v3 =	vld [tilespmem:$0x30];
	_ =	sdelay $0x4  }
0x54: {  	v51 =	vshll.u32 v3, $0x3  }
0x55: {  	v3 =	vand.u32 $0x7, v3;
	v4 =	vand.u32 $0xFFFFFFC0, v51  }
0x56: {  	v3 =	vor.u32 v3, v4  }
0x57: {  	v4 =	vperm.xlane v3, v0;
	_ =	sdelay $0x1  }
0x58: {  	v4 =	vadd.s32 v1, v4;
	_ =	sdelay $0x3  }
0x59: {  	s26 =	simm.s32 $0xC100  }
0x5a: {  	[tilespmem:s26], [sflag:$0x1] =	stream.indirect_vreg.gather [hbm4b:s2+s3], $0x80, v4, vm0, $0xb8;
	[tilespmem:$0x10100] =	vst v63  }
0x5b: {  	s29 =	simm.s32 $0xC900;
	v3 =	vperm.xlane v3, v2  }
0x5c: {  	[tilespmem:s29], [sflag:$0x1] =	stream.indirect_vreg.gather [hbm4b:s4+s3], $0x80, v4, vm0, $0xb8;
	[tilespmem:$0x10100] =	vst v63  }
0x5d: {  	s0 =	simm.s32 $0xD100;
	v3 =	vadd.s32 v1, v3  }
0x5e: {  	[tilespmem:s0], [sflag:$0x1] =	stream.indirect_vreg.gather [hbm4b:s5+s3], $0x80, v4, vm0, $0xb8;
	[tilespmem:$0x10100] =	vst v63  }
0x5f: {  	s16 =	simm.s32 $0xD900  }
0x60: {  	[tilespmem:s16], [sflag:$0x1] =	stream.indirect_vreg.gather [hbm4b:s6+s3], $0x80, v4, vm0, $0xb8;
	[tilespmem:$0x10100] =	vst v63  }
0x61: {  	s17 =	simm.s32 $0xE100  }
0x62: {  	[tilespmem:s17], [sflag:$0x1] =	stream.indirect_vreg.gather [hbm4b:s2+s3], $0x80, v3, vm0, $0xb8;
	[tilespmem:$0x10100] =	vst v63  }
0x63: {  	s24 =	simm.s32 $0xE900  }
0x64: {  	[tilespmem:s24], [sflag:$0x1] =	stream.indirect_vreg.gather [hbm4b:s4+s3], $0x80, v3, vm0, $0xb8;
	[tilespmem:$0x10100] =	vst v63  }
0x65: {  	s25 =	simm.s32 $0xF100  }
0x66: {  	[tilespmem:s25], [sflag:$0x1] =	stream.indirect_vreg.gather [hbm4b:s5+s3], $0x80, v3, vm0, $0xb8;
	[tilespmem:$0x10100] =	vst v63  }
0x67: {  	s0 =	simm.s32 $0xF900  }
0x68: {  	[tilespmem:s0], [sflag:$0x1] =	stream.indirect_vreg.gather [hbm4b:s6+s3], $0x80, v3, vm0, $0xb8;
	[tilespmem:$0x10100] =	vst v63  }
0x69: {  	_ =	swait.ge [sflag:s18], $0x10000  }
0x6a: {  	[sflag:s18] =	ssyncset.done $0x0  }
0x6b: {  	s16 =	rddreg [dreg:$0x4];
	[sflag:s18] =	ssyncadd.s32 $0xFFFF0000  }
0x6c: {  	[hbm4b:s16+s3] =	stream.linear.scatter [tilespmem:s23], [sflag:$0x2], $0x10000, $0x38;
	[tilespmem:$0x10100] =	vst v63  }
0x6d: {  	_ =	swait.ge [sflag:s8], $0x10000  }
0x6e: {  	[sflag:s8] =	ssyncset.done $0x0  }
0x6f: {  	[sflag:s8] =	ssyncadd.s32 $0xFFFF0000  }
0x70: {  	v3 =	vld [tilespmem:$0x40];
	_ =	sdelay $0x4  }
0x71: {  	v52 =	vshll.u32 v3, $0x3  }
0x72: {  	v3 =	vand.u32 $0x7, v3;
	v4 =	vand.u32 $0xFFFFFFC0, v52  }
0x73: {  	v3 =	vor.u32 v3, v4  }
0x74: {  	v4 =	vperm.xlane v3, v0;
	_ =	sdelay $0x1  }
0x75: {  	v4 =	vadd.s32 v1, v4;
	_ =	sdelay $0x4  }
0x76: {  	[tilespmem:s23], [sflag:$0x1] =	stream.indirect_vreg.gather [hbm4b:s2+s3], $0x80, v4, vm0, $0xb8;
	[tilespmem:$0x10100] =	vst v63  }
0x77: {  	s14 =	simm.s32 $0x900;
	v3 =	vperm.xlane v3, v2  }
0x78: {  	[tilespmem:s14], [sflag:$0x1] =	stream.indirect_vreg.gather [hbm4b:s4+s3], $0x80, v4, vm0, $0xb8;
	[tilespmem:$0x10100] =	vst v63  }
0x79: {  	s1 =	simm.s32 $0x1100;
	v3 =	vadd.s32 v1, v3  }
0x7a: {  	[tilespmem:s1], [sflag:$0x1] =	stream.indirect_vreg.gather [hbm4b:s5+s3], $0x80, v4, vm0, $0xb8;
	[tilespmem:$0x10100] =	vst v63  }
0x7b: {  	s9 =	simm.s32 $0x1900  }
0x7c: {  	[tilespmem:s9], [sflag:$0x1] =	stream.indirect_vreg.gather [hbm4b:s6+s3], $0x80, v4, vm0, $0xb8;
	[tilespmem:$0x10100] =	vst v63  }
0x7d: {  	s10 =	simm.s32 $0x2100  }
0x7e: {  	[tilespmem:s10], [sflag:$0x1] =	stream.indirect_vreg.gather [hbm4b:s2+s3], $0x80, v3, vm0, $0xb8;
	[tilespmem:$0x10100] =	vst v63  }
0x7f: {  	s11 =	simm.s32 $0x2900  }
0x80: {  	[tilespmem:s11], [sflag:$0x1] =	stream.indirect_vreg.gather [hbm4b:s4+s3], $0x80, v3, vm0, $0xb8;
	[tilespmem:$0x10100] =	vst v63  }
0x81: {  	s12 =	simm.s32 $0x3100  }
0x82: {  	[tilespmem:s12], [sflag:$0x1] =	stream.indirect_vreg.gather [hbm4b:s5+s3], $0x80, v3, vm0, $0xb8;
	[tilespmem:$0x10100] =	vst v63  }
0x83: {  	s15 =	simm.s32 $0x3900  }
0x84: {  	[tilespmem:s15], [sflag:$0x1] =	stream.indirect_vreg.gather [hbm4b:s6+s3], $0x80, v3, vm0, $0xb8;
	[tilespmem:$0x10100] =	vst v63  }
0x85: {  	v3 =	vld [tilespmem:$0x50];
	_ =	sdelay $0x4  }
0x86: {  	v53 =	vshll.u32 v3, $0x3  }
0x87: {  	v3 =	vand.u32 $0x7, v3;
	v4 =	vand.u32 $0xFFFFFFC0, v53  }
0x88: {  	v3 =	vor.u32 v3, v4  }
0x89: {  	v4 =	vperm.xlane v3, v0;
	_ =	sdelay $0x1  }
0x8a: {  	v4 =	vadd.s32 v1, v4;
	_ =	sdelay $0x3  }
0x8b: {  	s16 =	simm.s32 $0x4100  }
0x8c: {  	[tilespmem:s16], [sflag:$0x1] =	stream.indirect_vreg.gather [hbm4b:s2+s3], $0x80, v4, vm0, $0xb8;
	[tilespmem:$0x10100] =	vst v63  }
0x8d: {  	s31 =	simm.s32 $0x4900;
	v3 =	vperm.xlane v3, v2  }
0x8e: {  	[tilespmem:s31], [sflag:$0x1] =	stream.indirect_vreg.gather [hbm4b:s4+s3], $0x80, v4, vm0, $0xb8;
	[tilespmem:$0x10100] =	vst v63  }
0x8f: {  	s13 =	simm.s32 $0x5100;
	v3 =	vadd.s32 v1, v3  }
0x90: {  	[tilespmem:s13], [sflag:$0x1] =	stream.indirect_vreg.gather [hbm4b:s5+s3], $0x80, v4, vm0, $0xb8;
	[tilespmem:$0x10100] =	vst v63  }
0x91: {  	s31 =	simm.s32 $0x5900  }
0x92: {  	[tilespmem:s31], [sflag:$0x1] =	stream.indirect_vreg.gather [hbm4b:s6+s3], $0x80, v4, vm0, $0xb8;
	[tilespmem:$0x10100] =	vst v63  }
0x93: {  	s0 =	simm.s32 $0x6100  }
0x94: {  	[tilespmem:s0], [sflag:$0x1] =	stream.indirect_vreg.gather [hbm4b:s2+s3], $0x80, v3, vm0, $0xb8;
	[tilespmem:$0x10100] =	vst v63  }
0x95: {  	s1 =	simm.s32 $0x6900  }
0x96: {  	[tilespmem:s1], [sflag:$0x1] =	stream.indirect_vreg.gather [hbm4b:s4+s3], $0x80, v3, vm0, $0xb8;
	[tilespmem:$0x10100] =	vst v63  }
0x97: {  	s9 =	simm.s32 $0x7100  }
0x98: {  	[tilespmem:s9], [sflag:$0x1] =	stream.indirect_vreg.gather [hbm4b:s5+s3], $0x80, v3, vm0, $0xb8;
	[tilespmem:$0x10100] =	vst v63  }
0x99: {  	s13 =	simm.s32 $0x7900  }
0x9a: {  	[tilespmem:s13], [sflag:$0x1] =	stream.indirect_vreg.gather [hbm4b:s6+s3], $0x80, v3, vm0, $0xb8;
	[tilespmem:$0x10100] =	vst v63  }
0x9b: {  	v3 =	vld [tilespmem:$0x60];
	_ =	sdelay $0x4  }
0x9c: {  	v54 =	vshll.u32 v3, $0x3  }
0x9d: {  	v3 =	vand.u32 $0x7, v3;
	v4 =	vand.u32 $0xFFFFFFC0, v54  }
0x9e: {  	v3 =	vor.u32 v3, v4  }
0x9f: {  	v4 =	vperm.xlane v3, v0;
	_ =	sdelay $0x1  }
0xa0: {  	v4 =	vadd.s32 v1, v4;
	_ =	sdelay $0x3  }
0xa1: {  	s14 =	simm.s32 $0x8100  }
0xa2: {  	[tilespmem:s14], [sflag:$0x1] =	stream.indirect_vreg.gather [hbm4b:s2+s3], $0x80, v4, vm0, $0xb8;
	[tilespmem:$0x10100] =	vst v63  }
0xa3: {  	s15 =	simm.s32 $0x8900;
	v3 =	vperm.xlane v3, v2  }
0xa4: {  	[tilespmem:s15], [sflag:$0x1] =	stream.indirect_vreg.gather [hbm4b:s4+s3], $0x80, v4, vm0, $0xb8;
	[tilespmem:$0x10100] =	vst v63  }
0xa5: {  	s10 =	simm.s32 $0x9100;
	v3 =	vadd.s32 v1, v3  }
0xa6: {  	[tilespmem:s10], [sflag:$0x1] =	stream.indirect_vreg.gather [hbm4b:s5+s3], $0x80, v4, vm0, $0xb8;
	[tilespmem:$0x10100] =	vst v63  }
0xa7: {  	s11 =	simm.s32 $0x9900  }
0xa8: {  	[tilespmem:s11], [sflag:$0x1] =	stream.indirect_vreg.gather [hbm4b:s6+s3], $0x80, v4, vm0, $0xb8;
	[tilespmem:$0x10100] =	vst v63  }
0xa9: {  	s12 =	simm.s32 $0xA100  }
0xaa: {  	[tilespmem:s12], [sflag:$0x1] =	stream.indirect_vreg.gather [hbm4b:s2+s3], $0x80, v3, vm0, $0xb8;
	[tilespmem:$0x10100] =	vst v63  }
0xab: {  	s30 =	simm.s32 $0xA900  }
0xac: {  	[tilespmem:s30], [sflag:$0x1] =	stream.indirect_vreg.gather [hbm4b:s4+s3], $0x80, v3, vm0, $0xb8;
	[tilespmem:$0x10100] =	vst v63  }
0xad: {  	s28 =	simm.s32 $0xB100  }
0xae: {  	[tilespmem:s28], [sflag:$0x1] =	stream.indirect_vreg.gather [hbm4b:s5+s3], $0x80, v3, vm0, $0xb8;
	[tilespmem:$0x10100] =	vst v63  }
0xaf: {  	s20 =	simm.s32 $0xB900  }
0xb0: {  	[tilespmem:s20], [sflag:$0x1] =	stream.indirect_vreg.gather [hbm4b:s6+s3], $0x80, v3, vm0, $0xb8;
	[tilespmem:$0x10100] =	vst v63  }
0xb1: {  	v3 =	vld [tilespmem:$0x70];
	_ =	sdelay $0x4  }
0xb2: {  	v55 =	vshll.u32 v3, $0x3  }
0xb3: {  	v3 =	vand.u32 $0x7, v3;
	v4 =	vand.u32 $0xFFFFFFC0, v55  }
0xb4: {  	v3 =	vor.u32 v3, v4  }
0xb5: {  	v4 =	vperm.xlane v3, v0;
	_ =	sdelay $0x1  }
0xb6: {  	v4 =	vadd.s32 v1, v4;
	_ =	sdelay $0x3  }
0xb7: {  	s21 =	simm.s32 $0xC100  }
0xb8: {  	[tilespmem:s21], [sflag:$0x1] =	stream.indirect_vreg.gather [hbm4b:s2+s3], $0x80, v4, vm0, $0xb8;
	[tilespmem:$0x10100] =	vst v63  }
0xb9: {  	s22 =	simm.s32 $0xC900;
	v3 =	vperm.xlane v3, v2  }
0xba: {  	[tilespmem:s22], [sflag:$0x1] =	stream.indirect_vreg.gather [hbm4b:s4+s3], $0x80, v4, vm0, $0xb8;
	[tilespmem:$0x10100] =	vst v63  }
0xbb: {  	v3 =	vadd.s32 v1, v3;
	s22 =	simm.s32 $0xD100  }
0xbc: {  	[tilespmem:s22], [sflag:$0x1] =	stream.indirect_vreg.gather [hbm4b:s5+s3], $0x80, v4, vm0, $0xb8;
	[tilespmem:$0x10100] =	vst v63  }
0xbd: {  	s26 =	simm.s32 $0xD900  }
0xbe: {  	[tilespmem:s26], [sflag:$0x1] =	stream.indirect_vreg.gather [hbm4b:s6+s3], $0x80, v4, vm0, $0xb8;
	[tilespmem:$0x10100] =	vst v63  }
0xbf: {  	s29 =	simm.s32 $0xE100  }
0xc0: {  	[tilespmem:s29], [sflag:$0x1] =	stream.indirect_vreg.gather [hbm4b:s2+s3], $0x80, v3, vm0, $0xb8;
	[tilespmem:$0x10100] =	vst v63  }
0xc1: {  	s26 =	simm.s32 $0xE900  }
0xc2: {  	[tilespmem:s26], [sflag:$0x1] =	stream.indirect_vreg.gather [hbm4b:s4+s3], $0x80, v3, vm0, $0xb8;
	[tilespmem:$0x10100] =	vst v63  }
0xc3: {  	s30 =	simm.s32 $0xF100  }
0xc4: {  	[tilespmem:s30], [sflag:$0x1] =	stream.indirect_vreg.gather [hbm4b:s5+s3], $0x80, v3, vm0, $0xb8;
	[tilespmem:$0x10100] =	vst v63  }
0xc5: {  	s17 =	simm.s32 $0xF900  }
0xc6: {  	[tilespmem:s17], [sflag:$0x1] =	stream.indirect_vreg.gather [hbm4b:s6+s3], $0x80, v3, vm0, $0xb8;
	[tilespmem:$0x10100] =	vst v63  }
0xc7: {  	_ =	swait.ge [sflag:s18], $0x10000  }
0xc8: {  	[sflag:s18] =	ssyncset.done $0x0  }
0xc9: {  	s17 =	rddreg [dreg:$0x5];
	[sflag:s18] =	ssyncadd.s32 $0xFFFF0000  }
0xca: {  	[hbm4b:s17+s3] =	stream.linear.scatter [tilespmem:s23], [sflag:$0x2], $0x10000, $0x38;
	[tilespmem:$0x10100] =	vst v63  }
0xcb: {  	_ =	swait.ge [sflag:s8], $0x10000  }
0xcc: {  	[sflag:s8] =	ssyncset.done $0x0  }
0xcd: {  	[sflag:s8] =	ssyncadd.s32 $0xFFFF0000  }
0xce: {  	v3 =	vld [tilespmem:$0x80];
	_ =	sdelay $0x4  }
0xcf: {  	v56 =	vshll.u32 v3, $0x3  }
0xd0: {  	v3 =	vand.u32 $0x7, v3;
	v4 =	vand.u32 $0xFFFFFFC0, v56  }
0xd1: {  	v3 =	vor.u32 v3, v4  }
0xd2: {  	v4 =	vperm.xlane v3, v0;
	_ =	sdelay $0x1  }
0xd3: {  	v4 =	vadd.s32 v1, v4;
	_ =	sdelay $0x4  }
0xd4: {  	[tilespmem:s23], [sflag:$0x1] =	stream.indirect_vreg.gather [hbm4b:s2+s3], $0x80, v4, vm0, $0xb8;
	[tilespmem:$0x10100] =	vst v63  }
0xd5: {  	s21 =	simm.s32 $0x900;
	v3 =	vperm.xlane v3, v2  }
0xd6: {  	[tilespmem:s21], [sflag:$0x1] =	stream.indirect_vreg.gather [hbm4b:s4+s3], $0x80, v4, vm0, $0xb8;
	[tilespmem:$0x10100] =	vst v63  }
0xd7: {  	s25 =	simm.s32 $0x1100;
	v3 =	vadd.s32 v1, v3  }
0xd8: {  	[tilespmem:s25], [sflag:$0x1] =	stream.indirect_vreg.gather [hbm4b:s5+s3], $0x80, v4, vm0, $0xb8;
	[tilespmem:$0x10100] =	vst v63  }
0xd9: {  	s19 =	simm.s32 $0x1900  }
0xda: {  	[tilespmem:s19], [sflag:$0x1] =	stream.indirect_vreg.gather [hbm4b:s6+s3], $0x80, v4, vm0, $0xb8;
	[tilespmem:$0x10100] =	vst v63  }
0xdb: {  	s25 =	simm.s32 $0x2100  }
0xdc: {  	[tilespmem:s25], [sflag:$0x1] =	stream.indirect_vreg.gather [hbm4b:s2+s3], $0x80, v3, vm0, $0xb8;
	[tilespmem:$0x10100] =	vst v63  }
0xdd: {  	s19 =	simm.s32 $0x2900  }
0xde: {  	[tilespmem:s19], [sflag:$0x1] =	stream.indirect_vreg.gather [hbm4b:s4+s3], $0x80, v3, vm0, $0xb8;
	[tilespmem:$0x10100] =	vst v63  }
0xdf: {  	s25 =	simm.s32 $0x3100  }
0xe0: {  	[tilespmem:s25], [sflag:$0x1] =	stream.indirect_vreg.gather [hbm4b:s5+s3], $0x80, v3, vm0, $0xb8;
	[tilespmem:$0x10100] =	vst v63  }
0xe1: {  	s19 =	simm.s32 $0x3900  }
0xe2: {  	[tilespmem:s19], [sflag:$0x1] =	stream.indirect_vreg.gather [hbm4b:s6+s3], $0x80, v3, vm0, $0xb8;
	[tilespmem:$0x10100] =	vst v63  }
0xe3: {  	v3 =	vld [tilespmem:$0x90];
	_ =	sdelay $0x4  }
0xe4: {  	v57 =	vshll.u32 v3, $0x3  }
0xe5: {  	v3 =	vand.u32 $0x7, v3;
	v4 =	vand.u32 $0xFFFFFFC0, v57  }
0xe6: {  	v3 =	vor.u32 v3, v4  }
0xe7: {  	v4 =	vperm.xlane v3, v0;
	_ =	sdelay $0x1  }
0xe8: {  	v4 =	vadd.s32 v1, v4;
	_ =	sdelay $0x4  }
0xe9: {  	[tilespmem:s16], [sflag:$0x1] =	stream.indirect_vreg.gather [hbm4b:s2+s3], $0x80, v4, vm0, $0xb8;
	[tilespmem:$0x10100] =	vst v63  }
0xea: {  	s25 =	simm.s32 $0x4900;
	v3 =	vperm.xlane v3, v2  }
0xeb: {  	[tilespmem:s25], [sflag:$0x1] =	stream.indirect_vreg.gather [hbm4b:s4+s3], $0x80, v4, vm0, $0xb8;
	[tilespmem:$0x10100] =	vst v63  }
0xec: {  	s19 =	simm.s32 $0x5100;
	v3 =	vadd.s32 v1, v3  }
0xed: {  	[tilespmem:s19], [sflag:$0x1] =	stream.indirect_vreg.gather [hbm4b:s5+s3], $0x80, v4, vm0, $0xb8;
	[tilespmem:$0x10100] =	vst v63  }
0xee: {  	_ = 	snop  }
0xef: {  	[tilespmem:s31], [sflag:$0x1] =	stream.indirect_vreg.gather [hbm4b:s6+s3], $0x80, v4, vm0, $0xb8;
	[tilespmem:$0x10100] =	vst v63  }
0xf0: {  	_ = 	snop  }
0xf1: {  	[tilespmem:s0], [sflag:$0x1] =	stream.indirect_vreg.gather [hbm4b:s2+s3], $0x80, v3, vm0, $0xb8;
	[tilespmem:$0x10100] =	vst v63  }
0xf2: {  	_ = 	snop  }
0xf3: {  	[tilespmem:s1], [sflag:$0x1] =	stream.indirect_vreg.gather [hbm4b:s4+s3], $0x80, v3, vm0, $0xb8;
	[tilespmem:$0x10100] =	vst v63  }
0xf4: {  	_ = 	snop  }
0xf5: {  	[tilespmem:s9], [sflag:$0x1] =	stream.indirect_vreg.gather [hbm4b:s5+s3], $0x80, v3, vm0, $0xb8;
	[tilespmem:$0x10100] =	vst v63  }
0xf6: {  	_ = 	snop  }
0xf7: {  	[tilespmem:s13], [sflag:$0x1] =	stream.indirect_vreg.gather [hbm4b:s6+s3], $0x80, v3, vm0, $0xb8;
	[tilespmem:$0x10100] =	vst v63  }
0xf8: {  	v3 =	vld [tilespmem:$0xA0];
	_ =	sdelay $0x4  }
0xf9: {  	v58 =	vshll.u32 v3, $0x3  }
0xfa: {  	v3 =	vand.u32 $0x7, v3;
	v4 =	vand.u32 $0xFFFFFFC0, v58  }
0xfb: {  	v3 =	vor.u32 v3, v4  }
0xfc: {  	v4 =	vperm.xlane v3, v0;
	_ =	sdelay $0x1  }
0xfd: {  	v4 =	vadd.s32 v1, v4;
	_ =	sdelay $0x4  }
0xfe: {  	[tilespmem:s14], [sflag:$0x1] =	stream.indirect_vreg.gather [hbm4b:s2+s3], $0x80, v4, vm0, $0xb8;
	[tilespmem:$0x10100] =	vst v63  }
0xff: {  	v3 =	vperm.xlane v3, v2  }
0x100: {  	[tilespmem:s15], [sflag:$0x1] =	stream.indirect_vreg.gather [hbm4b:s4+s3], $0x80, v4, vm0, $0xb8;
	[tilespmem:$0x10100] =	vst v63  }
0x101: {  	v3 =	vadd.s32 v1, v3  }
0x102: {  	[tilespmem:s10], [sflag:$0x1] =	stream.indirect_vreg.gather [hbm4b:s5+s3], $0x80, v4, vm0, $0xb8;
	[tilespmem:$0x10100] =	vst v63  }
0x103: {  	_ = 	snop  }
0x104: {  	[tilespmem:s11], [sflag:$0x1] =	stream.indirect_vreg.gather [hbm4b:s6+s3], $0x80, v4, vm0, $0xb8;
	[tilespmem:$0x10100] =	vst v63  }
0x105: {  	_ = 	snop  }
0x106: {  	[tilespmem:s12], [sflag:$0x1] =	stream.indirect_vreg.gather [hbm4b:s2+s3], $0x80, v3, vm0, $0xb8;
	[tilespmem:$0x10100] =	vst v63  }
0x107: {  	s24 =	simm.s32 $0xA900  }
0x108: {  	[tilespmem:s24], [sflag:$0x1] =	stream.indirect_vreg.gather [hbm4b:s4+s3], $0x80, v3, vm0, $0xb8;
	[tilespmem:$0x10100] =	vst v63  }
0x109: {  	s28 =	simm.s32 $0xB100  }
0x10a: {  	[tilespmem:s28], [sflag:$0x1] =	stream.indirect_vreg.gather [hbm4b:s5+s3], $0x80, v3, vm0, $0xb8;
	[tilespmem:$0x10100] =	vst v63  }
0x10b: {  	s24 =	simm.s32 $0xB900  }
0x10c: {  	[tilespmem:s24], [sflag:$0x1] =	stream.indirect_vreg.gather [hbm4b:s6+s3], $0x80, v3, vm0, $0xb8;
	[tilespmem:$0x10100] =	vst v63  }
0x10d: {  	v3 =	vld [tilespmem:$0xB0];
	_ =	sdelay $0x4  }
0x10e: {  	v59 =	vshll.u32 v3, $0x3  }
0x10f: {  	v3 =	vand.u32 $0x7, v3;
	v4 =	vand.u32 $0xFFFFFFC0, v59  }
0x110: {  	v3 =	vor.u32 v3, v4  }
0x111: {  	v4 =	vperm.xlane v3, v0;
	_ =	sdelay $0x1  }
0x112: {  	v4 =	vadd.s32 v1, v4;
	_ =	sdelay $0x3  }
0x113: {  	s25 =	simm.s32 $0xC100  }
0x114: {  	[tilespmem:s25], [sflag:$0x1] =	stream.indirect_vreg.gather [hbm4b:s2+s3], $0x80, v4, vm0, $0xb8;
	[tilespmem:$0x10100] =	vst v63  }
0x115: {  	s28 =	simm.s32 $0xC900;
	v3 =	vperm.xlane v3, v2  }
0x116: {  	[tilespmem:s28], [sflag:$0x1] =	stream.indirect_vreg.gather [hbm4b:s4+s3], $0x80, v4, vm0, $0xb8;
	[tilespmem:$0x10100] =	vst v63  }
0x117: {  	s20 =	simm.s32 $0xD100;
	v3 =	vadd.s32 v1, v3  }
0x118: {  	[tilespmem:s20], [sflag:$0x1] =	stream.indirect_vreg.gather [hbm4b:s5+s3], $0x80, v4, vm0, $0xb8;
	[tilespmem:$0x10100] =	vst v63  }
0x119: {  	s22 =	simm.s32 $0xD900  }
0x11a: {  	[tilespmem:s22], [sflag:$0x1] =	stream.indirect_vreg.gather [hbm4b:s6+s3], $0x80, v4, vm0, $0xb8;
	[tilespmem:$0x10100] =	vst v63  }
0x11b: {  	s29 =	simm.s32 $0xE100  }
0x11c: {  	[tilespmem:s29], [sflag:$0x1] =	stream.indirect_vreg.gather [hbm4b:s2+s3], $0x80, v3, vm0, $0xb8;
	[tilespmem:$0x10100] =	vst v63  }
0x11d: {  	s26 =	simm.s32 $0xE900  }
0x11e: {  	[tilespmem:s26], [sflag:$0x1] =	stream.indirect_vreg.gather [hbm4b:s4+s3], $0x80, v3, vm0, $0xb8;
	[tilespmem:$0x10100] =	vst v63  }
0x11f: {  	s30 =	simm.s32 $0xF100  }
0x120: {  	[tilespmem:s30], [sflag:$0x1] =	stream.indirect_vreg.gather [hbm4b:s5+s3], $0x80, v3, vm0, $0xb8;
	[tilespmem:$0x10100] =	vst v63  }
0x121: {  	s29 =	simm.s32 $0xF900  }
0x122: {  	[tilespmem:s29], [sflag:$0x1] =	stream.indirect_vreg.gather [hbm4b:s6+s3], $0x80, v3, vm0, $0xb8;
	[tilespmem:$0x10100] =	vst v63  }
0x123: {  	_ =	swait.ge [sflag:s18], $0x10000  }
0x124: {  	[sflag:s18] =	ssyncset.done $0x0  }
0x125: {  	s30 =	rddreg [dreg:$0x6];
	[sflag:s18] =	ssyncadd.s32 $0xFFFF0000  }
0x126: {  	[hbm4b:s30+s3] =	stream.linear.scatter [tilespmem:s23], [sflag:$0x2], $0x10000, $0x38;
	[tilespmem:$0x10100] =	vst v63  }
0x127: {  	_ =	swait.ge [sflag:s8], $0x10000  }
0x128: {  	[sflag:s8] =	ssyncset.done $0x0  }
0x129: {  	[sflag:s8] =	ssyncadd.s32 $0xFFFF0000  }
0x12a: {  	v3 =	vld [tilespmem:$0xC0];
	_ =	sdelay $0x4  }
0x12b: {  	v60 =	vshll.u32 v3, $0x3  }
0x12c: {  	v3 =	vand.u32 $0x7, v3;
	v4 =	vand.u32 $0xFFFFFFC0, v60  }
0x12d: {  	v3 =	vor.u32 v3, v4  }
0x12e: {  	v4 =	vperm.xlane v3, v0;
	_ =	sdelay $0x1  }
0x12f: {  	v4 =	vadd.s32 v1, v4;
	_ =	sdelay $0x4  }
0x130: {  	[tilespmem:s23], [sflag:$0x1] =	stream.indirect_vreg.gather [hbm4b:s2+s3], $0x80, v4, vm0, $0xb8;
	[tilespmem:$0x10100] =	vst v63  }
0x131: {  	s29 =	simm.s32 $0x900;
	v3 =	vperm.xlane v3, v2  }
0x132: {  	[tilespmem:s29], [sflag:$0x1] =	stream.indirect_vreg.gather [hbm4b:s4+s3], $0x80, v4, vm0, $0xb8;
	[tilespmem:$0x10100] =	vst v63  }
0x133: {  	s21 =	simm.s32 $0x1100;
	v3 =	vadd.s32 v1, v3  }
0x134: {  	[tilespmem:s21], [sflag:$0x1] =	stream.indirect_vreg.gather [hbm4b:s5+s3], $0x80, v4, vm0, $0xb8;
	[tilespmem:$0x10100] =	vst v63  }
0x135: {  	s30 =	simm.s32 $0x1900  }
0x136: {  	[tilespmem:s30], [sflag:$0x1] =	stream.indirect_vreg.gather [hbm4b:s6+s3], $0x80, v4, vm0, $0xb8;
	[tilespmem:$0x10100] =	vst v63  }
0x137: {  	s21 =	simm.s32 $0x2100  }
0x138: {  	[tilespmem:s21], [sflag:$0x1] =	stream.indirect_vreg.gather [hbm4b:s2+s3], $0x80, v3, vm0, $0xb8;
	[tilespmem:$0x10100] =	vst v63  }
0x139: {  	s29 =	simm.s32 $0x2900  }
0x13a: {  	[tilespmem:s29], [sflag:$0x1] =	stream.indirect_vreg.gather [hbm4b:s4+s3], $0x80, v3, vm0, $0xb8;
	[tilespmem:$0x10100] =	vst v63  }
0x13b: {  	s30 =	simm.s32 $0x3100  }
0x13c: {  	[tilespmem:s30], [sflag:$0x1] =	stream.indirect_vreg.gather [hbm4b:s5+s3], $0x80, v3, vm0, $0xb8;
	[tilespmem:$0x10100] =	vst v63  }
0x13d: {  	s21 =	simm.s32 $0x3900  }
0x13e: {  	[tilespmem:s21], [sflag:$0x1] =	stream.indirect_vreg.gather [hbm4b:s6+s3], $0x80, v3, vm0, $0xb8;
	[tilespmem:$0x10100] =	vst v63  }
0x13f: {  	v3 =	vld [tilespmem:$0xD0];
	_ =	sdelay $0x4  }
0x140: {  	v61 =	vshll.u32 v3, $0x3  }
0x141: {  	v3 =	vand.u32 $0x7, v3;
	v4 =	vand.u32 $0xFFFFFFC0, v61  }
0x142: {  	v3 =	vor.u32 v3, v4  }
0x143: {  	v4 =	vperm.xlane v3, v0;
	_ =	sdelay $0x1  }
0x144: {  	v4 =	vadd.s32 v1, v4;
	_ =	sdelay $0x3  }
0x145: {  	s16 =	simm.s32 $0x4100  }
0x146: {  	[tilespmem:s16], [sflag:$0x1] =	stream.indirect_vreg.gather [hbm4b:s2+s3], $0x80, v4, vm0, $0xb8;
	[tilespmem:$0x10100] =	vst v63  }
0x147: {  	s29 =	simm.s32 $0x4900;
	v3 =	vperm.xlane v3, v2  }
0x148: {  	[tilespmem:s29], [sflag:$0x1] =	stream.indirect_vreg.gather [hbm4b:s4+s3], $0x80, v4, vm0, $0xb8;
	[tilespmem:$0x10100] =	vst v63  }
0x149: {  	s30 =	simm.s32 $0x5100;
	v3 =	vadd.s32 v1, v3  }
0x14a: {  	[tilespmem:s30], [sflag:$0x1] =	stream.indirect_vreg.gather [hbm4b:s5+s3], $0x80, v4, vm0, $0xb8;
	[tilespmem:$0x10100] =	vst v63  }
0x14b: {  	s17 =	simm.s32 $0x5900  }
0x14c: {  	[tilespmem:s17], [sflag:$0x1] =	stream.indirect_vreg.gather [hbm4b:s6+s3], $0x80, v4, vm0, $0xb8;
	[tilespmem:$0x10100] =	vst v63  }
0x14d: {  	s0 =	simm.s32 $0x6100  }
0x14e: {  	[tilespmem:s0], [sflag:$0x1] =	stream.indirect_vreg.gather [hbm4b:s2+s3], $0x80, v3, vm0, $0xb8;
	[tilespmem:$0x10100] =	vst v63  }
0x14f: {  	s1 =	simm.s32 $0x6900  }
0x150: {  	[tilespmem:s1], [sflag:$0x1] =	stream.indirect_vreg.gather [hbm4b:s4+s3], $0x80, v3, vm0, $0xb8;
	[tilespmem:$0x10100] =	vst v63  }
0x151: {  	s9 =	simm.s32 $0x7100  }
0x152: {  	[tilespmem:s9], [sflag:$0x1] =	stream.indirect_vreg.gather [hbm4b:s5+s3], $0x80, v3, vm0, $0xb8;
	[tilespmem:$0x10100] =	vst v63  }
0x153: {  	s13 =	simm.s32 $0x7900  }
0x154: {  	[tilespmem:s13], [sflag:$0x1] =	stream.indirect_vreg.gather [hbm4b:s6+s3], $0x80, v3, vm0, $0xb8;
	[tilespmem:$0x10100] =	vst v63  }
0x155: {  	v3 =	vld [tilespmem:$0xE0];
	_ =	sdelay $0x4  }
0x156: {  	v62 =	vshll.u32 v3, $0x3  }
0x157: {  	v3 =	vand.u32 $0x7, v3;
	v4 =	vand.u32 $0xFFFFFFC0, v62  }
0x158: {  	v3 =	vor.u32 v3, v4  }
0x159: {  	v4 =	vperm.xlane v3, v0;
	_ =	sdelay $0x1  }
0x15a: {  	v4 =	vadd.s32 v1, v4;
	_ =	sdelay $0x3  }
0x15b: {  	s14 =	simm.s32 $0x8100  }
0x15c: {  	[tilespmem:s14], [sflag:$0x1] =	stream.indirect_vreg.gather [hbm4b:s2+s3], $0x80, v4, vm0, $0xb8;
	[tilespmem:$0x10100] =	vst v63  }
0x15d: {  	s15 =	simm.s32 $0x8900;
	v3 =	vperm.xlane v3, v2  }
0x15e: {  	[tilespmem:s15], [sflag:$0x1] =	stream.indirect_vreg.gather [hbm4b:s4+s3], $0x80, v4, vm0, $0xb8;
	[tilespmem:$0x10100] =	vst v63  }
0x15f: {  	s10 =	simm.s32 $0x9100;
	v3 =	vadd.s32 v1, v3  }
0x160: {  	[tilespmem:s10], [sflag:$0x1] =	stream.indirect_vreg.gather [hbm4b:s5+s3], $0x80, v4, vm0, $0xb8;
	[tilespmem:$0x10100] =	vst v63  }
0x161: {  	s11 =	simm.s32 $0x9900  }
0x162: {  	[tilespmem:s11], [sflag:$0x1] =	stream.indirect_vreg.gather [hbm4b:s6+s3], $0x80, v4, vm0, $0xb8;
	[tilespmem:$0x10100] =	vst v63  }
0x163: {  	s12 =	simm.s32 $0xA100  }
0x164: {  	[tilespmem:s12], [sflag:$0x1] =	stream.indirect_vreg.gather [hbm4b:s2+s3], $0x80, v3, vm0, $0xb8;
	[tilespmem:$0x10100] =	vst v63  }
0x165: {  	s31 =	simm.s32 $0xA900  }
0x166: {  	[tilespmem:s31], [sflag:$0x1] =	stream.indirect_vreg.gather [hbm4b:s4+s3], $0x80, v3, vm0, $0xb8;
	[tilespmem:$0x10100] =	vst v63  }
0x167: {  	s19 =	simm.s32 $0xB100  }
0x168: {  	[tilespmem:s19], [sflag:$0x1] =	stream.indirect_vreg.gather [hbm4b:s5+s3], $0x80, v3, vm0, $0xb8;
	[tilespmem:$0x10100] =	vst v63  }
0x169: {  	s21 =	simm.s32 $0xB900  }
0x16a: {  	[tilespmem:s21], [sflag:$0x1] =	stream.indirect_vreg.gather [hbm4b:s6+s3], $0x80, v3, vm0, $0xb8;
	[tilespmem:$0x10100] =	vst v63  }
0x16b: {  	v3 =	vld [tilespmem:$0xF0];
	_ =	sdelay $0x4  }
0x16c: {  	v63 =	vshll.u32 v3, $0x3  }
0x16d: {  	v3 =	vand.u32 $0x7, v3;
	v4 =	vand.u32 $0xFFFFFFC0, v63  }
0x16e: {  	v3 =	vor.u32 v3, v4  }
0x16f: {  	v4 =	vperm.xlane v3, v0;
	_ =	sdelay $0x1  }
0x170: {  	v4 =	vadd.s32 v1, v4;
	_ =	sdelay $0x3  }
0x171: {  	s29 =	simm.s32 $0xC100  }
0x172: {  	[tilespmem:s29], [sflag:$0x1] =	stream.indirect_vreg.gather [hbm4b:s2+s3], $0x80, v4, vm0, $0xb8;
	[tilespmem:$0x10100] =	vst v63  }
0x173: {  	s30 =	simm.s32 $0xC900;
	v3 =	vperm.xlane v3, v2  }
0x174: {  	[tilespmem:s30], [sflag:$0x1] =	stream.indirect_vreg.gather [hbm4b:s4+s3], $0x80, v4, vm0, $0xb8;
	[tilespmem:$0x10100] =	vst v63  }
0x175: {  	s28 =	simm.s32 $0xD100;
	v3 =	vadd.s32 v1, v3  }
0x176: {  	[tilespmem:s28], [sflag:$0x1] =	stream.indirect_vreg.gather [hbm4b:s5+s3], $0x80, v4, vm0, $0xb8;
	[tilespmem:$0x10100] =	vst v63  }
0x177: {  	s20 =	simm.s32 $0xD900  }
0x178: {  	[tilespmem:s20], [sflag:$0x1] =	stream.indirect_vreg.gather [hbm4b:s6+s3], $0x80, v4, vm0, $0xb8;
	[tilespmem:$0x10100] =	vst v63  }
0x179: {  	s24 =	simm.s32 $0xE100  }
0x17a: {  	[tilespmem:s24], [sflag:$0x1] =	stream.indirect_vreg.gather [hbm4b:s2+s3], $0x80, v3, vm0, $0xb8;
	[tilespmem:$0x10100] =	vst v63  }
0x17b: {  	s22 =	simm.s32 $0xE900  }
0x17c: {  	[tilespmem:s22], [sflag:$0x1] =	stream.indirect_vreg.gather [hbm4b:s4+s3], $0x80, v3, vm0, $0xb8;
	[tilespmem:$0x10100] =	vst v63  }
0x17d: {  	s25 =	simm.s32 $0xF100  }
0x17e: {  	[tilespmem:s25], [sflag:$0x1] =	stream.indirect_vreg.gather [hbm4b:s5+s3], $0x80, v3, vm0, $0xb8;
	[tilespmem:$0x10100] =	vst v63  }
0x17f: {  	s26 =	simm.s32 $0xF900  }
0x180: {  	[tilespmem:s26], [sflag:$0x1] =	stream.indirect_vreg.gather [hbm4b:s6+s3], $0x80, v3, vm0, $0xb8;
	[tilespmem:$0x10100] =	vst v63  }
0x181: {  	_ =	swait.ge [sflag:s18], $0x10000  }
0x182: {  	p0 =	sne.s32 s7, $0x1;
	[sflag:s18] =	ssyncset.done $0x0  }
.Ltmp0:
0x183: {  	s31 =	rddreg [dreg:$0x7];
	[sflag:s18] =	ssyncadd.s32 $0xFFFF0000;
	(pc) =	sbr.rel @p0 .LBB2_1-.Ltmp0, $4  }
0x184: {  	[hbm4b:s31+s3] =	stream.linear.scatter [tilespmem:s23], [sflag:$0x2], $0x10000, $0x38;
	[tilespmem:$0x10100] =	vst v63  }
0x185: {  	_ =	swait.ge [sflag:s8], $0x10000  }
0x186: {  	[sflag:s8] =	ssyncset.done $0x0  }
0x187: {  	s7 =	sadd.s32 $0xFFFFFFFF, s7;
	[sflag:s8] =	ssyncadd.s32 $0xFFFF0000  }
0x188: {  	_ =	sfence.sel $0x180000  }
0x189: {  	[bflag:$0x0] =	sbarrier.arrive $0xFFFF  }
0x18a: {  	_ =	strace $0x9000004A  }
0x18b: {  	s0 =	stileid.u32;
	[bflag:$0x2] =	sbarrier.arrive $0xFFFF  }
0x18c: {  	p0 =	sne.s32 s0, $0x0;
	s0 =	rddreg [dreg:$0x2]  }
0x18d: {  	s0 =	sadd.s32 @!p0 $0x100000, s0  }
0x18e: {  	[sflag:s0] =	ssyncadd.tile.s32 @!p0 $0x1;
	_ =	shalt  }
.Lfunc_end2:
_tile_overlayer_lowered:
.L_overlay_start_2:
0x18f: {  	(tag) =	ssettag $0x2  }
0x190: {  	s0 =	rddreg [dreg:$0x0];
	s2 =	stileid.u32  }
0x191: {  	s1 =	rddreg [dreg:$0x1];
	p0 =	sne.s32 s2, $0x0  }
0x192: {  	s3 =	rddreg [dreg:$0x2];
	[bflag:$0x3] =	sbarrier.arrive $0xFFFF;
	s2 =	simm.s32 @!p0 $0x1C02  }
0x193: {  	[timem:s3], [sflag:s2] =	dma.local @!p0 [hbm:s0], s1  }
0x194: {  	s0 =	simm.s32 @!p0 $0x2  }
0x195: {  	_ =	swait.ge @!p0 [sflag:s0], s1  }
0x196: {  	s1 =	ssub.s32 @!p0 $0x0, s1;
	[sflag:s0] =	ssyncset.done @!p0 $0x0  }
0x197: {  	[sflag:s0] =	ssyncadd.s32 @!p0 s1  }
0x198: {  	[bflag:$0x3] =	sbarrier.arrive $0xFFFF  }
0x199: {  	_ =	shalt  }

// kernel: kernel.17.cloned.1.call-start
scs
__scs_entry_jumppad:
0x0: {  	(pc) =	sbr.rel $0x88, $3  }
0x1: {  	(tag) =	ssettag $0x0;
	lr =	simm.s32 $0x1  }
0x2: {  	[smem:$0x3F92] =	sst lr;
	_ =	strace $0xD0000000  }
0x3: {  	_ = 	snop  }
0x4: {  	_ = 	snop  }
0x5: {  	_ = 	snop  }
0x6: {  	_ = 	snop  }
0x7: {  	_ = 	snop  }
__scs_overlays_trampoline_lowered:
0x8: {  	[smem:$0x3FA1] =	sst s0  }
0x9: {  	[smem:$0x3FA2] =	sst s1  }
0xa: {  	[smem:$0x3FA3] =	sst s2  }
0xb: {  	[smem:$0x3FA4] =	sst s3  }
0xc: {  	[smem:$0x3FA5] =	sst s4  }
0xd: {  	[smem:$0x3FA6] =	sst s5  }
0xe: {  	[smem:$0x3FA7] =	sst s6  }
0xf: {  	[smem:$0x3FA8] =	sst s7  }
0x10: {  	[smem:$0x3FA9] =	sst s8  }
0x11: {  	[smem:$0x3FAA] =	sst s9;
	s0 =	simm.s32 @!p0 $0x0  }
0x12: {  	s1 =	sld [smem:$0x3F90];
	s0 =	simm.s32 @p0 $0x1  }
0x13: {  	[smem:$0x3FAB] =	sst s0;
	s0 =	simm.s32 @!p1 $0x0  }
0x14: {  	s2 =	sld [smem:$0x3F8F];
	s0 =	simm.s32 @p1 $0x1  }
0x15: {  	[smem:$0x3FAC] =	sst s0;
	s0 =	simm.s32 @!p2 $0x0  }
0x16: {  	s3 =	sld [smem:$0x3FDB];
	s0 =	simm.s32 @p2 $0x1  }
0x17: {  	s4 =	simm.s32 $0x1BF5;
	[smem:$0x3FAE] =	sst s0  }
0x18: {  	s0 =	sld [smem:$0x3F91];
	_ =	swait.ge [sflag:s4], $0x0  }
0x19: {  	s7 =	sld [smem:$0x3F92]  }
0x1a: {  	s8 =	sadd.s32 $0xFFFFE003, lr  }
0x1b: {  	s9 =	sadd.s32 $0xFFFFFEF7, lr;
	s5 =	simm.s32 $0xFFFFFFFF;
	p2 =	slt.u32 s8, $0xFFFFF086  }
0x1c: {  	p1 =	slt.u32 s9, $0xF7A;
	s5 =	simm.s32 @!p2 $0x0  }
0x1d: {  	s5 =	simm.s32 @p1 $0x1;
	p0 =	seq.s32 s7, s2  }
0x1e: {  	s7 =	smul.u32 @!p0 $0xF7A, s2;
	p2 =	seq.s32 @!p0 s5, $0x0  }
0x1f: {  	s9 =	smul.u32 $0xF7A, s1;
	s8 =	simm.s32 @!p0 $0x1BF5;
	p2 =	por !p2, p0  }
0x20: {  	[sflag:s8] =	ssyncset.s32 @!p0 $0xFFFFF086;
	s6 =	sadd.s32 @!p0 s3, s7;
	s7 =	simm.s32 @!p0 $0x108  }
0x21: {  	s3 =	sadd.s32 s3, s9;
	s6 =	sadd.s32 @!p0 $0x88, s6;
	s7 =	simm.s32 @p2 $0x1082  }
0x22: {  	[simem:s7], [sflag:s8] =	dma.local @!p0 [hbm:s6], $0xF7A  }
0x23: {  	s9 =	sor.u32 $0xD0000000, s2;
	s6 =	simm.s32 $0x108;
	_ =	swait.ge @!p0 [sflag:s8], $0x0  }
0x24: {  	s3 =	sadd.s32 $0x88, s3;
	s6 =	simm.s32 @!p1 $0x1082;
	[sflag:s4] =	ssyncset.s32 $0xFFFFF086  }
0x25: {  	[simem:s6], [sflag:s4] =	dma.local [hbm:s3], $0xF7A  }
0x26: {  	[smem:$0x3F92] =	sst s1;
	(tag) =	ssettag s2;
	_ =	strace s9  }
0x27: {  	s1 =	sld [smem:$0x3FA2]  }
0x28: {  	s2 =	sld [smem:$0x3FA3]  }
0x29: {  	s4 =	sld [smem:$0x3FA5]  }
0x2a: {  	p0 =	seq.s32 s5, $0x0;
	s5 =	sld [smem:$0x3FA6]  }
0x2b: {  	s6 =	sld [smem:$0x3FA7]  }
0x2c: {  	s7 =	sld [smem:$0x3FA8]  }
0x2d: {  	s3 =	simm.s32 $0x108;
	s8 =	sld [smem:$0x3FA9]  }
0x2e: {  	s3 =	simm.s32 @!p0 $0x1082;
	s9 =	sld [smem:$0x3FAA]  }
0x2f: {  	lr =	sadd.s32 s0, s3;
	s0 =	sld [smem:$0x3FA1]  }
0x30: {  	s3 =	sld [smem:$0x3FA4]  }
0x31: {  	[smem:$0x3FAD] =	sst s10  }
0x32: {  	s10 =	sld [smem:$0x3FAB];
	_ =	sdelay $0x3  }
0x33: {  	p0 =	seq.s32 s10, $0x1;
	s10 =	sld [smem:$0x3FAD];
	_ =	sdelay $0x3  }
0x34: {  	[smem:$0x3FAD] =	sst s10  }
0x35: {  	s10 =	sld [smem:$0x3FAC];
	_ =	sdelay $0x3  }
0x36: {  	p1 =	seq.s32 s10, $0x1;
	s10 =	sld [smem:$0x3FAD];
	_ =	sdelay $0x3  }
0x37: {  	[smem:$0x3FAD] =	sst s10  }
0x38: {  	s10 =	sld [smem:$0x3FAE]  }
0x39: {  	_ = 	snop;
	(pc) =	sbr.ind lr, $3  }
0x3a: {  	_ = 	snop  }
0x3b: {  	_ = 	snop  }
0x3c: {  	p2 =	seq.s32 s10, $0x1;
	s10 =	sld [smem:$0x3FAD]  }
0x3d: {  	_ =	shalt  }
0x3e: {  	_ =	shalt  }
0x3f: {  	_ =	shalt  }
0x40: {  	_ =	shalt  }
0x41: {  	_ =	shalt  }
0x42: {  	_ =	shalt  }
0x43: {  	_ =	shalt  }
0x44: {  	_ =	shalt  }
0x45: {  	_ =	shalt  }
0x46: {  	_ =	shalt  }
0x47: {  	_ =	shalt  }
0x48: {  	_ =	shalt  }
0x49: {  	_ =	shalt  }
0x4a: {  	_ =	shalt  }
0x4b: {  	_ =	shalt  }
0x4c: {  	_ =	shalt  }
0x4d: {  	_ =	shalt  }
0x4e: {  	_ =	shalt  }
0x4f: {  	_ =	shalt  }
0x50: {  	_ =	shalt  }
0x51: {  	_ =	shalt  }
0x52: {  	_ =	shalt  }
0x53: {  	_ =	shalt  }
0x54: {  	_ =	shalt  }
0x55: {  	_ =	shalt  }
0x56: {  	_ =	shalt  }
0x57: {  	_ =	shalt  }
0x58: {  	_ =	shalt  }
0x59: {  	_ =	shalt  }
0x5a: {  	_ =	shalt  }
0x5b: {  	_ =	shalt  }
0x5c: {  	_ =	shalt  }
0x5d: {  	_ =	shalt  }
0x5e: {  	_ =	shalt  }
0x5f: {  	_ =	shalt  }
0x60: {  	_ =	shalt  }
0x61: {  	_ =	shalt  }
0x62: {  	_ =	shalt  }
0x63: {  	_ =	shalt  }
0x64: {  	_ =	shalt  }
0x65: {  	_ =	shalt  }
0x66: {  	_ =	shalt  }
0x67: {  	_ =	shalt  }
0x68: {  	_ =	shalt  }
0x69: {  	_ =	shalt  }
0x6a: {  	_ =	shalt  }
0x6b: {  	_ =	shalt  }
0x6c: {  	_ =	shalt  }
0x6d: {  	_ =	shalt  }
0x6e: {  	_ =	shalt  }
0x6f: {  	_ =	shalt  }
0x70: {  	_ =	shalt  }
0x71: {  	_ =	shalt  }
0x72: {  	_ =	shalt  }
0x73: {  	_ =	shalt  }
0x74: {  	_ =	shalt  }
0x75: {  	_ =	shalt  }
0x76: {  	_ =	shalt  }
0x77: {  	_ =	shalt  }
0x78: {  	_ =	shalt  }
0x79: {  	_ =	shalt  }
0x7a: {  	_ =	shalt  }
0x7b: {  	_ =	shalt  }
0x7c: {  	_ =	shalt  }
0x7d: {  	_ =	shalt  }
0x7e: {  	_ =	shalt  }
0x7f: {  	_ =	shalt  }
0x80: {  	_ =	shalt  }
0x81: {  	_ =	shalt  }
0x82: {  	_ =	shalt  }
0x83: {  	_ =	shalt  }
0x84: {  	_ =	shalt  }
0x85: {  	_ =	shalt  }
0x86: {  	_ =	shalt  }
0x87: {  	_ =	shalt  }
.Lfunc_end0:
.L_simem_size_0:
called_computation.2_lowered:
.L_overlay_start_0:
0x88: {  	s2 =	sld [smem:$0x3FD9]  }
0x89: {  	s3 =	sld [smem:$0x3FFE];
	_ =	sdelay $0x1  }
0x8a: {  	s1 =	srdreg.scid  }
0x8b: {  	s0 =	sand.u32 $0x1, s1  }
0x8c: {  	s16 =	sshll.u32 s0, $0xA;
	s2 =	sadd.s32 s3, s2  }
0x8d: {  	s2 =	sadd.s32 s2, s16  }
0x8e: {  	[smem:$0x3FB9] =	sst s2  }
0x8f: {  	_ = 	snop  }
0x90: {  	(tm) =	ssettm $0x1  }
0x91: {  	s17 =	sld [smem:$0x3FFB];
	_ =	sdelay $0x3  }
0x92: {  	_ =	strace s17  }
0x93: {  	s2 =	sld [smem:$0x3FFC];
	_ =	sdelay $0x3  }
0x94: {  	_ =	strace s2  }
0x95: {  	s2 =	sld [smem:$0x3FFD];
	_ =	sdelay $0x3  }
0x96: {  	_ =	strace s2  }
0x97: {  	_ =	strace $0x8FFFFFFF  }
0x98: {  	s18 =	sld [smem:$0x3FDB];
	_ =	sdelay $0x1  }
0x99: {  	s19 =	simm.s32 $_scs_section_size  }
0x9a: {  	s4 =	simm.s32 $_size__tile_overlayer_lowered;
	s5 =	simm.s32 $_tile_overlayer_lowered  }
0x9b: {  	s22 =	simm.s32 $0x1BFF;
	s21 =	sshll.u32 s5, $0x1;
	s2 =	sadd.s32 s19, s18  }
0x9c: {  	s6 =	simm.s32 $0x0;
	s20 =	sshll.u32 s4, $0x1;
	s4 =	sadd.s32 s21, s2  }
0x9d: {  	[timem:s6], [sflag:s22] =	dma.local [hbm:s4], s20  }
0x9e: {  	_ =	swait.ge [sflag:s22], s20  }
0x9f: {  	s3 =	ssub.s32 $0x0, s20;
	[sflag:s22] =	ssyncset.done $0x0  }
0xa0: {  	[sflag:s22] =	ssyncadd.s32 s3;
	_ =	sdelay $0x1  }
0xa1: {  	s23 =	simm.s32 $0x1B8B  }
0xa2: {  	_ =	swait.ge [sflag:s23], $0x1  }
0xa3: {  	[sflag:s23] =	ssyncset.done $0x0  }
0xa4: {  	s25 =	simm.s32 $0x1B8E;
	s24 =	sld [smem:$0x3FFE];
	[sflag:s23] =	ssyncadd.s32 $0xFFFFFFFF  }
0xa5: {  	s26 =	simm.s32 $execute0_lowered;
	[smem:$0x3FD2] =	sst s25  }
0xa6: {  	s4 =	sshll.u32 s26, $0x1;
	_ =	strace $0x8000004C;
	[dreg:$0x1] =	wrdreg $0xFFFFFFFF  }
0xa7: {  	s28 =	simm.s32 $_size_execute0_lowered;
	s2 =	sadd.s32 s2, s4;
	[dreg:$0x0] =	wrdreg $0x0  }
0xa8: {  	s4 =	sshll.u32 s28, $0x1;
	[dreg:$0x2] =	wrdreg s2  }
0xa9: {  	[dreg:$0x3] =	wrdreg s4  }
0xaa: {  	[dreg:$0x4] =	wrdreg $0xC0  }
0xab: {  	_ =	task [dreg:s6], $0x5FFFF  }
0xac: {  	[dreg:$0x1] =	wrdreg $0xFFFFFFFF  }
0xad: {  	[dreg:$0x0] =	wrdreg $0x60  }
0xae: {  	[dreg:$0x2] =	wrdreg s24  }
0xaf: {  	[dreg:$0x3] =	wrdreg $0x9  }
0xb0: {  	_ =	task.clear_ibuf [dreg:s6], $0x4FFFF;
	_ =	strace $0x9000004C  }
0xb1: {  	s29 =	simm.s32 $0x9;
	_ =	strace $0x8000004E  }
0xb2: {  	_ =	swait.ge [sflag:s29], $0x1  }
0xb3: {  	[sflag:s29] =	ssyncadd.s32 $0xFFFFFFFF  }
0xb4: {  	_ =	strace $0x9000004E  }
0xb5: {  	_ =	sfence  }
0xb6: {  	s30 =	sld [smem:$0x0];
	_ =	sdelay $0x2  }
0xb7: {  	s31 =	sshll.u32 s1, $0xD;
	s1 =	sshrl.u32 s1, $0x2  }
0xb8: {  	s3 =	sand.u32 $0x4000, s31;
	s1 =	sadd.s32 s1, s30  }
0xb9: {  	s0 =	sor.u32 s3, s0;
	s1 =	sshll.u32 s1, $0x11  }
0xba: {  	s0 =	sor.u32 s1, s0  }
0xbb: {  	s0 =	sadd.s32 $0x8F2B, s0  }
0xbc: {  	[sflag:s0] =	ssyncadd.remote.s32 $0x1  }
0xbd: {  	_ =	sfence.sel $0xFFFF  }
0xbe: {  	[dreg:$0x0] =	wrdreg $0xFFFFFFFF;
	(pc) =	sbr.abs _section_cstart, $3  }
0xbf: {  	[dreg:$0x1] =	wrdreg $0xFFFFFFFF  }
0xc0: {  	_ =	task.clear_ibuf [dreg:s6], $0x2FFFF;
	_ =	strace $0x9FFFFFFF  }
0xc1: {  	(tm) =	ssettm $0x7FFFFFFF  }
tec
execute0_lowered:
.L_overlay_start_1:
0x0: {  	(tag) =	ssettag $0x1  }
0x1: {  	s0 =	rddreg [dreg:$0x0]  }
0x2: {  	s1 =	srdreg.scid;
	s3 =	stileid.u32  }
0x3: {  	s2 =	simm.s32 $0x0;
	s18 =	simm.s32 $0x1;
	s20 =	simm.s32 $0x880  }
0x4: {  	s21 =	simm.s32 $0x1080;
	s22 =	simm.s32 $0x1880;
	s23 =	simm.s32 $0x2080  }
0x5: {  	s24 =	simm.s32 $0x2880;
	s25 =	simm.s32 $0x3080;
	s28 =	simm.s32 $0x4080  }
0x6: {  	s29 =	simm.s32 $0x4880;
	s30 =	simm.s32 $0x5080;
	s31 =	simm.s32 $0x5880  }
0x7: {  	s10 =	simm.s32 $0x7080;
	s11 =	simm.s32 $0x7880;
	s12 =	simm.s32 $0x8080  }
0x8: {  	s13 =	simm.s32 $0x8880;
	s14 =	simm.s32 $0x9080;
	s15 =	simm.s32 $0x9880  }
0x9: {  	s16 =	simm.s32 $0xA080;
	s17 =	simm.s32 $0xA880;
	s1 =	sand.u32 $0x1, s1  }
0xa: {  	s3 =	sshll.u32 s3, $0x8;
	[smem:$0x7FF] =	sst s2;
	s4 =	sshll.u32 s1, $0x7  }
0xb: {  	s9 =	simm.s32 $0xB080;
	_ =	strace $0x8000004D;
	s4 =	sor.u32 s4, s3  }
0xc: {  	s1 =	ssub.s32 $0x2, s1;
	s3 =	sadd.s32 $0x102E00, s0;
	s5 =	sshrl.u32 s4, $0x3  }
0xd: {  	s6 =	sshrl.u32 s1, $0x1;
	s4 =	sshll.u32 s4, $0x7;
	s5 =	sadd.s32 s5, s0  }
0xe: {  	s1 =	ssub.s32 s1, s6;
	s7 =	sadd.s32 s4, s0;
	s5 =	sadd.s32 $0x2800, s5  }
0xf: {  	s6 =	sadd.s32 $0x103100, s0;
	s8 =	sadd.s32 $0x2A00, s7;
	[dreg:$0x2] =	wrdreg s5  }
0x10: {  	v2 =	vlaneseq.u32;
	s4 =	sadd.s32 $0x102F00, s0;
	s26 =	sadd.s32 $0x4A00, s7;
	[dreg:$0x3] =	wrdreg s8  }
0x11: {  	vm0 =	vmmov $0xffff;
	v1 =	vshrl.u32 v2, $0x3;
	s7 =	smax.u32 s1, $0x1;
	s5 =	sadd.s32 $0x103000, s0;
	[dreg:$0x4] =	wrdreg s26  }
0x12: {  	v0 =	vand.u32 $0x7, v2;
	v2 =	vor.u32 $0x8, v2;
	v1 =	vmul.u32 $0x8, v1;
	s8 =	simm.s32 $0x2;
	s0 =	simm.s32 $0x80;
	s26 =	simm.s32 $0x3880  }
.LBB2_1:
0x13: {  	s19 =	rddreg [dreg:$0x2]  }
0x14: {  	[tilespmem:s2], [sflag:$0x2] =	stream.linear.gather [hbm4b:s19+s2], $0x80, $0x38;
	[tilespmem:$0x10080] =	vst v63  }
0x15: {  	_ =	swait.ge [sflag:s8], $0x80  }
0x16: {  	[sflag:s8] =	ssyncset.done $0x0  }
0x17: {  	[sflag:s8] =	ssyncadd.s32 $0xFFFFFF80  }
0x18: {  	v3 =	vld [tilespmem:$0x0];
	_ =	sdelay $0x4  }
0x19: {  	v4 =	vshll.u32 v3, $0x3  }
0x1a: {  	v3 =	vand.u32 $0x7, v3;
	v4 =	vand.u32 $0xFFFFFFC0, v4  }
0x1b: {  	v3 =	vor.u32 v3, v4  }
0x1c: {  	v4 =	vperm.xlane v3, v0;
	_ =	sdelay $0x1  }
0x1d: {  	v4 =	vadd.s32 v1, v4;
	_ =	sdelay $0x4  }
0x1e: {  	[tilespmem:s0], [sflag:$0x1] =	stream.indirect_vreg.gather [hbm4b:s3+s2], $0x80, v4, vm0, $0xb8;
	[tilespmem:$0x10080] =	vst v63  }
0x1f: {  	v3 =	vperm.xlane v3, v2  }
0x20: {  	[tilespmem:s20], [sflag:$0x1] =	stream.indirect_vreg.gather [hbm4b:s4+s2], $0x80, v4, vm0, $0xb8;
	[tilespmem:$0x10080] =	vst v63  }
0x21: {  	v3 =	vadd.s32 v1, v3  }
0x22: {  	[tilespmem:s21], [sflag:$0x1] =	stream.indirect_vreg.gather [hbm4b:s5+s2], $0x80, v4, vm0, $0xb8;
	[tilespmem:$0x10080] =	vst v63  }
0x23: {  	_ = 	snop  }
0x24: {  	[tilespmem:s22], [sflag:$0x1] =	stream.indirect_vreg.gather [hbm4b:s6+s2], $0x80, v4, vm0, $0xb8;
	[tilespmem:$0x10080] =	vst v63  }
0x25: {  	_ = 	snop  }
0x26: {  	[tilespmem:s23], [sflag:$0x1] =	stream.indirect_vreg.gather [hbm4b:s3+s2], $0x80, v3, vm0, $0xb8;
	[tilespmem:$0x10080] =	vst v63  }
0x27: {  	_ = 	snop  }
0x28: {  	[tilespmem:s24], [sflag:$0x1] =	stream.indirect_vreg.gather [hbm4b:s4+s2], $0x80, v3, vm0, $0xb8;
	[tilespmem:$0x10080] =	vst v63  }
0x29: {  	_ = 	snop  }
0x2a: {  	[tilespmem:s25], [sflag:$0x1] =	stream.indirect_vreg.gather [hbm4b:s5+s2], $0x80, v3, vm0, $0xb8;
	[tilespmem:$0x10080] =	vst v63  }
0x2b: {  	_ = 	snop  }
0x2c: {  	[tilespmem:s26], [sflag:$0x1] =	stream.indirect_vreg.gather [hbm4b:s6+s2], $0x80, v3, vm0, $0xb8;
	[tilespmem:$0x10080] =	vst v63  }
0x2d: {  	v3 =	vld [tilespmem:$0x10];
	_ =	sdelay $0x4  }
0x2e: {  	v57 =	vshll.u32 v3, $0x3  }
0x2f: {  	v3 =	vand.u32 $0x7, v3;
	v4 =	vand.u32 $0xFFFFFFC0, v57  }
0x30: {  	v3 =	vor.u32 v3, v4  }
0x31: {  	v4 =	vperm.xlane v3, v0;
	_ =	sdelay $0x1  }
0x32: {  	v4 =	vadd.s32 v1, v4;
	_ =	sdelay $0x4  }
0x33: {  	[tilespmem:s28], [sflag:$0x1] =	stream.indirect_vreg.gather [hbm4b:s3+s2], $0x80, v4, vm0, $0xb8;
	[tilespmem:$0x10080] =	vst v63  }
0x34: {  	v3 =	vperm.xlane v3, v2  }
0x35: {  	[tilespmem:s29], [sflag:$0x1] =	stream.indirect_vreg.gather [hbm4b:s4+s2], $0x80, v4, vm0, $0xb8;
	[tilespmem:$0x10080] =	vst v63  }
0x36: {  	v3 =	vadd.s32 v1, v3  }
0x37: {  	[tilespmem:s30], [sflag:$0x1] =	stream.indirect_vreg.gather [hbm4b:s5+s2], $0x80, v4, vm0, $0xb8;
	[tilespmem:$0x10080] =	vst v63  }
0x38: {  	_ = 	snop  }
0x39: {  	[tilespmem:s31], [sflag:$0x1] =	stream.indirect_vreg.gather [hbm4b:s6+s2], $0x80, v4, vm0, $0xb8;
	[tilespmem:$0x10080] =	vst v63  }
0x3a: {  	s1 =	simm.s32 $0x6080  }
0x3b: {  	[tilespmem:s1], [sflag:$0x1] =	stream.indirect_vreg.gather [hbm4b:s3+s2], $0x80, v3, vm0, $0xb8;
	[tilespmem:$0x10080] =	vst v63  }
0x3c: {  	s1 =	simm.s32 $0x6880  }
0x3d: {  	[tilespmem:s1], [sflag:$0x1] =	stream.indirect_vreg.gather [hbm4b:s4+s2], $0x80, v3, vm0, $0xb8;
	[tilespmem:$0x10080] =	vst v63  }
0x3e: {  	_ = 	snop  }
0x3f: {  	[tilespmem:s10], [sflag:$0x1] =	stream.indirect_vreg.gather [hbm4b:s5+s2], $0x80, v3, vm0, $0xb8;
	[tilespmem:$0x10080] =	vst v63  }
0x40: {  	_ = 	snop  }
0x41: {  	[tilespmem:s11], [sflag:$0x1] =	stream.indirect_vreg.gather [hbm4b:s6+s2], $0x80, v3, vm0, $0xb8;
	[tilespmem:$0x10080] =	vst v63  }
0x42: {  	v3 =	vld [tilespmem:$0x20];
	_ =	sdelay $0x4  }
0x43: {  	v58 =	vshll.u32 v3, $0x3  }
0x44: {  	v3 =	vand.u32 $0x7, v3;
	v4 =	vand.u32 $0xFFFFFFC0, v58  }
0x45: {  	v3 =	vor.u32 v3, v4  }
0x46: {  	v4 =	vperm.xlane v3, v0;
	_ =	sdelay $0x1  }
0x47: {  	v4 =	vadd.s32 v1, v4;
	_ =	sdelay $0x4  }
0x48: {  	[tilespmem:s12], [sflag:$0x1] =	stream.indirect_vreg.gather [hbm4b:s3+s2], $0x80, v4, vm0, $0xb8;
	[tilespmem:$0x10080] =	vst v63  }
0x49: {  	v3 =	vperm.xlane v3, v2  }
0x4a: {  	[tilespmem:s13], [sflag:$0x1] =	stream.indirect_vreg.gather [hbm4b:s4+s2], $0x80, v4, vm0, $0xb8;
	[tilespmem:$0x10080] =	vst v63  }
0x4b: {  	v3 =	vadd.s32 v1, v3  }
0x4c: {  	[tilespmem:s14], [sflag:$0x1] =	stream.indirect_vreg.gather [hbm4b:s5+s2], $0x80, v4, vm0, $0xb8;
	[tilespmem:$0x10080] =	vst v63  }
0x4d: {  	_ = 	snop  }
0x4e: {  	[tilespmem:s15], [sflag:$0x1] =	stream.indirect_vreg.gather [hbm4b:s6+s2], $0x80, v4, vm0, $0xb8;
	[tilespmem:$0x10080] =	vst v63  }
0x4f: {  	_ = 	snop  }
0x50: {  	[tilespmem:s16], [sflag:$0x1] =	stream.indirect_vreg.gather [hbm4b:s3+s2], $0x80, v3, vm0, $0xb8;
	[tilespmem:$0x10080] =	vst v63  }
0x51: {  	_ = 	snop  }
0x52: {  	[tilespmem:s17], [sflag:$0x1] =	stream.indirect_vreg.gather [hbm4b:s4+s2], $0x80, v3, vm0, $0xb8;
	[tilespmem:$0x10080] =	vst v63  }
0x53: {  	_ = 	snop  }
0x54: {  	[tilespmem:s9], [sflag:$0x1] =	stream.indirect_vreg.gather [hbm4b:s5+s2], $0x80, v3, vm0, $0xb8;
	[tilespmem:$0x10080] =	vst v63  }
0x55: {  	s19 =	simm.s32 $0xB880  }
0x56: {  	[tilespmem:s19], [sflag:$0x1] =	stream.indirect_vreg.gather [hbm4b:s6+s2], $0x80, v3, vm0, $0xb8;
	[tilespmem:$0x10080] =	vst v63  }
0x57: {  	v3 =	vld [tilespmem:$0x30];
	_ =	sdelay $0x4  }
0x58: {  	v59 =	vshll.u32 v3, $0x3  }
0x59: {  	v3 =	vand.u32 $0x7, v3;
	v4 =	vand.u32 $0xFFFFFFC0, v59  }
0x5a: {  	v3 =	vor.u32 v3, v4  }
0x5b: {  	v4 =	vperm.xlane v3, v0;
	_ =	sdelay $0x1  }
0x5c: {  	v4 =	vadd.s32 v1, v4;
	_ =	sdelay $0x3  }
0x5d: {  	s19 =	simm.s32 $0xC080  }
0x5e: {  	[tilespmem:s19], [sflag:$0x1] =	stream.indirect_vreg.gather [hbm4b:s3+s2], $0x80, v4, vm0, $0xb8;
	[tilespmem:$0x10080] =	vst v63  }
0x5f: {  	v3 =	vperm.xlane v3, v2;
	s19 =	simm.s32 $0xC880  }
0x60: {  	[tilespmem:s19], [sflag:$0x1] =	stream.indirect_vreg.gather [hbm4b:s4+s2], $0x80, v4, vm0, $0xb8;
	[tilespmem:$0x10080] =	vst v63  }
0x61: {  	v3 =	vadd.s32 v1, v3;
	s19 =	simm.s32 $0xD080  }
0x62: {  	[tilespmem:s19], [sflag:$0x1] =	stream.indirect_vreg.gather [hbm4b:s5+s2], $0x80, v4, vm0, $0xb8;
	[tilespmem:$0x10080] =	vst v63  }
0x63: {  	s19 =	simm.s32 $0xD880  }
0x64: {  	[tilespmem:s19], [sflag:$0x1] =	stream.indirect_vreg.gather [hbm4b:s6+s2], $0x80, v4, vm0, $0xb8;
	[tilespmem:$0x10080] =	vst v63  }
0x65: {  	s19 =	simm.s32 $0xE080  }
0x66: {  	[tilespmem:s19], [sflag:$0x1] =	stream.indirect_vreg.gather [hbm4b:s3+s2], $0x80, v3, vm0, $0xb8;
	[tilespmem:$0x10080] =	vst v63  }
0x67: {  	s19 =	simm.s32 $0xE880  }
0x68: {  	[tilespmem:s19], [sflag:$0x1] =	stream.indirect_vreg.gather [hbm4b:s4+s2], $0x80, v3, vm0, $0xb8;
	[tilespmem:$0x10080] =	vst v63  }
0x69: {  	s19 =	simm.s32 $0xF080  }
0x6a: {  	[tilespmem:s19], [sflag:$0x1] =	stream.indirect_vreg.gather [hbm4b:s5+s2], $0x80, v3, vm0, $0xb8;
	[tilespmem:$0x10080] =	vst v63  }
0x6b: {  	s19 =	simm.s32 $0xF880  }
0x6c: {  	[tilespmem:s19], [sflag:$0x1] =	stream.indirect_vreg.gather [hbm4b:s6+s2], $0x80, v3, vm0, $0xb8;
	[tilespmem:$0x10080] =	vst v63  }
0x6d: {  	_ =	swait.ge [sflag:s18], $0x10000  }
0x6e: {  	[sflag:s18] =	ssyncset.done $0x0  }
0x6f: {  	s19 =	rddreg [dreg:$0x3];
	[sflag:s18] =	ssyncadd.s32 $0xFFFF0000  }
0x70: {  	[hbm4b:s19+s2] =	stream.linear.scatter [tilespmem:s0], [sflag:$0x2], $0x10000, $0x38;
	[tilespmem:$0x10080] =	vst v63  }
0x71: {  	_ =	swait.ge [sflag:s8], $0x10000  }
0x72: {  	[sflag:s8] =	ssyncset.done $0x0  }
0x73: {  	[sflag:s8] =	ssyncadd.s32 $0xFFFF0000  }
0x74: {  	v3 =	vld [tilespmem:$0x40];
	_ =	sdelay $0x4  }
0x75: {  	v60 =	vshll.u32 v3, $0x3  }
0x76: {  	v3 =	vand.u32 $0x7, v3;
	v4 =	vand.u32 $0xFFFFFFC0, v60  }
0x77: {  	v3 =	vor.u32 v3, v4  }
0x78: {  	v4 =	vperm.xlane v3, v0;
	_ =	sdelay $0x1  }
0x79: {  	v4 =	vadd.s32 v1, v4;
	_ =	sdelay $0x4  }
0x7a: {  	[tilespmem:s0], [sflag:$0x1] =	stream.indirect_vreg.gather [hbm4b:s3+s2], $0x80, v4, vm0, $0xb8;
	[tilespmem:$0x10080] =	vst v63  }
0x7b: {  	v3 =	vperm.xlane v3, v2  }
0x7c: {  	[tilespmem:s20], [sflag:$0x1] =	stream.indirect_vreg.gather [hbm4b:s4+s2], $0x80, v4, vm0, $0xb8;
	[tilespmem:$0x10080] =	vst v63  }
0x7d: {  	v3 =	vadd.s32 v1, v3  }
0x7e: {  	[tilespmem:s21], [sflag:$0x1] =	stream.indirect_vreg.gather [hbm4b:s5+s2], $0x80, v4, vm0, $0xb8;
	[tilespmem:$0x10080] =	vst v63  }
0x7f: {  	_ = 	snop  }
0x80: {  	[tilespmem:s22], [sflag:$0x1] =	stream.indirect_vreg.gather [hbm4b:s6+s2], $0x80, v4, vm0, $0xb8;
	[tilespmem:$0x10080] =	vst v63  }
0x81: {  	_ = 	snop  }
0x82: {  	[tilespmem:s23], [sflag:$0x1] =	stream.indirect_vreg.gather [hbm4b:s3+s2], $0x80, v3, vm0, $0xb8;
	[tilespmem:$0x10080] =	vst v63  }
0x83: {  	_ = 	snop  }
0x84: {  	[tilespmem:s24], [sflag:$0x1] =	stream.indirect_vreg.gather [hbm4b:s4+s2], $0x80, v3, vm0, $0xb8;
	[tilespmem:$0x10080] =	vst v63  }
0x85: {  	_ = 	snop  }
0x86: {  	[tilespmem:s25], [sflag:$0x1] =	stream.indirect_vreg.gather [hbm4b:s5+s2], $0x80, v3, vm0, $0xb8;
	[tilespmem:$0x10080] =	vst v63  }
0x87: {  	_ = 	snop  }
0x88: {  	[tilespmem:s26], [sflag:$0x1] =	stream.indirect_vreg.gather [hbm4b:s6+s2], $0x80, v3, vm0, $0xb8;
	[tilespmem:$0x10080] =	vst v63  }
0x89: {  	v3 =	vld [tilespmem:$0x50];
	_ =	sdelay $0x4  }
0x8a: {  	v61 =	vshll.u32 v3, $0x3  }
0x8b: {  	v3 =	vand.u32 $0x7, v3;
	v4 =	vand.u32 $0xFFFFFFC0, v61  }
0x8c: {  	v3 =	vor.u32 v3, v4  }
0x8d: {  	v4 =	vperm.xlane v3, v0;
	_ =	sdelay $0x1  }
0x8e: {  	v4 =	vadd.s32 v1, v4;
	_ =	sdelay $0x4  }
0x8f: {  	[tilespmem:s28], [sflag:$0x1] =	stream.indirect_vreg.gather [hbm4b:s3+s2], $0x80, v4, vm0, $0xb8;
	[tilespmem:$0x10080] =	vst v63  }
0x90: {  	v3 =	vperm.xlane v3, v2  }
0x91: {  	[tilespmem:s29], [sflag:$0x1] =	stream.indirect_vreg.gather [hbm4b:s4+s2], $0x80, v4, vm0, $0xb8;
	[tilespmem:$0x10080] =	vst v63  }
0x92: {  	v3 =	vadd.s32 v1, v3  }
0x93: {  	[tilespmem:s30], [sflag:$0x1] =	stream.indirect_vreg.gather [hbm4b:s5+s2], $0x80, v4, vm0, $0xb8;
	[tilespmem:$0x10080] =	vst v63  }
0x94: {  	_ = 	snop  }
0x95: {  	[tilespmem:s31], [sflag:$0x1] =	stream.indirect_vreg.gather [hbm4b:s6+s2], $0x80, v4, vm0, $0xb8;
	[tilespmem:$0x10080] =	vst v63  }
0x96: {  	s19 =	simm.s32 $0x6080  }
0x97: {  	[tilespmem:s19], [sflag:$0x1] =	stream.indirect_vreg.gather [hbm4b:s3+s2], $0x80, v3, vm0, $0xb8;
	[tilespmem:$0x10080] =	vst v63  }
0x98: {  	_ = 	snop  }
0x99: {  	[tilespmem:s1], [sflag:$0x1] =	stream.indirect_vreg.gather [hbm4b:s4+s2], $0x80, v3, vm0, $0xb8;
	[tilespmem:$0x10080] =	vst v63  }
0x9a: {  	_ = 	snop  }
0x9b: {  	[tilespmem:s10], [sflag:$0x1] =	stream.indirect_vreg.gather [hbm4b:s5+s2], $0x80, v3, vm0, $0xb8;
	[tilespmem:$0x10080] =	vst v63  }
0x9c: {  	_ = 	snop  }
0x9d: {  	[tilespmem:s11], [sflag:$0x1] =	stream.indirect_vreg.gather [hbm4b:s6+s2], $0x80, v3, vm0, $0xb8;
	[tilespmem:$0x10080] =	vst v63  }
0x9e: {  	v3 =	vld [tilespmem:$0x60];
	_ =	sdelay $0x4  }
0x9f: {  	v62 =	vshll.u32 v3, $0x3  }
0xa0: {  	v3 =	vand.u32 $0x7, v3;
	v4 =	vand.u32 $0xFFFFFFC0, v62  }
0xa1: {  	v3 =	vor.u32 v3, v4  }
0xa2: {  	v4 =	vperm.xlane v3, v0;
	_ =	sdelay $0x1  }
0xa3: {  	v4 =	vadd.s32 v1, v4;
	_ =	sdelay $0x4  }
0xa4: {  	[tilespmem:s12], [sflag:$0x1] =	stream.indirect_vreg.gather [hbm4b:s3+s2], $0x80, v4, vm0, $0xb8;
	[tilespmem:$0x10080] =	vst v63  }
0xa5: {  	v3 =	vperm.xlane v3, v2  }
0xa6: {  	[tilespmem:s13], [sflag:$0x1] =	stream.indirect_vreg.gather [hbm4b:s4+s2], $0x80, v4, vm0, $0xb8;
	[tilespmem:$0x10080] =	vst v63  }
0xa7: {  	v3 =	vadd.s32 v1, v3  }
0xa8: {  	[tilespmem:s14], [sflag:$0x1] =	stream.indirect_vreg.gather [hbm4b:s5+s2], $0x80, v4, vm0, $0xb8;
	[tilespmem:$0x10080] =	vst v63  }
0xa9: {  	_ = 	snop  }
0xaa: {  	[tilespmem:s15], [sflag:$0x1] =	stream.indirect_vreg.gather [hbm4b:s6+s2], $0x80, v4, vm0, $0xb8;
	[tilespmem:$0x10080] =	vst v63  }
0xab: {  	_ = 	snop  }
0xac: {  	[tilespmem:s16], [sflag:$0x1] =	stream.indirect_vreg.gather [hbm4b:s3+s2], $0x80, v3, vm0, $0xb8;
	[tilespmem:$0x10080] =	vst v63  }
0xad: {  	_ = 	snop  }
0xae: {  	[tilespmem:s17], [sflag:$0x1] =	stream.indirect_vreg.gather [hbm4b:s4+s2], $0x80, v3, vm0, $0xb8;
	[tilespmem:$0x10080] =	vst v63  }
0xaf: {  	_ = 	snop  }
0xb0: {  	[tilespmem:s9], [sflag:$0x1] =	stream.indirect_vreg.gather [hbm4b:s5+s2], $0x80, v3, vm0, $0xb8;
	[tilespmem:$0x10080] =	vst v63  }
0xb1: {  	s19 =	simm.s32 $0xB880  }
0xb2: {  	[tilespmem:s19], [sflag:$0x1] =	stream.indirect_vreg.gather [hbm4b:s6+s2], $0x80, v3, vm0, $0xb8;
	[tilespmem:$0x10080] =	vst v63  }
0xb3: {  	v3 =	vld [tilespmem:$0x70];
	_ =	sdelay $0x4  }
0xb4: {  	v63 =	vshll.u32 v3, $0x3  }
0xb5: {  	v3 =	vand.u32 $0x7, v3;
	v4 =	vand.u32 $0xFFFFFFC0, v63  }
0xb6: {  	v3 =	vor.u32 v3, v4  }
0xb7: {  	v4 =	vperm.xlane v3, v0;
	_ =	sdelay $0x1  }
0xb8: {  	v4 =	vadd.s32 v1, v4;
	_ =	sdelay $0x3  }
0xb9: {  	s19 =	simm.s32 $0xC080  }
0xba: {  	[tilespmem:s19], [sflag:$0x1] =	stream.indirect_vreg.gather [hbm4b:s3+s2], $0x80, v4, vm0, $0xb8;
	[tilespmem:$0x10080] =	vst v63  }
0xbb: {  	v3 =	vperm.xlane v3, v2;
	s19 =	simm.s32 $0xC880  }
0xbc: {  	[tilespmem:s19], [sflag:$0x1] =	stream.indirect_vreg.gather [hbm4b:s4+s2], $0x80, v4, vm0, $0xb8;
	[tilespmem:$0x10080] =	vst v63  }
0xbd: {  	v3 =	vadd.s32 v1, v3;
	s19 =	simm.s32 $0xD080  }
0xbe: {  	[tilespmem:s19], [sflag:$0x1] =	stream.indirect_vreg.gather [hbm4b:s5+s2], $0x80, v4, vm0, $0xb8;
	[tilespmem:$0x10080] =	vst v63  }
0xbf: {  	s19 =	simm.s32 $0xD880  }
0xc0: {  	[tilespmem:s19], [sflag:$0x1] =	stream.indirect_vreg.gather [hbm4b:s6+s2], $0x80, v4, vm0, $0xb8;
	[tilespmem:$0x10080] =	vst v63  }
0xc1: {  	s19 =	simm.s32 $0xE080  }
0xc2: {  	[tilespmem:s19], [sflag:$0x1] =	stream.indirect_vreg.gather [hbm4b:s3+s2], $0x80, v3, vm0, $0xb8;
	[tilespmem:$0x10080] =	vst v63  }
0xc3: {  	s19 =	simm.s32 $0xE880  }
0xc4: {  	[tilespmem:s19], [sflag:$0x1] =	stream.indirect_vreg.gather [hbm4b:s4+s2], $0x80, v3, vm0, $0xb8;
	[tilespmem:$0x10080] =	vst v63  }
0xc5: {  	s19 =	simm.s32 $0xF080  }
0xc6: {  	[tilespmem:s19], [sflag:$0x1] =	stream.indirect_vreg.gather [hbm4b:s5+s2], $0x80, v3, vm0, $0xb8;
	[tilespmem:$0x10080] =	vst v63  }
0xc7: {  	s19 =	simm.s32 $0xF880  }
0xc8: {  	[tilespmem:s19], [sflag:$0x1] =	stream.indirect_vreg.gather [hbm4b:s6+s2], $0x80, v3, vm0, $0xb8;
	[tilespmem:$0x10080] =	vst v63  }
0xc9: {  	_ =	swait.ge [sflag:s18], $0x10000  }
0xca: {  	p0 =	sne.s32 s7, $0x1;
	[sflag:s18] =	ssyncset.done $0x0  }
.Ltmp0:
0xcb: {  	s1 =	rddreg [dreg:$0x4];
	[sflag:s18] =	ssyncadd.s32 $0xFFFF0000;
	(pc) =	sbr.rel @p0 .LBB2_1-.Ltmp0, $4  }
0xcc: {  	[hbm4b:s1+s2] =	stream.linear.scatter [tilespmem:s0], [sflag:$0x2], $0x10000, $0x38;
	[tilespmem:$0x10080] =	vst v63  }
0xcd: {  	_ =	swait.ge [sflag:s8], $0x10000  }
0xce: {  	[sflag:s8] =	ssyncset.done $0x0  }
0xcf: {  	s7 =	sadd.s32 $0xFFFFFFFF, s7;
	[sflag:s8] =	ssyncadd.s32 $0xFFFF0000  }
0xd0: {  	_ =	sfence.sel $0x180000  }
0xd1: {  	[bflag:$0x0] =	sbarrier.arrive $0xFFFF  }
0xd2: {  	_ =	strace $0x9000004D  }
0xd3: {  	s0 =	stileid.u32;
	[bflag:$0x2] =	sbarrier.arrive $0xFFFF  }
0xd4: {  	p0 =	sne.s32 s0, $0x0;
	s0 =	rddreg [dreg:$0x1]  }
0xd5: {  	s0 =	sadd.s32 @!p0 $0x100000, s0  }
0xd6: {  	[sflag:s0] =	ssyncadd.tile.s32 @!p0 $0x1;
	_ =	shalt  }
.Lfunc_end2:
_tile_overlayer_lowered:
.L_overlay_start_2:
0xd7: {  	(tag) =	ssettag $0x2  }
0xd8: {  	s0 =	rddreg [dreg:$0x0];
	s2 =	stileid.u32  }
0xd9: {  	s1 =	rddreg [dreg:$0x1];
	p0 =	sne.s32 s2, $0x0  }
0xda: {  	s3 =	rddreg [dreg:$0x2];
	[bflag:$0x3] =	sbarrier.arrive $0xFFFF;
	s2 =	simm.s32 @!p0 $0x1C02  }
0xdb: {  	[timem:s3], [sflag:s2] =	dma.local @!p0 [hbm:s0], s1  }
0xdc: {  	s0 =	simm.s32 @!p0 $0x2  }
0xdd: {  	_ =	swait.ge @!p0 [sflag:s0], s1  }
0xde: {  	s1 =	ssub.s32 @!p0 $0x0, s1;
	[sflag:s0] =	ssyncset.done @!p0 $0x0  }
0xdf: {  	[sflag:s0] =	ssyncadd.s32 @!p0 s1  }
0xe0: {  	[bflag:$0x3] =	sbarrier.arrive $0xFFFF  }
0xe1: {  	_ =	shalt  }

</sc_bundles>
